<compile_context>
chip_gen: v7x
topology: tpu7x:2x2x1
jax: 0.10.2.dev20260603
libtpu: 0.0.44.dev20260713+nightly
codegen_flags: <defaults>
</compile_context>

<pallas_src>
import functools

import jax
import jax.numpy as jnp
from jax import lax
from jax.experimental import pallas as pl
from jax.experimental.pallas import tpu as pltpu
from jax.experimental.pallas import tpu_sc as plsc

N = 10000
E = 320000
D_IN = 128
D_HID = 128
D_OUT = 32

NC = 2
NS = 16
NW = NC * NS
EPW = E // NW
CHUNK = 40
NCHUNK = EPW // CHUNK
CHUNK_L = 80
NCHUNK_L = EPW // CHUNK_L
K = 5
NROUND = NCHUNK // K
NROUND_L = NCHUNK_L // K
NP = 10112
RPT = NP // NS
DEG_W = 8

_mesh = plsc.VectorSubcoreMesh(core_axis_name="c", subcore_axis_name="s")
_sc_params = pltpu.CompilerParams(use_tc_tiling_on_sc=False)


@functools.partial(
    pl.kernel,
    mesh=_mesh,
    compiler_params=_sc_params,
    out_type=jax.ShapeDtypeStruct((2 * NP, 2 * DEG_W), jnp.float32),
    scratch_types=[
        pltpu.VMEM((NCHUNK_L, CHUNK_L), jnp.int32),
        pltpu.VMEM((NCHUNK_L, CHUNK_L), jnp.int32),
        pltpu.VMEM((CHUNK_L, 2 * DEG_W), jnp.float32),
        pltpu.VMEM((CHUNK_L, 2 * DEG_W), jnp.float32),
        pltpu.VMEM_SHARED((NP, 2 * DEG_W), jnp.float32),
    ] + [pltpu.SemaphoreType.DMA] * (2 * K),
)
def _deg_kernel(src_hbm, dst_hbm, ones_src_hbm, ones_dst_hbm, zeros_hbm,
                out_hbm, srcv, dstv, ones_s, ones_d, acc_deg, *sems):
    asem = sems[:K]
    bsem = sems[K:2 * K]
    c = lax.axis_index("c")
    s = lax.axis_index("s")
    wid = s * NC + c
    r0 = s * RPT
    pltpu.sync_copy(ones_src_hbm, ones_s)
    pltpu.sync_copy(ones_dst_hbm, ones_d)
    pltpu.sync_copy(src_hbm.at[wid], srcv)
    pltpu.sync_copy(dst_hbm.at[wid], dstv)
    pltpu.sync_copy(zeros_hbm.at[pl.ds(r0, RPT)], acc_deg.at[pl.ds(r0, RPT)])
    plsc.subcore_barrier()

    for b in range(K):
        pltpu.async_copy(ones_s, acc_deg.at[srcv.at[b]], asem[b], add=True)
        pltpu.async_copy(ones_d, acc_deg.at[dstv.at[b]], bsem[b], add=True)

    def body(i, carry):
        for b in range(K):
            pltpu.make_async_copy(ones_s, acc_deg.at[srcv.at[0]],
                                  asem[b]).wait()
            pltpu.make_async_copy(ones_d, acc_deg.at[dstv.at[0]],
                                  bsem[b]).wait()

        @pl.when(i + 1 < NROUND_L)
        def _():
            for b in range(K):
                j = (i + 1) * K + b
                pltpu.async_copy(ones_s, acc_deg.at[srcv.at[j]], asem[b],
                                 add=True)
                pltpu.async_copy(ones_d, acc_deg.at[dstv.at[j]], bsem[b],
                                 add=True)

        return carry

    lax.fori_loop(0, NROUND_L, body, 0)
    plsc.subcore_barrier()
    pltpu.sync_copy(acc_deg.at[pl.ds(r0, RPT)],
                    out_hbm.at[pl.ds(c * NP + r0, RPT)])


def _make_agg(D, chunk, k):
    nchunk = EPW // chunk
    nround = nchunk // k

    @functools.partial(
        pl.kernel,
        mesh=_mesh,
        compiler_params=_sc_params,
        out_type=jax.ShapeDtypeStruct((2 * NP, D), jnp.float32),
        scratch_types=[
            pltpu.VMEM((nchunk, chunk), jnp.int32),
            pltpu.VMEM((nchunk, chunk), jnp.int32),
            pltpu.VMEM_SHARED((NP, D), jnp.float32),
        ] + [pltpu.VMEM((chunk, D), jnp.float32)] * k
          + [pltpu.SemaphoreType.DMA] * (2 * k),
    )
    def agg(h_hbm, src_hbm, dst_hbm, zeros_hbm, out_hbm,
            srcv, dstv, acc_sh, *rest):
        rows = rest[:k]
        gsem = rest[k:2 * k]
        ssem = rest[2 * k:3 * k]
        c = lax.axis_index("c")
        s = lax.axis_index("s")
        wid = s * NC + c
        r0 = s * RPT
        pltpu.sync_copy(src_hbm.at[wid], srcv)
        pltpu.sync_copy(dst_hbm.at[wid], dstv)
        for b in range(k):
            pltpu.async_copy(h_hbm.at[srcv.at[b]], rows[b], gsem[b])
        pltpu.sync_copy(zeros_hbm.at[pl.ds(r0, RPT)], acc_sh.at[pl.ds(r0, RPT)])
        plsc.subcore_barrier()

        ngrp = 2 if k % 2 == 0 else 1
        half = k // ngrp

        def body(i, carry):
            for g in range(ngrp):
                grp = range(g * half, (g + 1) * half)
                for b in grp:
                    pltpu.make_async_copy(h_hbm.at[srcv.at[0]], rows[b],
                                          gsem[b]).wait()
                    pltpu.async_copy(rows[b], acc_sh.at[dstv.at[i * k + b]],
                                     ssem[b], add=True)

                @pl.when(i + 1 < nround)
                def _(grp=grp):
                    for b in grp:
                        pltpu.make_async_copy(rows[b], acc_sh.at[dstv.at[0]],
                                              ssem[b]).wait()
                        pltpu.async_copy(h_hbm.at[srcv.at[(i + 1) * k + b]],
                                         rows[b], gsem[b])

            return carry

        lax.fori_loop(0, nround, body, 0)
        for b in range(k):
            pltpu.make_async_copy(rows[b], acc_sh.at[dstv.at[0]],
                                  ssem[b]).wait()
        plsc.subcore_barrier()
        pltpu.sync_copy(acc_sh.at[pl.ds(r0, RPT)],
                        out_hbm.at[pl.ds(c * NP + r0, RPT)])

    return agg


_agg128 = _make_agg(D_HID, CHUNK, K)
_agg32 = _make_agg(D_OUT, CHUNK, 2 * K)


def _dot(a, b):
    return jnp.dot(a, b, precision=lax.Precision.HIGHEST,
                   preferred_element_type=jnp.float32)


BN = 2000


def _norm_mm_body(d_ref, x_ref, w_ref, h_ref, ns_ref, nd_ref):
    dsum = d_ref[0] + d_ref[1]
    od = jnp.sum(dsum[:, :DEG_W], axis=-1) * (1.0 / DEG_W)
    idg = jnp.sum(dsum[:, DEG_W:], axis=-1) * (1.0 / DEG_W)
    ns = jnp.where(od > 0.5, lax.rsqrt(jnp.maximum(od, 1e-12)), 0.0)
    nd = jnp.where(idg > 0.5, lax.rsqrt(jnp.maximum(idg, 1e-12)), 0.0)
    h_ref[...] = _dot(x_ref[...] * ns[:, None], w_ref[...])
    ns_ref[...] = ns[:, None]
    nd_ref[...] = nd[:, None]


_norm_mm = pl.pallas_call(
    _norm_mm_body,
    grid=(N // BN,),
    in_specs=[
        pl.BlockSpec((2, BN, 2 * DEG_W), lambda i: (0, i, 0)),
        pl.BlockSpec((BN, D_IN), lambda i: (i, 0)),
        pl.BlockSpec((D_IN, D_HID), lambda i: (0, 0)),
    ],
    out_specs=[
        pl.BlockSpec((BN, D_HID), lambda i: (i, 0)),
        pl.BlockSpec((BN, 1), lambda i: (i, 0)),
        pl.BlockSpec((BN, 1), lambda i: (i, 0)),
    ],
    out_shape=[
        jax.ShapeDtypeStruct((N, D_HID), jnp.float32),
        jax.ShapeDtypeStruct((N, 1), jnp.float32),
        jax.ShapeDtypeStruct((N, 1), jnp.float32),
    ],
)


def _mid_body(p_ref, w_ref, b_ref, nd_ref, ns_ref, o_ref):
    agg = p_ref[0] + p_ref[1]
    h = jnp.maximum(agg * nd_ref[...] + b_ref[...], 0.0)
    o_ref[...] = _dot(h, w_ref[...]) * ns_ref[...]


_mid = pl.pallas_call(
    _mid_body,
    grid=(N // BN,),
    in_specs=[
        pl.BlockSpec((2, BN, D_HID), lambda i: (0, i, 0)),
        pl.BlockSpec((D_HID, D_OUT), lambda i: (0, 0)),
        pl.BlockSpec((1, D_HID), lambda i: (0, 0)),
        pl.BlockSpec((BN, 1), lambda i: (i, 0)),
        pl.BlockSpec((BN, 1), lambda i: (i, 0)),
    ],
    out_specs=pl.BlockSpec((BN, D_OUT), lambda i: (i, 0)),
    out_shape=jax.ShapeDtypeStruct((N, D_OUT), jnp.float32),
)


def _final_body(p_ref, b_ref, nd_ref, o_ref):
    agg = p_ref[0, :N] + p_ref[1, :N]
    h = jnp.maximum(agg * nd_ref[...] + b_ref[...], 0.0)
    o_ref[...] = jnp.sum(h, axis=0, keepdims=True) * (1.0 / N)


_final = pl.pallas_call(
    _final_body,
    out_shape=jax.ShapeDtypeStruct((1, D_OUT), jnp.float32),
)


def kernel(x, edge_index, W1, b1, W2, b2):
    src_flat = edge_index[0].astype(jnp.int32)
    dst_flat = edge_index[1].astype(jnp.int32)
    src = src_flat.reshape(NW, NCHUNK, CHUNK)
    dst = dst_flat.reshape(NW, NCHUNK, CHUNK)
    src_l = src_flat.reshape(NW, NCHUNK_L, CHUNK_L)
    dst_l = dst_flat.reshape(NW, NCHUNK_L, CHUNK_L)
    z128 = jnp.zeros((NP, D_HID), jnp.float32)
    z32 = jnp.zeros((NP, D_OUT), jnp.float32)
    zdeg = jnp.zeros((NP, 2 * DEG_W), jnp.float32)
    ones_src = jnp.concatenate(
        [jnp.ones((CHUNK_L, DEG_W), jnp.float32),
         jnp.zeros((CHUNK_L, DEG_W), jnp.float32)], axis=1)
    ones_dst = jnp.concatenate(
        [jnp.zeros((CHUNK_L, DEG_W), jnp.float32),
         jnp.ones((CHUNK_L, DEG_W), jnp.float32)], axis=1)

    degp = _deg_kernel(src_l, dst_l, ones_src, ones_dst, zdeg)
    h1p, ns, nd = _norm_mm(degp.reshape(2, NP, 2 * DEG_W), x, W1)

    parts1 = _agg128(h1p, src, dst, z128).reshape(2, NP, D_HID)
    h2p = _mid(parts1, W2, b1.reshape(1, D_HID), nd, ns)
    parts2 = _agg32(h2p, src, dst, z32).reshape(2, NP, D_OUT)
    out = _final(parts2, b2.reshape(1, D_OUT), nd)
    return out[0]

# --- scband reference (transcript-rebuilt; emitter-appended) ---
"""Pipeline reference for scband-graph-classifier-4612794876143 (READ-ONLY COPY).

The authoritative reference and input builder live on the scoring server;
editing this copy changes nothing except your own understanding.
"""

import jax, jax.numpy as jnp
import numpy as np

N_NODES = 10000
N_EDGES = 320000
D_IN = 128
D_HID = 128
D_OUT = 32


def setup_inputs(seed: int = 0) -> dict:
    key = jax.random.key(seed)
    k1, k2, k3, k4, k5, k6 = jax.random.split(key, 6)
    x = jax.random.normal(k1, (N_NODES, D_IN), dtype=jnp.float32)
    edge_index = jax.random.randint(k2, (2, N_EDGES), 0, N_NODES, dtype=jnp.int64)
    # GraphConv weights (DGL default: xavier-like init, bias=True)
    W1 = jax.random.normal(k3, (D_IN, D_HID), dtype=jnp.float32) * (1.0 / np.sqrt(D_IN))
    b1 = jnp.zeros((D_HID,), dtype=jnp.float32)
    W2 = jax.random.normal(k4, (D_HID, D_OUT), dtype=jnp.float32) * (1.0 / np.sqrt(D_HID))
    b2 = jnp.zeros((D_OUT,), dtype=jnp.float32)
    return {"x": x, "edge_index": edge_index, "W1": W1, "b1": b1, "W2": W2, "b2": b2}


def _graph_conv(x, src, dst, W, b):
    # DGL GraphConv with norm='both': D_out^{-1/2} on src side, D_in^{-1/2} on dst side
    n = x.shape[0]
    ones = jnp.ones((src.shape[0],), dtype=jnp.float32)
    out_deg = jnp.zeros((n,), dtype=jnp.float32).at[src].add(ones)
    in_deg = jnp.zeros((n,), dtype=jnp.float32).at[dst].add(ones)
    norm_src = jnp.where(out_deg > 0, jax.lax.rsqrt(jnp.maximum(out_deg, 1e-12)), 0.0)
    norm_dst = jnp.where(in_deg > 0, jax.lax.rsqrt(jnp.maximum(in_deg, 1e-12)), 0.0)
    h = x @ W
    h = h * norm_src[:, None]
    msg = jnp.take(h, src, axis=0)
    agg = jnp.zeros((n, W.shape[1]), dtype=h.dtype).at[dst].add(msg)
    agg = agg * norm_dst[:, None]
    return agg + b


def reference(x, edge_index, W1, b1, W2, b2):
    src = edge_index[0]
    dst = edge_index[1]
    h = jax.nn.relu(_graph_conv(x, src, dst, W1, b1))
    h = jax.nn.relu(_graph_conv(h, src, dst, W2, b2))
    # dgl.mean_nodes over a single graph -> mean over node axis
    return jnp.mean(h, axis=0)

if __name__ == "__main__":
    import jax
    _d = setup_inputs()
    print(jax.jit(kernel)(*tuple(_d.values())))

</pallas_src>

<mosaic_0001>
#map = affine_map<(d0, d1) -> (0, 0)>
#map1 = affine_map<(d0, d1) -> (0, 0, 0)>
module attributes {stable_mosaic.version = 14 : i64} {
  func.func @agg(%arg0: i32, %arg1: i32, %arg2: memref<10000x32xf32, #tpu.memory_space<hbm>>, %arg3: memref<32x250x40xi32, #tpu.memory_space<hbm>>, %arg4: memref<32x250x40xi32, #tpu.memory_space<hbm>>, %arg5: memref<10112x32xf32, #tpu.memory_space<hbm>>, %arg6: memref<20224x32xf32, #tpu.memory_space<hbm>>, %arg7: memref<250x40xi32, #tpu.memory_space<vmem>>, %arg8: memref<250x40xi32, #tpu.memory_space<vmem>>, %arg9: memref<10112x32xf32, #tpu.memory_space<vmem_shared>>, %arg10: memref<40x32xf32, #tpu.memory_space<vmem>>, %arg11: memref<40x32xf32, #tpu.memory_space<vmem>>, %arg12: memref<40x32xf32, #tpu.memory_space<vmem>>, %arg13: memref<40x32xf32, #tpu.memory_space<vmem>>, %arg14: memref<40x32xf32, #tpu.memory_space<vmem>>, %arg15: memref<40x32xf32, #tpu.memory_space<vmem>>, %arg16: memref<40x32xf32, #tpu.memory_space<vmem>>, %arg17: memref<40x32xf32, #tpu.memory_space<vmem>>, %arg18: memref<40x32xf32, #tpu.memory_space<vmem>>, %arg19: memref<40x32xf32, #tpu.memory_space<vmem>>, %arg20: memref<!tpu.dma_semaphore, #tpu.memory_space<semaphore_mem>>, %arg21: memref<!tpu.dma_semaphore, #tpu.memory_space<semaphore_mem>>, %arg22: memref<!tpu.dma_semaphore, #tpu.memory_space<semaphore_mem>>, %arg23: memref<!tpu.dma_semaphore, #tpu.memory_space<semaphore_mem>>, %arg24: memref<!tpu.dma_semaphore, #tpu.memory_space<semaphore_mem>>, %arg25: memref<!tpu.dma_semaphore, #tpu.memory_space<semaphore_mem>>, %arg26: memref<!tpu.dma_semaphore, #tpu.memory_space<semaphore_mem>>, %arg27: memref<!tpu.dma_semaphore, #tpu.memory_space<semaphore_mem>>, %arg28: memref<!tpu.dma_semaphore, #tpu.memory_space<semaphore_mem>>, %arg29: memref<!tpu.dma_semaphore, #tpu.memory_space<semaphore_mem>>, %arg30: memref<!tpu.dma_semaphore, #tpu.memory_space<semaphore_mem>>, %arg31: memref<!tpu.dma_semaphore, #tpu.memory_space<semaphore_mem>>, %arg32: memref<!tpu.dma_semaphore, #tpu.memory_space<semaphore_mem>>, %arg33: memref<!tpu.dma_semaphore, #tpu.memory_space<semaphore_mem>>, %arg34: memref<!tpu.dma_semaphore, #tpu.memory_space<semaphore_mem>>, %arg35: memref<!tpu.dma_semaphore, #tpu.memory_space<semaphore_mem>>, %arg36: memref<!tpu.dma_semaphore, #tpu.memory_space<semaphore_mem>>, %arg37: memref<!tpu.dma_semaphore, #tpu.memory_space<semaphore_mem>>, %arg38: memref<!tpu.dma_semaphore, #tpu.memory_space<semaphore_mem>>, %arg39: memref<!tpu.dma_semaphore, #tpu.memory_space<semaphore_mem>>) attributes {dimension_semantics = [#tpu.dimension_semantics<core_parallel>, #tpu.dimension_semantics<subcore_parallel>], iteration_bounds = array<i64: 2, 16>, scalar_prefetch = 0 : i64, scratch_operands = 33 : i64, tpu.core_type = #tpu.core_type<sc_vector_subcore>, window_params = [{transform_indices = #map}, {transform_indices = #map1}, {transform_indices = #map1}, {transform_indices = #map}, {transform_indices = #map}]} {
    %mul3A = arith.constant 2 : i32
    %mul3A_0 = arith.muli %arg1, %mul3A : i32
    %add3A = arith.addi %mul3A_0, %arg0 : i32
    %mul3A_1 = arith.constant 632 : i32
    %mul3A_2 = arith.muli %arg1, %mul3A_1 : i32
    "tpu.region"() ({
      %run_scoped3A = tpu.sem_alloc : memref<!tpu.dma_semaphore, #tpu.memory_space<semaphore_mem>>
      %dma_start3A_150 = arith.constant 0 : i32
      %dma_start3A_151 = arith.constant 0 : i32
      %dma_start3A_152 = tpu.memref_slice %arg3[%add3A, %dma_start3A_150, %dma_start3A_151] : memref<32x250x40xi32, #tpu.memory_space<hbm>> -> memref<1x250x40xi32, #tpu.memory_space<hbm>>
      %dma_start3A_153 = tpu.memref_squeeze %dma_start3A_152 : memref<1x250x40xi32, #tpu.memory_space<hbm>> -> memref<250x40xi32, #tpu.memory_space<hbm>>
      %dma_start3A_154 = arith.constant 0 : i32
      %dma_start3A_155 = arith.constant 0 : i32
      %dma_start3A_156 = tpu.memref_slice %arg3[%add3A, %dma_start3A_154, %dma_start3A_155] : memref<32x250x40xi32, #tpu.memory_space<hbm>> -> memref<1x250x40xi32, #tpu.memory_space<hbm>>
      %dma_start3A_157 = tpu.memref_squeeze %dma_start3A_156 : memref<1x250x40xi32, #tpu.memory_space<hbm>> -> memref<250x40xi32, #tpu.memory_space<hbm>>
      tpu.enqueue_dma source(%dma_start3A_157 : memref<250x40xi32, #tpu.memory_space<hbm>>) target(%arg7 : memref<250x40xi32, #tpu.memory_space<vmem>>) target_semaphore(%run_scoped3A : memref<!tpu.dma_semaphore, #tpu.memory_space<semaphore_mem>>)
      %dma_wait3A_158 = arith.constant 0 : i32
      %dma_wait3A_159 = arith.constant 0 : i32
      %dma_wait3A_160 = tpu.memref_slice %arg3[%add3A, %dma_wait3A_158, %dma_wait3A_159] : memref<32x250x40xi32, #tpu.memory_space<hbm>> -> memref<1x250x40xi32, #tpu.memory_space<hbm>>
      %dma_wait3A_161 = tpu.memref_squeeze %dma_wait3A_160 : memref<1x250x40xi32, #tpu.memory_space<hbm>> -> memref<250x40xi32, #tpu.memory_space<hbm>>
      %dma_wait3A_162 = arith.constant 0 : i32
      %dma_wait3A_163 = arith.constant 0 : i32
      %dma_wait3A_164 = tpu.memref_slice %arg3[%add3A, %dma_wait3A_162, %dma_wait3A_163] : memref<32x250x40xi32, #tpu.memory_space<hbm>> -> memref<1x250x40xi32, #tpu.memory_space<hbm>>
      %dma_wait3A_165 = tpu.memref_squeeze %dma_wait3A_164 : memref<1x250x40xi32, #tpu.memory_space<hbm>> -> memref<250x40xi32, #tpu.memory_space<hbm>>
      tpu.wait_dma2 semaphore(%run_scoped3A : memref<!tpu.dma_semaphore, #tpu.memory_space<semaphore_mem>>) src(%dma_wait3A_165 : memref<250x40xi32, #tpu.memory_space<hbm>>) dst(%arg7 : memref<250x40xi32, #tpu.memory_space<vmem>>)
      tpu.yield
    }) : () -> ()
    "tpu.region"() ({
      %run_scoped3A = tpu.sem_alloc : memref<!tpu.dma_semaphore, #tpu.memory_space<semaphore_mem>>
      %dma_start3A_150 = arith.constant 0 : i32
      %dma_start3A_151 = arith.constant 0 : i32
      %dma_start3A_152 = tpu.memref_slice %arg4[%add3A, %dma_start3A_150, %dma_start3A_151] : memref<32x250x40xi32, #tpu.memory_space<hbm>> -> memref<1x250x40xi32, #tpu.memory_space<hbm>>
      %dma_start3A_153 = tpu.memref_squeeze %dma_start3A_152 : memref<1x250x40xi32, #tpu.memory_space<hbm>> -> memref<250x40xi32, #tpu.memory_space<hbm>>
      %dma_start3A_154 = arith.constant 0 : i32
      %dma_start3A_155 = arith.constant 0 : i32
      %dma_start3A_156 = tpu.memref_slice %arg4[%add3A, %dma_start3A_154, %dma_start3A_155] : memref<32x250x40xi32, #tpu.memory_space<hbm>> -> memref<1x250x40xi32, #tpu.memory_space<hbm>>
      %dma_start3A_157 = tpu.memref_squeeze %dma_start3A_156 : memref<1x250x40xi32, #tpu.memory_space<hbm>> -> memref<250x40xi32, #tpu.memory_space<hbm>>
      tpu.enqueue_dma source(%dma_start3A_157 : memref<250x40xi32, #tpu.memory_space<hbm>>) target(%arg8 : memref<250x40xi32, #tpu.memory_space<vmem>>) target_semaphore(%run_scoped3A : memref<!tpu.dma_semaphore, #tpu.memory_space<semaphore_mem>>)
      %dma_wait3A_158 = arith.constant 0 : i32
      %dma_wait3A_159 = arith.constant 0 : i32
      %dma_wait3A_160 = tpu.memref_slice %arg4[%add3A, %dma_wait3A_158, %dma_wait3A_159] : memref<32x250x40xi32, #tpu.memory_space<hbm>> -> memref<1x250x40xi32, #tpu.memory_space<hbm>>
      %dma_wait3A_161 = tpu.memref_squeeze %dma_wait3A_160 : memref<1x250x40xi32, #tpu.memory_space<hbm>> -> memref<250x40xi32, #tpu.memory_space<hbm>>
      %dma_wait3A_162 = arith.constant 0 : i32
      %dma_wait3A_163 = arith.constant 0 : i32
      %dma_wait3A_164 = tpu.memref_slice %arg4[%add3A, %dma_wait3A_162, %dma_wait3A_163] : memref<32x250x40xi32, #tpu.memory_space<hbm>> -> memref<1x250x40xi32, #tpu.memory_space<hbm>>
      %dma_wait3A_165 = tpu.memref_squeeze %dma_wait3A_164 : memref<1x250x40xi32, #tpu.memory_space<hbm>> -> memref<250x40xi32, #tpu.memory_space<hbm>>
      tpu.wait_dma2 semaphore(%run_scoped3A : memref<!tpu.dma_semaphore, #tpu.memory_space<semaphore_mem>>) src(%dma_wait3A_165 : memref<250x40xi32, #tpu.memory_space<hbm>>) dst(%arg8 : memref<250x40xi32, #tpu.memory_space<vmem>>)
      tpu.yield
    }) : () -> ()
    %dma_start3A = arith.constant 0 : i32
    %dma_start3A_3 = arith.constant 0 : i32
    %dma_start3A_4 = tpu.memref_slice %arg7[%dma_start3A, %dma_start3A_3] : memref<250x40xi32, #tpu.memory_space<vmem>> -> memref<1x40xi32, #tpu.memory_space<vmem>>
    %dma_start3A_5 = tpu.memref_squeeze %dma_start3A_4 : memref<1x40xi32, #tpu.memory_space<vmem>> -> memref<40xi32, #tpu.memory_space<vmem>>
    %dma_start3A_6 = arith.constant 0 : i32
    %dma_start3A_7 = arith.constant 0 : i32
    %dma_start3A_8 = tpu.memref_slice %arg2[%dma_start3A_6, %dma_start3A_7] : memref<10000x32xf32, #tpu.memory_space<hbm>> -> memref<10000x32xf32, #tpu.memory_space<hbm>>
    tpu.enqueue_indirect_dma source(%dma_start3A_8 : memref<10000x32xf32, #tpu.memory_space<hbm>>) target(%arg10 : memref<40x32xf32, #tpu.memory_space<vmem>>) offsets(%dma_start3A_5 : memref<40xi32, #tpu.memory_space<vmem>>) semaphore(%arg20 : memref<!tpu.dma_semaphore, #tpu.memory_space<semaphore_mem>>)
    %dma_start3A_9 = arith.constant 1 : i32
    %dma_start3A_10 = arith.constant 0 : i32
    %dma_start3A_11 = tpu.memref_slice %arg7[%dma_start3A_9, %dma_start3A_10] : memref<250x40xi32, #tpu.memory_space<vmem>> -> memref<1x40xi32, #tpu.memory_space<vmem>>
    %dma_start3A_12 = tpu.memref_squeeze %dma_start3A_11 : memref<1x40xi32, #tpu.memory_space<vmem>> -> memref<40xi32, #tpu.memory_space<vmem>>
    %dma_start3A_13 = arith.constant 0 : i32
    %dma_start3A_14 = arith.constant 0 : i32
    %dma_start3A_15 = tpu.memref_slice %arg2[%dma_start3A_13, %dma_start3A_14] : memref<10000x32xf32, #tpu.memory_space<hbm>> -> memref<10000x32xf32, #tpu.memory_space<hbm>>
    tpu.enqueue_indirect_dma source(%dma_start3A_15 : memref<10000x32xf32, #tpu.memory_space<hbm>>) target(%arg11 : memref<40x32xf32, #tpu.memory_space<vmem>>) offsets(%dma_start3A_12 : memref<40xi32, #tpu.memory_space<vmem>>) semaphore(%arg21 : memref<!tpu.dma_semaphore, #tpu.memory_space<semaphore_mem>>)
    %dma_start3A_16 = arith.constant 2 : i32
    %dma_start3A_17 = arith.constant 0 : i32
    %dma_start3A_18 = tpu.memref_slice %arg7[%dma_start3A_16, %dma_start3A_17] : memref<250x40xi32, #tpu.memory_space<vmem>> -> memref<1x40xi32, #tpu.memory_space<vmem>>
    %dma_start3A_19 = tpu.memref_squeeze %dma_start3A_18 : memref<1x40xi32, #tpu.memory_space<vmem>> -> memref<40xi32, #tpu.memory_space<vmem>>
    %dma_start3A_20 = arith.constant 0 : i32
    %dma_start3A_21 = arith.constant 0 : i32
    %dma_start3A_22 = tpu.memref_slice %arg2[%dma_start3A_20, %dma_start3A_21] : memref<10000x32xf32, #tpu.memory_space<hbm>> -> memref<10000x32xf32, #tpu.memory_space<hbm>>
    tpu.enqueue_indirect_dma source(%dma_start3A_22 : memref<10000x32xf32, #tpu.memory_space<hbm>>) target(%arg12 : memref<40x32xf32, #tpu.memory_space<vmem>>) offsets(%dma_start3A_19 : memref<40xi32, #tpu.memory_space<vmem>>) semaphore(%arg22 : memref<!tpu.dma_semaphore, #tpu.memory_space<semaphore_mem>>)
    %dma_start3A_23 = arith.constant 3 : i32
    %dma_start3A_24 = arith.constant 0 : i32
    %dma_start3A_25 = tpu.memref_slice %arg7[%dma_start3A_23, %dma_start3A_24] : memref<250x40xi32, #tpu.memory_space<vmem>> -> memref<1x40xi32, #tpu.memory_space<vmem>>
    %dma_start3A_26 = tpu.memref_squeeze %dma_start3A_25 : memref<1x40xi32, #tpu.memory_space<vmem>> -> memref<40xi32, #tpu.memory_space<vmem>>
    %dma_start3A_27 = arith.constant 0 : i32
    %dma_start3A_28 = arith.constant 0 : i32
    %dma_start3A_29 = tpu.memref_slice %arg2[%dma_start3A_27, %dma_start3A_28] : memref<10000x32xf32, #tpu.memory_space<hbm>> -> memref<10000x32xf32, #tpu.memory_space<hbm>>
    tpu.enqueue_indirect_dma source(%dma_start3A_29 : memref<10000x32xf32, #tpu.memory_space<hbm>>) target(%arg13 : memref<40x32xf32, #tpu.memory_space<vmem>>) offsets(%dma_start3A_26 : memref<40xi32, #tpu.memory_space<vmem>>) semaphore(%arg23 : memref<!tpu.dma_semaphore, #tpu.memory_space<semaphore_mem>>)
    %dma_start3A_30 = arith.constant 4 : i32
    %dma_start3A_31 = arith.constant 0 : i32
    %dma_start3A_32 = tpu.memref_slice %arg7[%dma_start3A_30, %dma_start3A_31] : memref<250x40xi32, #tpu.memory_space<vmem>> -> memref<1x40xi32, #tpu.memory_space<vmem>>
    %dma_start3A_33 = tpu.memref_squeeze %dma_start3A_32 : memref<1x40xi32, #tpu.memory_space<vmem>> -> memref<40xi32, #tpu.memory_space<vmem>>
    %dma_start3A_34 = arith.constant 0 : i32
    %dma_start3A_35 = arith.constant 0 : i32
    %dma_start3A_36 = tpu.memref_slice %arg2[%dma_start3A_34, %dma_start3A_35] : memref<10000x32xf32, #tpu.memory_space<hbm>> -> memref<10000x32xf32, #tpu.memory_space<hbm>>
    tpu.enqueue_indirect_dma source(%dma_start3A_36 : memref<10000x32xf32, #tpu.memory_space<hbm>>) target(%arg14 : memref<40x32xf32, #tpu.memory_space<vmem>>) offsets(%dma_start3A_33 : memref<40xi32, #tpu.memory_space<vmem>>) semaphore(%arg24 : memref<!tpu.dma_semaphore, #tpu.memory_space<semaphore_mem>>)
    %dma_start3A_37 = arith.constant 5 : i32
    %dma_start3A_38 = arith.constant 0 : i32
    %dma_start3A_39 = tpu.memref_slice %arg7[%dma_start3A_37, %dma_start3A_38] : memref<250x40xi32, #tpu.memory_space<vmem>> -> memref<1x40xi32, #tpu.memory_space<vmem>>
    %dma_start3A_40 = tpu.memref_squeeze %dma_start3A_39 : memref<1x40xi32, #tpu.memory_space<vmem>> -> memref<40xi32, #tpu.memory_space<vmem>>
    %dma_start3A_41 = arith.constant 0 : i32
    %dma_start3A_42 = arith.constant 0 : i32
    %dma_start3A_43 = tpu.memref_slice %arg2[%dma_start3A_41, %dma_start3A_42] : memref<10000x32xf32, #tpu.memory_space<hbm>> -> memref<10000x32xf32, #tpu.memory_space<hbm>>
    tpu.enqueue_indirect_dma source(%dma_start3A_43 : memref<10000x32xf32, #tpu.memory_space<hbm>>) target(%arg15 : memref<40x32xf32, #tpu.memory_space<vmem>>) offsets(%dma_start3A_40 : memref<40xi32, #tpu.memory_space<vmem>>) semaphore(%arg25 : memref<!tpu.dma_semaphore, #tpu.memory_space<semaphore_mem>>)
    %dma_start3A_44 = arith.constant 6 : i32
    %dma_start3A_45 = arith.constant 0 : i32
    %dma_start3A_46 = tpu.memref_slice %arg7[%dma_start3A_44, %dma_start3A_45] : memref<250x40xi32, #tpu.memory_space<vmem>> -> memref<1x40xi32, #tpu.memory_space<vmem>>
    %dma_start3A_47 = tpu.memref_squeeze %dma_start3A_46 : memref<1x40xi32, #tpu.memory_space<vmem>> -> memref<40xi32, #tpu.memory_space<vmem>>
    %dma_start3A_48 = arith.constant 0 : i32
    %dma_start3A_49 = arith.constant 0 : i32
    %dma_start3A_50 = tpu.memref_slice %arg2[%dma_start3A_48, %dma_start3A_49] : memref<10000x32xf32, #tpu.memory_space<hbm>> -> memref<10000x32xf32, #tpu.memory_space<hbm>>
    tpu.enqueue_indirect_dma source(%dma_start3A_50 : memref<10000x32xf32, #tpu.memory_space<hbm>>) target(%arg16 : memref<40x32xf32, #tpu.memory_space<vmem>>) offsets(%dma_start3A_47 : memref<40xi32, #tpu.memory_space<vmem>>) semaphore(%arg26 : memref<!tpu.dma_semaphore, #tpu.memory_space<semaphore_mem>>)
    %dma_start3A_51 = arith.constant 7 : i32
    %dma_start3A_52 = arith.constant 0 : i32
    %dma_start3A_53 = tpu.memref_slice %arg7[%dma_start3A_51, %dma_start3A_52] : memref<250x40xi32, #tpu.memory_space<vmem>> -> memref<1x40xi32, #tpu.memory_space<vmem>>
    %dma_start3A_54 = tpu.memref_squeeze %dma_start3A_53 : memref<1x40xi32, #tpu.memory_space<vmem>> -> memref<40xi32, #tpu.memory_space<vmem>>
    %dma_start3A_55 = arith.constant 0 : i32
    %dma_start3A_56 = arith.constant 0 : i32
    %dma_start3A_57 = tpu.memref_slice %arg2[%dma_start3A_55, %dma_start3A_56] : memref<10000x32xf32, #tpu.memory_space<hbm>> -> memref<10000x32xf32, #tpu.memory_space<hbm>>
    tpu.enqueue_indirect_dma source(%dma_start3A_57 : memref<10000x32xf32, #tpu.memory_space<hbm>>) target(%arg17 : memref<40x32xf32, #tpu.memory_space<vmem>>) offsets(%dma_start3A_54 : memref<40xi32, #tpu.memory_space<vmem>>) semaphore(%arg27 : memref<!tpu.dma_semaphore, #tpu.memory_space<semaphore_mem>>)
    %dma_start3A_58 = arith.constant 8 : i32
    %dma_start3A_59 = arith.constant 0 : i32
    %dma_start3A_60 = tpu.memref_slice %arg7[%dma_start3A_58, %dma_start3A_59] : memref<250x40xi32, #tpu.memory_space<vmem>> -> memref<1x40xi32, #tpu.memory_space<vmem>>
    %dma_start3A_61 = tpu.memref_squeeze %dma_start3A_60 : memref<1x40xi32, #tpu.memory_space<vmem>> -> memref<40xi32, #tpu.memory_space<vmem>>
    %dma_start3A_62 = arith.constant 0 : i32
    %dma_start3A_63 = arith.constant 0 : i32
    %dma_start3A_64 = tpu.memref_slice %arg2[%dma_start3A_62, %dma_start3A_63] : memref<10000x32xf32, #tpu.memory_space<hbm>> -> memref<10000x32xf32, #tpu.memory_space<hbm>>
    tpu.enqueue_indirect_dma source(%dma_start3A_64 : memref<10000x32xf32, #tpu.memory_space<hbm>>) target(%arg18 : memref<40x32xf32, #tpu.memory_space<vmem>>) offsets(%dma_start3A_61 : memref<40xi32, #tpu.memory_space<vmem>>) semaphore(%arg28 : memref<!tpu.dma_semaphore, #tpu.memory_space<semaphore_mem>>)
    %dma_start3A_65 = arith.constant 9 : i32
    %dma_start3A_66 = arith.constant 0 : i32
    %dma_start3A_67 = tpu.memref_slice %arg7[%dma_start3A_65, %dma_start3A_66] : memref<250x40xi32, #tpu.memory_space<vmem>> -> memref<1x40xi32, #tpu.memory_space<vmem>>
    %dma_start3A_68 = tpu.memref_squeeze %dma_start3A_67 : memref<1x40xi32, #tpu.memory_space<vmem>> -> memref<40xi32, #tpu.memory_space<vmem>>
    %dma_start3A_69 = arith.constant 0 : i32
    %dma_start3A_70 = arith.constant 0 : i32
    %dma_start3A_71 = tpu.memref_slice %arg2[%dma_start3A_69, %dma_start3A_70] : memref<10000x32xf32, #tpu.memory_space<hbm>> -> memref<10000x32xf32, #tpu.memory_space<hbm>>
    tpu.enqueue_indirect_dma source(%dma_start3A_71 : memref<10000x32xf32, #tpu.memory_space<hbm>>) target(%arg19 : memref<40x32xf32, #tpu.memory_space<vmem>>) offsets(%dma_start3A_68 : memref<40xi32, #tpu.memory_space<vmem>>) semaphore(%arg29 : memref<!tpu.dma_semaphore, #tpu.memory_space<semaphore_mem>>)
    "tpu.region"() ({
      %run_scoped3A = tpu.sem_alloc : memref<!tpu.dma_semaphore, #tpu.memory_space<semaphore_mem>>
      %dma_start3A_150 = arith.constant 0 : i32
      %dma_start3A_151 = tpu.memref_slice %arg9[%mul3A_2, %dma_start3A_150] : memref<10112x32xf32, #tpu.memory_space<vmem_shared>> -> memref<632x32xf32, #tpu.memory_space<vmem_shared>>
      %dma_start3A_152 = arith.constant 0 : i32
      %dma_start3A_153 = tpu.memref_slice %arg5[%mul3A_2, %dma_start3A_152] : memref<10112x32xf32, #tpu.memory_space<hbm>> -> memref<632x32xf32, #tpu.memory_space<hbm>>
      tpu.enqueue_dma source(%dma_start3A_153 : memref<632x32xf32, #tpu.memory_space<hbm>>) target(%dma_start3A_151 : memref<632x32xf32, #tpu.memory_space<vmem_shared>>) target_semaphore(%run_scoped3A : memref<!tpu.dma_semaphore, #tpu.memory_space<semaphore_mem>>)
      %dma_wait3A_154 = arith.constant 0 : i32
      %dma_wait3A_155 = tpu.memref_slice %arg9[%mul3A_2, %dma_wait3A_154] : memref<10112x32xf32, #tpu.memory_space<vmem_shared>> -> memref<632x32xf32, #tpu.memory_space<vmem_shared>>
      %dma_wait3A_156 = arith.constant 0 : i32
      %dma_wait3A_157 = tpu.memref_slice %arg5[%mul3A_2, %dma_wait3A_156] : memref<10112x32xf32, #tpu.memory_space<hbm>> -> memref<632x32xf32, #tpu.memory_space<hbm>>
      tpu.wait_dma2 semaphore(%run_scoped3A : memref<!tpu.dma_semaphore, #tpu.memory_space<semaphore_mem>>) src(%dma_wait3A_157 : memref<632x32xf32, #tpu.memory_space<hbm>>) dst(%dma_wait3A_155 : memref<632x32xf32, #tpu.memory_space<vmem_shared>>)
      tpu.yield
    }) : () -> ()
    %barrier3A = arith.constant 0 : index
    tpu.barrier barrier_id(%barrier3A)
    %scan3A = arith.constant 0 : i32
    %scan3A_72 = arith.constant 0 : i32
    %scan3A_73 = arith.constant 25 : i32
    %scan3A_74 = arith.addi %scan3A_72, %scan3A_73 : i32
    %scan3A_75 = arith.constant 1 : i32
    scf.for %scan3A_150 = %scan3A_72 to %scan3A_74 step %scan3A_75  : i32 {
      %dma_wait3A_151 = arith.constant 0 : i32
      %dma_wait3A_152 = arith.constant 0 : i32
      %dma_wait3A_153 = tpu.memref_slice %arg7[%dma_wait3A_151, %dma_wait3A_152] : memref<250x40xi32, #tpu.memory_space<vmem>> -> memref<1x40xi32, #tpu.memory_space<vmem>>
      %dma_wait3A_154 = tpu.memref_squeeze %dma_wait3A_153 : memref<1x40xi32, #tpu.memory_space<vmem>> -> memref<40xi32, #tpu.memory_space<vmem>>
      %dma_wait3A_155 = arith.constant 0 : i32
      %dma_wait3A_156 = arith.constant 0 : i32
      %dma_wait3A_157 = tpu.memref_slice %arg2[%dma_wait3A_155, %dma_wait3A_156] : memref<10000x32xf32, #tpu.memory_space<hbm>> -> memref<10000x32xf32, #tpu.memory_space<hbm>>
      tpu.wait_indirect_dma semaphore(%arg20 : memref<!tpu.dma_semaphore, #tpu.memory_space<semaphore_mem>>) src(%dma_wait3A_157 : memref<10000x32xf32, #tpu.memory_space<hbm>>) dst(%arg10 : memref<40x32xf32, #tpu.memory_space<vmem>>)
      %mul3A_158 = arith.constant 10 : i32
      %mul3A_159 = arith.muli %scan3A_150, %mul3A_158 : i32
      %add3A_160 = arith.constant 0 : i32
      %add3A_161 = arith.addi %mul3A_159, %add3A_160 : i32
      %dma_start3A_162 = arith.constant 0 : i32
      %dma_start3A_163 = tpu.memref_slice %arg8[%add3A_161, %dma_start3A_162] : memref<250x40xi32, #tpu.memory_space<vmem>> -> memref<1x40xi32, #tpu.memory_space<vmem>>
      %dma_start3A_164 = tpu.memref_squeeze %dma_start3A_163 : memref<1x40xi32, #tpu.memory_space<vmem>> -> memref<40xi32, #tpu.memory_space<vmem>>
      %dma_start3A_165 = arith.constant 0 : i32
      %dma_start3A_166 = arith.constant 0 : i32
      %dma_start3A_167 = tpu.memref_slice %arg9[%dma_start3A_165, %dma_start3A_166] : memref<10112x32xf32, #tpu.memory_space<vmem_shared>> -> memref<10112x32xf32, #tpu.memory_space<vmem_shared>>
      tpu.enqueue_indirect_dma source(%arg10 : memref<40x32xf32, #tpu.memory_space<vmem>>) target(%dma_start3A_167 : memref<10112x32xf32, #tpu.memory_space<vmem_shared>>) offsets(%dma_start3A_164 : memref<40xi32, #tpu.memory_space<vmem>>) semaphore(%arg30 : memref<!tpu.dma_semaphore, #tpu.memory_space<semaphore_mem>>) {add = true}
      %dma_wait3A_168 = arith.constant 0 : i32
      %dma_wait3A_169 = arith.constant 0 : i32
      %dma_wait3A_170 = tpu.memref_slice %arg7[%dma_wait3A_168, %dma_wait3A_169] : memref<250x40xi32, #tpu.memory_space<vmem>> -> memref<1x40xi32, #tpu.memory_space<vmem>>
      %dma_wait3A_171 = tpu.memref_squeeze %dma_wait3A_170 : memref<1x40xi32, #tpu.memory_space<vmem>> -> memref<40xi32, #tpu.memory_space<vmem>>
      %dma_wait3A_172 = arith.constant 0 : i32
      %dma_wait3A_173 = arith.constant 0 : i32
      %dma_wait3A_174 = tpu.memref_slice %arg2[%dma_wait3A_172, %dma_wait3A_173] : memref<10000x32xf32, #tpu.memory_space<hbm>> -> memref<10000x32xf32, #tpu.memory_space<hbm>>
      tpu.wait_indirect_dma semaphore(%arg21 : memref<!tpu.dma_semaphore, #tpu.memory_space<semaphore_mem>>) src(%dma_wait3A_174 : memref<10000x32xf32, #tpu.memory_space<hbm>>) dst(%arg11 : memref<40x32xf32, #tpu.memory_space<vmem>>)
      %mul3A_175 = arith.constant 10 : i32
      %mul3A_176 = arith.muli %scan3A_150, %mul3A_175 : i32
      %add3A_177 = arith.constant 1 : i32
      %add3A_178 = arith.addi %mul3A_176, %add3A_177 : i32
      %dma_start3A_179 = arith.constant 0 : i32
      %dma_start3A_180 = tpu.memref_slice %arg8[%add3A_178, %dma_start3A_179] : memref<250x40xi32, #tpu.memory_space<vmem>> -> memref<1x40xi32, #tpu.memory_space<vmem>>
      %dma_start3A_181 = tpu.memref_squeeze %dma_start3A_180 : memref<1x40xi32, #tpu.memory_space<vmem>> -> memref<40xi32, #tpu.memory_space<vmem>>
      %dma_start3A_182 = arith.constant 0 : i32
      %dma_start3A_183 = arith.constant 0 : i32
      %dma_start3A_184 = tpu.memref_slice %arg9[%dma_start3A_182, %dma_start3A_183] : memref<10112x32xf32, #tpu.memory_space<vmem_shared>> -> memref<10112x32xf32, #tpu.memory_space<vmem_shared>>
      tpu.enqueue_indirect_dma source(%arg11 : memref<40x32xf32, #tpu.memory_space<vmem>>) target(%dma_start3A_184 : memref<10112x32xf32, #tpu.memory_space<vmem_shared>>) offsets(%dma_start3A_181 : memref<40xi32, #tpu.memory_space<vmem>>) semaphore(%arg31 : memref<!tpu.dma_semaphore, #tpu.memory_space<semaphore_mem>>) {add = true}
      %dma_wait3A_185 = arith.constant 0 : i32
      %dma_wait3A_186 = arith.constant 0 : i32
      %dma_wait3A_187 = tpu.memref_slice %arg7[%dma_wait3A_185, %dma_wait3A_186] : memref<250x40xi32, #tpu.memory_space<vmem>> -> memref<1x40xi32, #tpu.memory_space<vmem>>
      %dma_wait3A_188 = tpu.memref_squeeze %dma_wait3A_187 : memref<1x40xi32, #tpu.memory_space<vmem>> -> memref<40xi32, #tpu.memory_space<vmem>>
      %dma_wait3A_189 = arith.constant 0 : i32
      %dma_wait3A_190 = arith.constant 0 : i32
      %dma_wait3A_191 = tpu.memref_slice %arg2[%dma_wait3A_189, %dma_wait3A_190] : memref<10000x32xf32, #tpu.memory_space<hbm>> -> memref<10000x32xf32, #tpu.memory_space<hbm>>
      tpu.wait_indirect_dma semaphore(%arg22 : memref<!tpu.dma_semaphore, #tpu.memory_space<semaphore_mem>>) src(%dma_wait3A_191 : memref<10000x32xf32, #tpu.memory_space<hbm>>) dst(%arg12 : memref<40x32xf32, #tpu.memory_space<vmem>>)
      %mul3A_192 = arith.constant 10 : i32
      %mul3A_193 = arith.muli %scan3A_150, %mul3A_192 : i32
      %add3A_194 = arith.constant 2 : i32
      %add3A_195 = arith.addi %mul3A_193, %add3A_194 : i32
      %dma_start3A_196 = arith.constant 0 : i32
      %dma_start3A_197 = tpu.memref_slice %arg8[%add3A_195, %dma_start3A_196] : memref<250x40xi32, #tpu.memory_space<vmem>> -> memref<1x40xi32, #tpu.memory_space<vmem>>
      %dma_start3A_198 = tpu.memref_squeeze %dma_start3A_197 : memref<1x40xi32, #tpu.memory_space<vmem>> -> memref<40xi32, #tpu.memory_space<vmem>>
      %dma_start3A_199 = arith.constant 0 : i32
      %dma_start3A_200 = arith.constant 0 : i32
      %dma_start3A_201 = tpu.memref_slice %arg9[%dma_start3A_199, %dma_start3A_200] : memref<10112x32xf32, #tpu.memory_space<vmem_shared>> -> memref<10112x32xf32, #tpu.memory_space<vmem_shared>>
      tpu.enqueue_indirect_dma source(%arg12 : memref<40x32xf32, #tpu.memory_space<vmem>>) target(%dma_start3A_201 : memref<10112x32xf32, #tpu.memory_space<vmem_shared>>) offsets(%dma_start3A_198 : memref<40xi32, #tpu.memory_space<vmem>>) semaphore(%arg32 : memref<!tpu.dma_semaphore, #tpu.memory_space<semaphore_mem>>) {add = true}
      %dma_wait3A_202 = arith.constant 0 : i32
      %dma_wait3A_203 = arith.constant 0 : i32
      %dma_wait3A_204 = tpu.memref_slice %arg7[%dma_wait3A_202, %dma_wait3A_203] : memref<250x40xi32, #tpu.memory_space<vmem>> -> memref<1x40xi32, #tpu.memory_space<vmem>>
      %dma_wait3A_205 = tpu.memref_squeeze %dma_wait3A_204 : memref<1x40xi32, #tpu.memory_space<vmem>> -> memref<40xi32, #tpu.memory_space<vmem>>
      %dma_wait3A_206 = arith.constant 0 : i32
      %dma_wait3A_207 = arith.constant 0 : i32
      %dma_wait3A_208 = tpu.memref_slice %arg2[%dma_wait3A_206, %dma_wait3A_207] : memref<10000x32xf32, #tpu.memory_space<hbm>> -> memref<10000x32xf32, #tpu.memory_space<hbm>>
      tpu.wait_indirect_dma semaphore(%arg23 : memref<!tpu.dma_semaphore, #tpu.memory_space<semaphore_mem>>) src(%dma_wait3A_208 : memref<10000x32xf32, #tpu.memory_space<hbm>>) dst(%arg13 : memref<40x32xf32, #tpu.memory_space<vmem>>)
      %mul3A_209 = arith.constant 10 : i32
      %mul3A_210 = arith.muli %scan3A_150, %mul3A_209 : i32
      %add3A_211 = arith.constant 3 : i32
      %add3A_212 = arith.addi %mul3A_210, %add3A_211 : i32
      %dma_start3A_213 = arith.constant 0 : i32
      %dma_start3A_214 = tpu.memref_slice %arg8[%add3A_212, %dma_start3A_213] : memref<250x40xi32, #tpu.memory_space<vmem>> -> memref<1x40xi32, #tpu.memory_space<vmem>>
      %dma_start3A_215 = tpu.memref_squeeze %dma_start3A_214 : memref<1x40xi32, #tpu.memory_space<vmem>> -> memref<40xi32, #tpu.memory_space<vmem>>
      %dma_start3A_216 = arith.constant 0 : i32
      %dma_start3A_217 = arith.constant 0 : i32
      %dma_start3A_218 = tpu.memref_slice %arg9[%dma_start3A_216, %dma_start3A_217] : memref<10112x32xf32, #tpu.memory_space<vmem_shared>> -> memref<10112x32xf32, #tpu.memory_space<vmem_shared>>
      tpu.enqueue_indirect_dma source(%arg13 : memref<40x32xf32, #tpu.memory_space<vmem>>) target(%dma_start3A_218 : memref<10112x32xf32, #tpu.memory_space<vmem_shared>>) offsets(%dma_start3A_215 : memref<40xi32, #tpu.memory_space<vmem>>) semaphore(%arg33 : memref<!tpu.dma_semaphore, #tpu.memory_space<semaphore_mem>>) {add = true}
      %dma_wait3A_219 = arith.constant 0 : i32
      %dma_wait3A_220 = arith.constant 0 : i32
      %dma_wait3A_221 = tpu.memref_slice %arg7[%dma_wait3A_219, %dma_wait3A_220] : memref<250x40xi32, #tpu.memory_space<vmem>> -> memref<1x40xi32, #tpu.memory_space<vmem>>
      %dma_wait3A_222 = tpu.memref_squeeze %dma_wait3A_221 : memref<1x40xi32, #tpu.memory_space<vmem>> -> memref<40xi32, #tpu.memory_space<vmem>>
      %dma_wait3A_223 = arith.constant 0 : i32
      %dma_wait3A_224 = arith.constant 0 : i32
      %dma_wait3A_225 = tpu.memref_slice %arg2[%dma_wait3A_223, %dma_wait3A_224] : memref<10000x32xf32, #tpu.memory_space<hbm>> -> memref<10000x32xf32, #tpu.memory_space<hbm>>
      tpu.wait_indirect_dma semaphore(%arg24 : memref<!tpu.dma_semaphore, #tpu.memory_space<semaphore_mem>>) src(%dma_wait3A_225 : memref<10000x32xf32, #tpu.memory_space<hbm>>) dst(%arg14 : memref<40x32xf32, #tpu.memory_space<vmem>>)
      %mul3A_226 = arith.constant 10 : i32
      %mul3A_227 = arith.muli %scan3A_150, %mul3A_226 : i32
      %add3A_228 = arith.constant 4 : i32
      %add3A_229 = arith.addi %mul3A_227, %add3A_228 : i32
      %dma_start3A_230 = arith.constant 0 : i32
      %dma_start3A_231 = tpu.memref_slice %arg8[%add3A_229, %dma_start3A_230] : memref<250x40xi32, #tpu.memory_space<vmem>> -> memref<1x40xi32, #tpu.memory_space<vmem>>
      %dma_start3A_232 = tpu.memref_squeeze %dma_start3A_231 : memref<1x40xi32, #tpu.memory_space<vmem>> -> memref<40xi32, #tpu.memory_space<vmem>>
      %dma_start3A_233 = arith.constant 0 : i32
      %dma_start3A_234 = arith.constant 0 : i32
      %dma_start3A_235 = tpu.memref_slice %arg9[%dma_start3A_233, %dma_start3A_234] : memref<10112x32xf32, #tpu.memory_space<vmem_shared>> -> memref<10112x32xf32, #tpu.memory_space<vmem_shared>>
      tpu.enqueue_indirect_dma source(%arg14 : memref<40x32xf32, #tpu.memory_space<vmem>>) target(%dma_start3A_235 : memref<10112x32xf32, #tpu.memory_space<vmem_shared>>) offsets(%dma_start3A_232 : memref<40xi32, #tpu.memory_space<vmem>>) semaphore(%arg34 : memref<!tpu.dma_semaphore, #tpu.memory_space<semaphore_mem>>) {add = true}
      %add3A_236 = arith.constant 1 : i32
      %add3A_237 = arith.addi %scan3A_150, %add3A_236 : i32
      %lt3A = arith.constant 25 : i32
      %lt3A_238 = arith.cmpi slt, %add3A_237, %lt3A : i32
      %convert_element_type3A = arith.extui %lt3A_238 : i1 to i32
      %cond3A = arith.constant 0 : i32
      %cond3A_239 = arith.cmpi ne, %convert_element_type3A, %cond3A : i32
      scf.if %cond3A_239 {
        %dma_wait3A_332 = arith.constant 0 : i32
        %dma_wait3A_333 = arith.constant 0 : i32
        %dma_wait3A_334 = tpu.memref_slice %arg8[%dma_wait3A_332, %dma_wait3A_333] : memref<250x40xi32, #tpu.memory_space<vmem>> -> memref<1x40xi32, #tpu.memory_space<vmem>>
        %dma_wait3A_335 = tpu.memref_squeeze %dma_wait3A_334 : memref<1x40xi32, #tpu.memory_space<vmem>> -> memref<40xi32, #tpu.memory_space<vmem>>
        %dma_wait3A_336 = arith.constant 0 : i32
        %dma_wait3A_337 = arith.constant 0 : i32
        %dma_wait3A_338 = tpu.memref_slice %arg9[%dma_wait3A_336, %dma_wait3A_337] : memref<10112x32xf32, #tpu.memory_space<vmem_shared>> -> memref<10112x32xf32, #tpu.memory_space<vmem_shared>>
        tpu.wait_indirect_dma semaphore(%arg30 : memref<!tpu.dma_semaphore, #tpu.memory_space<semaphore_mem>>) src(%arg10 : memref<40x32xf32, #tpu.memory_space<vmem>>) dst(%dma_wait3A_338 : memref<10112x32xf32, #tpu.memory_space<vmem_shared>>)
        %add3A_339 = arith.constant 1 : i32
        %add3A_340 = arith.addi %scan3A_150, %add3A_339 : i32
        %mul3A_341 = arith.constant 10 : i32
        %mul3A_342 = arith.muli %add3A_340, %mul3A_341 : i32
        %add3A_343 = arith.constant 0 : i32
        %add3A_344 = arith.addi %mul3A_342, %add3A_343 : i32
        %dma_start3A_345 = arith.constant 0 : i32
        %dma_start3A_346 = tpu.memref_slice %arg7[%add3A_344, %dma_start3A_345] : memref<250x40xi32, #tpu.memory_space<vmem>> -> memref<1x40xi32, #tpu.memory_space<vmem>>
        %dma_start3A_347 = tpu.memref_squeeze %dma_start3A_346 : memref<1x40xi32, #tpu.memory_space<vmem>> -> memref<40xi32, #tpu.memory_space<vmem>>
        %dma_start3A_348 = arith.constant 0 : i32
        %dma_start3A_349 = arith.constant 0 : i32
        %dma_start3A_350 = tpu.memref_slice %arg2[%dma_start3A_348, %dma_start3A_349] : memref<10000x32xf32, #tpu.memory_space<hbm>> -> memref<10000x32xf32, #tpu.memory_space<hbm>>
        tpu.enqueue_indirect_dma source(%dma_start3A_350 : memref<10000x32xf32, #tpu.memory_space<hbm>>) target(%arg10 : memref<40x32xf32, #tpu.memory_space<vmem>>) offsets(%dma_start3A_347 : memref<40xi32, #tpu.memory_space<vmem>>) semaphore(%arg20 : memref<!tpu.dma_semaphore, #tpu.memory_space<semaphore_mem>>)
        %dma_wait3A_351 = arith.constant 0 : i32
        %dma_wait3A_352 = arith.constant 0 : i32
        %dma_wait3A_353 = tpu.memref_slice %arg8[%dma_wait3A_351, %dma_wait3A_352] : memref<250x40xi32, #tpu.memory_space<vmem>> -> memref<1x40xi32, #tpu.memory_space<vmem>>
        %dma_wait3A_354 = tpu.memref_squeeze %dma_wait3A_353 : memref<1x40xi32, #tpu.memory_space<vmem>> -> memref<40xi32, #tpu.memory_space<vmem>>
        %dma_wait3A_355 = arith.constant 0 : i32
        %dma_wait3A_356 = arith.constant 0 : i32
        %dma_wait3A_357 = tpu.memref_slice %arg9[%dma_wait3A_355, %dma_wait3A_356] : memref<10112x32xf32, #tpu.memory_space<vmem_shared>> -> memref<10112x32xf32, #tpu.memory_space<vmem_shared>>
        tpu.wait_indirect_dma semaphore(%arg31 : memref<!tpu.dma_semaphore, #tpu.memory_space<semaphore_mem>>) src(%arg11 : memref<40x32xf32, #tpu.memory_space<vmem>>) dst(%dma_wait3A_357 : memref<10112x32xf32, #tpu.memory_space<vmem_shared>>)
        %add3A_358 = arith.constant 1 : i32
        %add3A_359 = arith.addi %scan3A_150, %add3A_358 : i32
        %mul3A_360 = arith.constant 10 : i32
        %mul3A_361 = arith.muli %add3A_359, %mul3A_360 : i32
        %add3A_362 = arith.constant 1 : i32
        %add3A_363 = arith.addi %mul3A_361, %add3A_362 : i32
        %dma_start3A_364 = arith.constant 0 : i32
        %dma_start3A_365 = tpu.memref_slice %arg7[%add3A_363, %dma_start3A_364] : memref<250x40xi32, #tpu.memory_space<vmem>> -> memref<1x40xi32, #tpu.memory_space<vmem>>
        %dma_start3A_366 = tpu.memref_squeeze %dma_start3A_365 : memref<1x40xi32, #tpu.memory_space<vmem>> -> memref<40xi32, #tpu.memory_space<vmem>>
        %dma_start3A_367 = arith.constant 0 : i32
        %dma_start3A_368 = arith.constant 0 : i32
        %dma_start3A_369 = tpu.memref_slice %arg2[%dma_start3A_367, %dma_start3A_368] : memref<10000x32xf32, #tpu.memory_space<hbm>> -> memref<10000x32xf32, #tpu.memory_space<hbm>>
        tpu.enqueue_indirect_dma source(%dma_start3A_369 : memref<10000x32xf32, #tpu.memory_space<hbm>>) target(%arg11 : memref<40x32xf32, #tpu.memory_space<vmem>>) offsets(%dma_start3A_366 : memref<40xi32, #tpu.memory_space<vmem>>) semaphore(%arg21 : memref<!tpu.dma_semaphore, #tpu.memory_space<semaphore_mem>>)
        %dma_wait3A_370 = arith.constant 0 : i32
        %dma_wait3A_371 = arith.constant 0 : i32
        %dma_wait3A_372 = tpu.memref_slice %arg8[%dma_wait3A_370, %dma_wait3A_371] : memref<250x40xi32, #tpu.memory_space<vmem>> -> memref<1x40xi32, #tpu.memory_space<vmem>>
        %dma_wait3A_373 = tpu.memref_squeeze %dma_wait3A_372 : memref<1x40xi32, #tpu.memory_space<vmem>> -> memref<40xi32, #tpu.memory_space<vmem>>
        %dma_wait3A_374 = arith.constant 0 : i32
        %dma_wait3A_375 = arith.constant 0 : i32
        %dma_wait3A_376 = tpu.memref_slice %arg9[%dma_wait3A_374, %dma_wait3A_375] : memref<10112x32xf32, #tpu.memory_space<vmem_shared>> -> memref<10112x32xf32, #tpu.memory_space<vmem_shared>>
        tpu.wait_indirect_dma semaphore(%arg32 : memref<!tpu.dma_semaphore, #tpu.memory_space<semaphore_mem>>) src(%arg12 : memref<40x32xf32, #tpu.memory_space<vmem>>) dst(%dma_wait3A_376 : memref<10112x32xf32, #tpu.memory_space<vmem_shared>>)
        %add3A_377 = arith.constant 1 : i32
        %add3A_378 = arith.addi %scan3A_150, %add3A_377 : i32
        %mul3A_379 = arith.constant 10 : i32
        %mul3A_380 = arith.muli %add3A_378, %mul3A_379 : i32
        %add3A_381 = arith.constant 2 : i32
        %add3A_382 = arith.addi %mul3A_380, %add3A_381 : i32
        %dma_start3A_383 = arith.constant 0 : i32
        %dma_start3A_384 = tpu.memref_slice %arg7[%add3A_382, %dma_start3A_383] : memref<250x40xi32, #tpu.memory_space<vmem>> -> memref<1x40xi32, #tpu.memory_space<vmem>>
        %dma_start3A_385 = tpu.memref_squeeze %dma_start3A_384 : memref<1x40xi32, #tpu.memory_space<vmem>> -> memref<40xi32, #tpu.memory_space<vmem>>
        %dma_start3A_386 = arith.constant 0 : i32
        %dma_start3A_387 = arith.constant 0 : i32
        %dma_start3A_388 = tpu.memref_slice %arg2[%dma_start3A_386, %dma_start3A_387] : memref<10000x32xf32, #tpu.memory_space<hbm>> -> memref<10000x32xf32, #tpu.memory_space<hbm>>
        tpu.enqueue_indirect_dma source(%dma_start3A_388 : memref<10000x32xf32, #tpu.memory_space<hbm>>) target(%arg12 : memref<40x32xf32, #tpu.memory_space<vmem>>) offsets(%dma_start3A_385 : memref<40xi32, #tpu.memory_space<vmem>>) semaphore(%arg22 : memref<!tpu.dma_semaphore, #tpu.memory_space<semaphore_mem>>)
        %dma_wait3A_389 = arith.constant 0 : i32
        %dma_wait3A_390 = arith.constant 0 : i32
        %dma_wait3A_391 = tpu.memref_slice %arg8[%dma_wait3A_389, %dma_wait3A_390] : memref<250x40xi32, #tpu.memory_space<vmem>> -> memref<1x40xi32, #tpu.memory_space<vmem>>
        %dma_wait3A_392 = tpu.memref_squeeze %dma_wait3A_391 : memref<1x40xi32, #tpu.memory_space<vmem>> -> memref<40xi32, #tpu.memory_space<vmem>>
        %dma_wait3A_393 = arith.constant 0 : i32
        %dma_wait3A_394 = arith.constant 0 : i32
        %dma_wait3A_395 = tpu.memref_slice %arg9[%dma_wait3A_393, %dma_wait3A_394] : memref<10112x32xf32, #tpu.memory_space<vmem_shared>> -> memref<10112x32xf32, #tpu.memory_space<vmem_shared>>
        tpu.wait_indirect_dma semaphore(%arg33 : memref<!tpu.dma_semaphore, #tpu.memory_space<semaphore_mem>>) src(%arg13 : memref<40x32xf32, #tpu.memory_space<vmem>>) dst(%dma_wait3A_395 : memref<10112x32xf32, #tpu.memory_space<vmem_shared>>)
        %add3A_396 = arith.constant 1 : i32
        %add3A_397 = arith.addi %scan3A_150, %add3A_396 : i32
        %mul3A_398 = arith.constant 10 : i32
        %mul3A_399 = arith.muli %add3A_397, %mul3A_398 : i32
        %add3A_400 = arith.constant 3 : i32
        %add3A_401 = arith.addi %mul3A_399, %add3A_400 : i32
        %dma_start3A_402 = arith.constant 0 : i32
        %dma_start3A_403 = tpu.memref_slice %arg7[%add3A_401, %dma_start3A_402] : memref<250x40xi32, #tpu.memory_space<vmem>> -> memref<1x40xi32, #tpu.memory_space<vmem>>
        %dma_start3A_404 = tpu.memref_squeeze %dma_start3A_403 : memref<1x40xi32, #tpu.memory_space<vmem>> -> memref<40xi32, #tpu.memory_space<vmem>>
        %dma_start3A_405 = arith.constant 0 : i32
        %dma_start3A_406 = arith.constant 0 : i32
        %dma_start3A_407 = tpu.memref_slice %arg2[%dma_start3A_405, %dma_start3A_406] : memref<10000x32xf32, #tpu.memory_space<hbm>> -> memref<10000x32xf32, #tpu.memory_space<hbm>>
        tpu.enqueue_indirect_dma source(%dma_start3A_407 : memref<10000x32xf32, #tpu.memory_space<hbm>>) target(%arg13 : memref<40x32xf32, #tpu.memory_space<vmem>>) offsets(%dma_start3A_404 : memref<40xi32, #tpu.memory_space<vmem>>) semaphore(%arg23 : memref<!tpu.dma_semaphore, #tpu.memory_space<semaphore_mem>>)
        %dma_wait3A_408 = arith.constant 0 : i32
        %dma_wait3A_409 = arith.constant 0 : i32
        %dma_wait3A_410 = tpu.memref_slice %arg8[%dma_wait3A_408, %dma_wait3A_409] : memref<250x40xi32, #tpu.memory_space<vmem>> -> memref<1x40xi32, #tpu.memory_space<vmem>>
        %dma_wait3A_411 = tpu.memref_squeeze %dma_wait3A_410 : memref<1x40xi32, #tpu.memory_space<vmem>> -> memref<40xi32, #tpu.memory_space<vmem>>
        %dma_wait3A_412 = arith.constant 0 : i32
        %dma_wait3A_413 = arith.constant 0 : i32
        %dma_wait3A_414 = tpu.memref_slice %arg9[%dma_wait3A_412, %dma_wait3A_413] : memref<10112x32xf32, #tpu.memory_space<vmem_shared>> -> memref<10112x32xf32, #tpu.memory_space<vmem_shared>>
        tpu.wait_indirect_dma semaphore(%arg34 : memref<!tpu.dma_semaphore, #tpu.memory_space<semaphore_mem>>) src(%arg14 : memref<40x32xf32, #tpu.memory_space<vmem>>) dst(%dma_wait3A_414 : memref<10112x32xf32, #tpu.memory_space<vmem_shared>>)
        %add3A_415 = arith.constant 1 : i32
        %add3A_416 = arith.addi %scan3A_150, %add3A_415 : i32
        %mul3A_417 = arith.constant 10 : i32
        %mul3A_418 = arith.muli %add3A_416, %mul3A_417 : i32
        %add3A_419 = arith.constant 4 : i32
        %add3A_420 = arith.addi %mul3A_418, %add3A_419 : i32
        %dma_start3A_421 = arith.constant 0 : i32
        %dma_start3A_422 = tpu.memref_slice %arg7[%add3A_420, %dma_start3A_421] : memref<250x40xi32, #tpu.memory_space<vmem>> -> memref<1x40xi32, #tpu.memory_space<vmem>>
        %dma_start3A_423 = tpu.memref_squeeze %dma_start3A_422 : memref<1x40xi32, #tpu.memory_space<vmem>> -> memref<40xi32, #tpu.memory_space<vmem>>
        %dma_start3A_424 = arith.constant 0 : i32
        %dma_start3A_425 = arith.constant 0 : i32
        %dma_start3A_426 = tpu.memref_slice %arg2[%dma_start3A_424, %dma_start3A_425] : memref<10000x32xf32, #tpu.memory_space<hbm>> -> memref<10000x32xf32, #tpu.memory_space<hbm>>
        tpu.enqueue_indirect_dma source(%dma_start3A_426 : memref<10000x32xf32, #tpu.memory_space<hbm>>) target(%arg14 : memref<40x32xf32, #tpu.memory_space<vmem>>) offsets(%dma_start3A_423 : memref<40xi32, #tpu.memory_space<vmem>>) semaphore(%arg24 : memref<!tpu.dma_semaphore, #tpu.memory_space<semaphore_mem>>)
      } else {
      }
      %dma_wait3A_240 = arith.constant 0 : i32
      %dma_wait3A_241 = arith.constant 0 : i32
      %dma_wait3A_242 = tpu.memref_slice %arg7[%dma_wait3A_240, %dma_wait3A_241] : memref<250x40xi32, #tpu.memory_space<vmem>> -> memref<1x40xi32, #tpu.memory_space<vmem>>
      %dma_wait3A_243 = tpu.memref_squeeze %dma_wait3A_242 : memref<1x40xi32, #tpu.memory_space<vmem>> -> memref<40xi32, #tpu.memory_space<vmem>>
      %dma_wait3A_244 = arith.constant 0 : i32
      %dma_wait3A_245 = arith.constant 0 : i32
      %dma_wait3A_246 = tpu.memref_slice %arg2[%dma_wait3A_244, %dma_wait3A_245] : memref<10000x32xf32, #tpu.memory_space<hbm>> -> memref<10000x32xf32, #tpu.memory_space<hbm>>
      tpu.wait_indirect_dma semaphore(%arg25 : memref<!tpu.dma_semaphore, #tpu.memory_space<semaphore_mem>>) src(%dma_wait3A_246 : memref<10000x32xf32, #tpu.memory_space<hbm>>) dst(%arg15 : memref<40x32xf32, #tpu.memory_space<vmem>>)
      %mul3A_247 = arith.constant 10 : i32
      %mul3A_248 = arith.muli %scan3A_150, %mul3A_247 : i32
      %add3A_249 = arith.constant 5 : i32
      %add3A_250 = arith.addi %mul3A_248, %add3A_249 : i32
      %dma_start3A_251 = arith.constant 0 : i32
      %dma_start3A_252 = tpu.memref_slice %arg8[%add3A_250, %dma_start3A_251] : memref<250x40xi32, #tpu.memory_space<vmem>> -> memref<1x40xi32, #tpu.memory_space<vmem>>
      %dma_start3A_253 = tpu.memref_squeeze %dma_start3A_252 : memref<1x40xi32, #tpu.memory_space<vmem>> -> memref<40xi32, #tpu.memory_space<vmem>>
      %dma_start3A_254 = arith.constant 0 : i32
      %dma_start3A_255 = arith.constant 0 : i32
      %dma_start3A_256 = tpu.memref_slice %arg9[%dma_start3A_254, %dma_start3A_255] : memref<10112x32xf32, #tpu.memory_space<vmem_shared>> -> memref<10112x32xf32, #tpu.memory_space<vmem_shared>>
      tpu.enqueue_indirect_dma source(%arg15 : memref<40x32xf32, #tpu.memory_space<vmem>>) target(%dma_start3A_256 : memref<10112x32xf32, #tpu.memory_space<vmem_shared>>) offsets(%dma_start3A_253 : memref<40xi32, #tpu.memory_space<vmem>>) semaphore(%arg35 : memref<!tpu.dma_semaphore, #tpu.memory_space<semaphore_mem>>) {add = true}
      %dma_wait3A_257 = arith.constant 0 : i32
      %dma_wait3A_258 = arith.constant 0 : i32
      %dma_wait3A_259 = tpu.memref_slice %arg7[%dma_wait3A_257, %dma_wait3A_258] : memref<250x40xi32, #tpu.memory_space<vmem>> -> memref<1x40xi32, #tpu.memory_space<vmem>>
      %dma_wait3A_260 = tpu.memref_squeeze %dma_wait3A_259 : memref<1x40xi32, #tpu.memory_space<vmem>> -> memref<40xi32, #tpu.memory_space<vmem>>
      %dma_wait3A_261 = arith.constant 0 : i32
      %dma_wait3A_262 = arith.constant 0 : i32
      %dma_wait3A_263 = tpu.memref_slice %arg2[%dma_wait3A_261, %dma_wait3A_262] : memref<10000x32xf32, #tpu.memory_space<hbm>> -> memref<10000x32xf32, #tpu.memory_space<hbm>>
      tpu.wait_indirect_dma semaphore(%arg26 : memref<!tpu.dma_semaphore, #tpu.memory_space<semaphore_mem>>) src(%dma_wait3A_263 : memref<10000x32xf32, #tpu.memory_space<hbm>>) dst(%arg16 : memref<40x32xf32, #tpu.memory_space<vmem>>)
      %mul3A_264 = arith.constant 10 : i32
      %mul3A_265 = arith.muli %scan3A_150, %mul3A_264 : i32
      %add3A_266 = arith.constant 6 : i32
      %add3A_267 = arith.addi %mul3A_265, %add3A_266 : i32
      %dma_start3A_268 = arith.constant 0 : i32
      %dma_start3A_269 = tpu.memref_slice %arg8[%add3A_267, %dma_start3A_268] : memref<250x40xi32, #tpu.memory_space<vmem>> -> memref<1x40xi32, #tpu.memory_space<vmem>>
      %dma_start3A_270 = tpu.memref_squeeze %dma_start3A_269 : memref<1x40xi32, #tpu.memory_space<vmem>> -> memref<40xi32, #tpu.memory_space<vmem>>
      %dma_start3A_271 = arith.constant 0 : i32
      %dma_start3A_272 = arith.constant 0 : i32
      %dma_start3A_273 = tpu.memref_slice %arg9[%dma_start3A_271, %dma_start3A_272] : memref<10112x32xf32, #tpu.memory_space<vmem_shared>> -> memref<10112x32xf32, #tpu.memory_space<vmem_shared>>
      tpu.enqueue_indirect_dma source(%arg16 : memref<40x32xf32, #tpu.memory_space<vmem>>) target(%dma_start3A_273 : memref<10112x32xf32, #tpu.memory_space<vmem_shared>>) offsets(%dma_start3A_270 : memref<40xi32, #tpu.memory_space<vmem>>) semaphore(%arg36 : memref<!tpu.dma_semaphore, #tpu.memory_space<semaphore_mem>>) {add = true}
      %dma_wait3A_274 = arith.constant 0 : i32
      %dma_wait3A_275 = arith.constant 0 : i32
      %dma_wait3A_276 = tpu.memref_slice %arg7[%dma_wait3A_274, %dma_wait3A_275] : memref<250x40xi32, #tpu.memory_space<vmem>> -> memref<1x40xi32, #tpu.memory_space<vmem>>
      %dma_wait3A_277 = tpu.memref_squeeze %dma_wait3A_276 : memref<1x40xi32, #tpu.memory_space<vmem>> -> memref<40xi32, #tpu.memory_space<vmem>>
      %dma_wait3A_278 = arith.constant 0 : i32
      %dma_wait3A_279 = arith.constant 0 : i32
      %dma_wait3A_280 = tpu.memref_slice %arg2[%dma_wait3A_278, %dma_wait3A_279] : memref<10000x32xf32, #tpu.memory_space<hbm>> -> memref<10000x32xf32, #tpu.memory_space<hbm>>
      tpu.wait_indirect_dma semaphore(%arg27 : memref<!tpu.dma_semaphore, #tpu.memory_space<semaphore_mem>>) src(%dma_wait3A_280 : memref<10000x32xf32, #tpu.memory_space<hbm>>) dst(%arg17 : memref<40x32xf32, #tpu.memory_space<vmem>>)
      %mul3A_281 = arith.constant 10 : i32
      %mul3A_282 = arith.muli %scan3A_150, %mul3A_281 : i32
      %add3A_283 = arith.constant 7 : i32
      %add3A_284 = arith.addi %mul3A_282, %add3A_283 : i32
      %dma_start3A_285 = arith.constant 0 : i32
      %dma_start3A_286 = tpu.memref_slice %arg8[%add3A_284, %dma_start3A_285] : memref<250x40xi32, #tpu.memory_space<vmem>> -> memref<1x40xi32, #tpu.memory_space<vmem>>
      %dma_start3A_287 = tpu.memref_squeeze %dma_start3A_286 : memref<1x40xi32, #tpu.memory_space<vmem>> -> memref<40xi32, #tpu.memory_space<vmem>>
      %dma_start3A_288 = arith.constant 0 : i32
      %dma_start3A_289 = arith.constant 0 : i32
      %dma_start3A_290 = tpu.memref_slice %arg9[%dma_start3A_288, %dma_start3A_289] : memref<10112x32xf32, #tpu.memory_space<vmem_shared>> -> memref<10112x32xf32, #tpu.memory_space<vmem_shared>>
      tpu.enqueue_indirect_dma source(%arg17 : memref<40x32xf32, #tpu.memory_space<vmem>>) target(%dma_start3A_290 : memref<10112x32xf32, #tpu.memory_space<vmem_shared>>) offsets(%dma_start3A_287 : memref<40xi32, #tpu.memory_space<vmem>>) semaphore(%arg37 : memref<!tpu.dma_semaphore, #tpu.memory_space<semaphore_mem>>) {add = true}
      %dma_wait3A_291 = arith.constant 0 : i32
      %dma_wait3A_292 = arith.constant 0 : i32
      %dma_wait3A_293 = tpu.memref_slice %arg7[%dma_wait3A_291, %dma_wait3A_292] : memref<250x40xi32, #tpu.memory_space<vmem>> -> memref<1x40xi32, #tpu.memory_space<vmem>>
      %dma_wait3A_294 = tpu.memref_squeeze %dma_wait3A_293 : memref<1x40xi32, #tpu.memory_space<vmem>> -> memref<40xi32, #tpu.memory_space<vmem>>
      %dma_wait3A_295 = arith.constant 0 : i32
      %dma_wait3A_296 = arith.constant 0 : i32
      %dma_wait3A_297 = tpu.memref_slice %arg2[%dma_wait3A_295, %dma_wait3A_296] : memref<10000x32xf32, #tpu.memory_space<hbm>> -> memref<10000x32xf32, #tpu.memory_space<hbm>>
      tpu.wait_indirect_dma semaphore(%arg28 : memref<!tpu.dma_semaphore, #tpu.memory_space<semaphore_mem>>) src(%dma_wait3A_297 : memref<10000x32xf32, #tpu.memory_space<hbm>>) dst(%arg18 : memref<40x32xf32, #tpu.memory_space<vmem>>)
      %mul3A_298 = arith.constant 10 : i32
      %mul3A_299 = arith.muli %scan3A_150, %mul3A_298 : i32
      %add3A_300 = arith.constant 8 : i32
      %add3A_301 = arith.addi %mul3A_299, %add3A_300 : i32
      %dma_start3A_302 = arith.constant 0 : i32
      %dma_start3A_303 = tpu.memref_slice %arg8[%add3A_301, %dma_start3A_302] : memref<250x40xi32, #tpu.memory_space<vmem>> -> memref<1x40xi32, #tpu.memory_space<vmem>>
      %dma_start3A_304 = tpu.memref_squeeze %dma_start3A_303 : memref<1x40xi32, #tpu.memory_space<vmem>> -> memref<40xi32, #tpu.memory_space<vmem>>
      %dma_start3A_305 = arith.constant 0 : i32
      %dma_start3A_306 = arith.constant 0 : i32
      %dma_start3A_307 = tpu.memref_slice %arg9[%dma_start3A_305, %dma_start3A_306] : memref<10112x32xf32, #tpu.memory_space<vmem_shared>> -> memref<10112x32xf32, #tpu.memory_space<vmem_shared>>
      tpu.enqueue_indirect_dma source(%arg18 : memref<40x32xf32, #tpu.memory_space<vmem>>) target(%dma_start3A_307 : memref<10112x32xf32, #tpu.memory_space<vmem_shared>>) offsets(%dma_start3A_304 : memref<40xi32, #tpu.memory_space<vmem>>) semaphore(%arg38 : memref<!tpu.dma_semaphore, #tpu.memory_space<semaphore_mem>>) {add = true}
      %dma_wait3A_308 = arith.constant 0 : i32
      %dma_wait3A_309 = arith.constant 0 : i32
      %dma_wait3A_310 = tpu.memref_slice %arg7[%dma_wait3A_308, %dma_wait3A_309] : memref<250x40xi32, #tpu.memory_space<vmem>> -> memref<1x40xi32, #tpu.memory_space<vmem>>
      %dma_wait3A_311 = tpu.memref_squeeze %dma_wait3A_310 : memref<1x40xi32, #tpu.memory_space<vmem>> -> memref<40xi32, #tpu.memory_space<vmem>>
      %dma_wait3A_312 = arith.constant 0 : i32
      %dma_wait3A_313 = arith.constant 0 : i32
      %dma_wait3A_314 = tpu.memref_slice %arg2[%dma_wait3A_312, %dma_wait3A_313] : memref<10000x32xf32, #tpu.memory_space<hbm>> -> memref<10000x32xf32, #tpu.memory_space<hbm>>
      tpu.wait_indirect_dma semaphore(%arg29 : memref<!tpu.dma_semaphore, #tpu.memory_space<semaphore_mem>>) src(%dma_wait3A_314 : memref<10000x32xf32, #tpu.memory_space<hbm>>) dst(%arg19 : memref<40x32xf32, #tpu.memory_space<vmem>>)
      %mul3A_315 = arith.constant 10 : i32
      %mul3A_316 = arith.muli %scan3A_150, %mul3A_315 : i32
      %add3A_317 = arith.constant 9 : i32
      %add3A_318 = arith.addi %mul3A_316, %add3A_317 : i32
      %dma_start3A_319 = arith.constant 0 : i32
      %dma_start3A_320 = tpu.memref_slice %arg8[%add3A_318, %dma_start3A_319] : memref<250x40xi32, #tpu.memory_space<vmem>> -> memref<1x40xi32, #tpu.memory_space<vmem>>
      %dma_start3A_321 = tpu.memref_squeeze %dma_start3A_320 : memref<1x40xi32, #tpu.memory_space<vmem>> -> memref<40xi32, #tpu.memory_space<vmem>>
      %dma_start3A_322 = arith.constant 0 : i32
      %dma_start3A_323 = arith.constant 0 : i32
      %dma_start3A_324 = tpu.memref_slice %arg9[%dma_start3A_322, %dma_start3A_323] : memref<10112x32xf32, #tpu.memory_space<vmem_shared>> -> memref<10112x32xf32, #tpu.memory_space<vmem_shared>>
      tpu.enqueue_indirect_dma source(%arg19 : memref<40x32xf32, #tpu.memory_space<vmem>>) target(%dma_start3A_324 : memref<10112x32xf32, #tpu.memory_space<vmem_shared>>) offsets(%dma_start3A_321 : memref<40xi32, #tpu.memory_space<vmem>>) semaphore(%arg39 : memref<!tpu.dma_semaphore, #tpu.memory_space<semaphore_mem>>) {add = true}
      %add3A_325 = arith.constant 1 : i32
      %add3A_326 = arith.addi %scan3A_150, %add3A_325 : i32
      %lt3A_327 = arith.constant 25 : i32
      %lt3A_328 = arith.cmpi slt, %add3A_326, %lt3A_327 : i32
      %convert_element_type3A_329 = arith.extui %lt3A_328 : i1 to i32
      %cond3A_330 = arith.constant 0 : i32
      %cond3A_331 = arith.cmpi ne, %convert_element_type3A_329, %cond3A_330 : i32
      scf.if %cond3A_331 {
        %dma_wait3A_332 = arith.constant 0 : i32
        %dma_wait3A_333 = arith.constant 0 : i32
        %dma_wait3A_334 = tpu.memref_slice %arg8[%dma_wait3A_332, %dma_wait3A_333] : memref<250x40xi32, #tpu.memory_space<vmem>> -> memref<1x40xi32, #tpu.memory_space<vmem>>
        %dma_wait3A_335 = tpu.memref_squeeze %dma_wait3A_334 : memref<1x40xi32, #tpu.memory_space<vmem>> -> memref<40xi32, #tpu.memory_space<vmem>>
        %dma_wait3A_336 = arith.constant 0 : i32
        %dma_wait3A_337 = arith.constant 0 : i32
        %dma_wait3A_338 = tpu.memref_slice %arg9[%dma_wait3A_336, %dma_wait3A_337] : memref<10112x32xf32, #tpu.memory_space<vmem_shared>> -> memref<10112x32xf32, #tpu.memory_space<vmem_shared>>
        tpu.wait_indirect_dma semaphore(%arg35 : memref<!tpu.dma_semaphore, #tpu.memory_space<semaphore_mem>>) src(%arg15 : memref<40x32xf32, #tpu.memory_space<vmem>>) dst(%dma_wait3A_338 : memref<10112x32xf32, #tpu.memory_space<vmem_shared>>)
        %add3A_339 = arith.constant 1 : i32
        %add3A_340 = arith.addi %scan3A_150, %add3A_339 : i32
        %mul3A_341 = arith.constant 10 : i32
        %mul3A_342 = arith.muli %add3A_340, %mul3A_341 : i32
        %add3A_343 = arith.constant 5 : i32
        %add3A_344 = arith.addi %mul3A_342, %add3A_343 : i32
        %dma_start3A_345 = arith.constant 0 : i32
        %dma_start3A_346 = tpu.memref_slice %arg7[%add3A_344, %dma_start3A_345] : memref<250x40xi32, #tpu.memory_space<vmem>> -> memref<1x40xi32, #tpu.memory_space<vmem>>
        %dma_start3A_347 = tpu.memref_squeeze %dma_start3A_346 : memref<1x40xi32, #tpu.memory_space<vmem>> -> memref<40xi32, #tpu.memory_space<vmem>>
        %dma_start3A_348 = arith.constant 0 : i32
        %dma_start3A_349 = arith.constant 0 : i32
        %dma_start3A_350 = tpu.memref_slice %arg2[%dma_start3A_348, %dma_start3A_349] : memref<10000x32xf32, #tpu.memory_space<hbm>> -> memref<10000x32xf32, #tpu.memory_space<hbm>>
        tpu.enqueue_indirect_dma source(%dma_start3A_350 : memref<10000x32xf32, #tpu.memory_space<hbm>>) target(%arg15 : memref<40x32xf32, #tpu.memory_space<vmem>>) offsets(%dma_start3A_347 : memref<40xi32, #tpu.memory_space<vmem>>) semaphore(%arg25 : memref<!tpu.dma_semaphore, #tpu.memory_space<semaphore_mem>>)
        %dma_wait3A_351 = arith.constant 0 : i32
        %dma_wait3A_352 = arith.constant 0 : i32
        %dma_wait3A_353 = tpu.memref_slice %arg8[%dma_wait3A_351, %dma_wait3A_352] : memref<250x40xi32, #tpu.memory_space<vmem>> -> memref<1x40xi32, #tpu.memory_space<vmem>>
        %dma_wait3A_354 = tpu.memref_squeeze %dma_wait3A_353 : memref<1x40xi32, #tpu.memory_space<vmem>> -> memref<40xi32, #tpu.memory_space<vmem>>
        %dma_wait3A_355 = arith.constant 0 : i32
        %dma_wait3A_356 = arith.constant 0 : i32
        %dma_wait3A_357 = tpu.memref_slice %arg9[%dma_wait3A_355, %dma_wait3A_356] : memref<10112x32xf32, #tpu.memory_space<vmem_shared>> -> memref<10112x32xf32, #tpu.memory_space<vmem_shared>>
        tpu.wait_indirect_dma semaphore(%arg36 : memref<!tpu.dma_semaphore, #tpu.memory_space<semaphore_mem>>) src(%arg16 : memref<40x32xf32, #tpu.memory_space<vmem>>) dst(%dma_wait3A_357 : memref<10112x32xf32, #tpu.memory_space<vmem_shared>>)
        %add3A_358 = arith.constant 1 : i32
        %add3A_359 = arith.addi %scan3A_150, %add3A_358 : i32
        %mul3A_360 = arith.constant 10 : i32
        %mul3A_361 = arith.muli %add3A_359, %mul3A_360 : i32
        %add3A_362 = arith.constant 6 : i32
        %add3A_363 = arith.addi %mul3A_361, %add3A_362 : i32
        %dma_start3A_364 = arith.constant 0 : i32
        %dma_start3A_365 = tpu.memref_slice %arg7[%add3A_363, %dma_start3A_364] : memref<250x40xi32, #tpu.memory_space<vmem>> -> memref<1x40xi32, #tpu.memory_space<vmem>>
        %dma_start3A_366 = tpu.memref_squeeze %dma_start3A_365 : memref<1x40xi32, #tpu.memory_space<vmem>> -> memref<40xi32, #tpu.memory_space<vmem>>
        %dma_start3A_367 = arith.constant 0 : i32
        %dma_start3A_368 = arith.constant 0 : i32
        %dma_start3A_369 = tpu.memref_slice %arg2[%dma_start3A_367, %dma_start3A_368] : memref<10000x32xf32, #tpu.memory_space<hbm>> -> memref<10000x32xf32, #tpu.memory_space<hbm>>
        tpu.enqueue_indirect_dma source(%dma_start3A_369 : memref<10000x32xf32, #tpu.memory_space<hbm>>) target(%arg16 : memref<40x32xf32, #tpu.memory_space<vmem>>) offsets(%dma_start3A_366 : memref<40xi32, #tpu.memory_space<vmem>>) semaphore(%arg26 : memref<!tpu.dma_semaphore, #tpu.memory_space<semaphore_mem>>)
        %dma_wait3A_370 = arith.constant 0 : i32
        %dma_wait3A_371 = arith.constant 0 : i32
        %dma_wait3A_372 = tpu.memref_slice %arg8[%dma_wait3A_370, %dma_wait3A_371] : memref<250x40xi32, #tpu.memory_space<vmem>> -> memref<1x40xi32, #tpu.memory_space<vmem>>
        %dma_wait3A_373 = tpu.memref_squeeze %dma_wait3A_372 : memref<1x40xi32, #tpu.memory_space<vmem>> -> memref<40xi32, #tpu.memory_space<vmem>>
        %dma_wait3A_374 = arith.constant 0 : i32
        %dma_wait3A_375 = arith.constant 0 : i32
        %dma_wait3A_376 = tpu.memref_slice %arg9[%dma_wait3A_374, %dma_wait3A_375] : memref<10112x32xf32, #tpu.memory_space<vmem_shared>> -> memref<10112x32xf32, #tpu.memory_space<vmem_shared>>
        tpu.wait_indirect_dma semaphore(%arg37 : memref<!tpu.dma_semaphore, #tpu.memory_space<semaphore_mem>>) src(%arg17 : memref<40x32xf32, #tpu.memory_space<vmem>>) dst(%dma_wait3A_376 : memref<10112x32xf32, #tpu.memory_space<vmem_shared>>)
        %add3A_377 = arith.constant 1 : i32
        %add3A_378 = arith.addi %scan3A_150, %add3A_377 : i32
        %mul3A_379 = arith.constant 10 : i32
        %mul3A_380 = arith.muli %add3A_378, %mul3A_379 : i32
        %add3A_381 = arith.constant 7 : i32
        %add3A_382 = arith.addi %mul3A_380, %add3A_381 : i32
        %dma_start3A_383 = arith.constant 0 : i32
        %dma_start3A_384 = tpu.memref_slice %arg7[%add3A_382, %dma_start3A_383] : memref<250x40xi32, #tpu.memory_space<vmem>> -> memref<1x40xi32, #tpu.memory_space<vmem>>
        %dma_start3A_385 = tpu.memref_squeeze %dma_start3A_384 : memref<1x40xi32, #tpu.memory_space<vmem>> -> memref<40xi32, #tpu.memory_space<vmem>>
        %dma_start3A_386 = arith.constant 0 : i32
        %dma_start3A_387 = arith.constant 0 : i32
        %dma_start3A_388 = tpu.memref_slice %arg2[%dma_start3A_386, %dma_start3A_387] : memref<10000x32xf32, #tpu.memory_space<hbm>> -> memref<10000x32xf32, #tpu.memory_space<hbm>>
        tpu.enqueue_indirect_dma source(%dma_start3A_388 : memref<10000x32xf32, #tpu.memory_space<hbm>>) target(%arg17 : memref<40x32xf32, #tpu.memory_space<vmem>>) offsets(%dma_start3A_385 : memref<40xi32, #tpu.memory_space<vmem>>) semaphore(%arg27 : memref<!tpu.dma_semaphore, #tpu.memory_space<semaphore_mem>>)
        %dma_wait3A_389 = arith.constant 0 : i32
        %dma_wait3A_390 = arith.constant 0 : i32
        %dma_wait3A_391 = tpu.memref_slice %arg8[%dma_wait3A_389, %dma_wait3A_390] : memref<250x40xi32, #tpu.memory_space<vmem>> -> memref<1x40xi32, #tpu.memory_space<vmem>>
        %dma_wait3A_392 = tpu.memref_squeeze %dma_wait3A_391 : memref<1x40xi32, #tpu.memory_space<vmem>> -> memref<40xi32, #tpu.memory_space<vmem>>
        %dma_wait3A_393 = arith.constant 0 : i32
        %dma_wait3A_394 = arith.constant 0 : i32
        %dma_wait3A_395 = tpu.memref_slice %arg9[%dma_wait3A_393, %dma_wait3A_394] : memref<10112x32xf32, #tpu.memory_space<vmem_shared>> -> memref<10112x32xf32, #tpu.memory_space<vmem_shared>>
        tpu.wait_indirect_dma semaphore(%arg38 : memref<!tpu.dma_semaphore, #tpu.memory_space<semaphore_mem>>) src(%arg18 : memref<40x32xf32, #tpu.memory_space<vmem>>) dst(%dma_wait3A_395 : memref<10112x32xf32, #tpu.memory_space<vmem_shared>>)
        %add3A_396 = arith.constant 1 : i32
        %add3A_397 = arith.addi %scan3A_150, %add3A_396 : i32
        %mul3A_398 = arith.constant 10 : i32
        %mul3A_399 = arith.muli %add3A_397, %mul3A_398 : i32
        %add3A_400 = arith.constant 8 : i32
        %add3A_401 = arith.addi %mul3A_399, %add3A_400 : i32
        %dma_start3A_402 = arith.constant 0 : i32
        %dma_start3A_403 = tpu.memref_slice %arg7[%add3A_401, %dma_start3A_402] : memref<250x40xi32, #tpu.memory_space<vmem>> -> memref<1x40xi32, #tpu.memory_space<vmem>>
        %dma_start3A_404 = tpu.memref_squeeze %dma_start3A_403 : memref<1x40xi32, #tpu.memory_space<vmem>> -> memref<40xi32, #tpu.memory_space<vmem>>
        %dma_start3A_405 = arith.constant 0 : i32
        %dma_start3A_406 = arith.constant 0 : i32
        %dma_start3A_407 = tpu.memref_slice %arg2[%dma_start3A_405, %dma_start3A_406] : memref<10000x32xf32, #tpu.memory_space<hbm>> -> memref<10000x32xf32, #tpu.memory_space<hbm>>
        tpu.enqueue_indirect_dma source(%dma_start3A_407 : memref<10000x32xf32, #tpu.memory_space<hbm>>) target(%arg18 : memref<40x32xf32, #tpu.memory_space<vmem>>) offsets(%dma_start3A_404 : memref<40xi32, #tpu.memory_space<vmem>>) semaphore(%arg28 : memref<!tpu.dma_semaphore, #tpu.memory_space<semaphore_mem>>)
        %dma_wait3A_408 = arith.constant 0 : i32
        %dma_wait3A_409 = arith.constant 0 : i32
        %dma_wait3A_410 = tpu.memref_slice %arg8[%dma_wait3A_408, %dma_wait3A_409] : memref<250x40xi32, #tpu.memory_space<vmem>> -> memref<1x40xi32, #tpu.memory_space<vmem>>
        %dma_wait3A_411 = tpu.memref_squeeze %dma_wait3A_410 : memref<1x40xi32, #tpu.memory_space<vmem>> -> memref<40xi32, #tpu.memory_space<vmem>>
        %dma_wait3A_412 = arith.constant 0 : i32
        %dma_wait3A_413 = arith.constant 0 : i32
        %dma_wait3A_414 = tpu.memref_slice %arg9[%dma_wait3A_412, %dma_wait3A_413] : memref<10112x32xf32, #tpu.memory_space<vmem_shared>> -> memref<10112x32xf32, #tpu.memory_space<vmem_shared>>
        tpu.wait_indirect_dma semaphore(%arg39 : memref<!tpu.dma_semaphore, #tpu.memory_space<semaphore_mem>>) src(%arg19 : memref<40x32xf32, #tpu.memory_space<vmem>>) dst(%dma_wait3A_414 : memref<10112x32xf32, #tpu.memory_space<vmem_shared>>)
        %add3A_415 = arith.constant 1 : i32
        %add3A_416 = arith.addi %scan3A_150, %add3A_415 : i32
        %mul3A_417 = arith.constant 10 : i32
        %mul3A_418 = arith.muli %add3A_416, %mul3A_417 : i32
        %add3A_419 = arith.constant 9 : i32
        %add3A_420 = arith.addi %mul3A_418, %add3A_419 : i32
        %dma_start3A_421 = arith.constant 0 : i32
        %dma_start3A_422 = tpu.memref_slice %arg7[%add3A_420, %dma_start3A_421] : memref<250x40xi32, #tpu.memory_space<vmem>> -> memref<1x40xi32, #tpu.memory_space<vmem>>
        %dma_start3A_423 = tpu.memref_squeeze %dma_start3A_422 : memref<1x40xi32, #tpu.memory_space<vmem>> -> memref<40xi32, #tpu.memory_space<vmem>>
        %dma_start3A_424 = arith.constant 0 : i32
        %dma_start3A_425 = arith.constant 0 : i32
        %dma_start3A_426 = tpu.memref_slice %arg2[%dma_start3A_424, %dma_start3A_425] : memref<10000x32xf32, #tpu.memory_space<hbm>> -> memref<10000x32xf32, #tpu.memory_space<hbm>>
        tpu.enqueue_indirect_dma source(%dma_start3A_426 : memref<10000x32xf32, #tpu.memory_space<hbm>>) target(%arg19 : memref<40x32xf32, #tpu.memory_space<vmem>>) offsets(%dma_start3A_423 : memref<40xi32, #tpu.memory_space<vmem>>) semaphore(%arg29 : memref<!tpu.dma_semaphore, #tpu.memory_space<semaphore_mem>>)
      } else {
      }
    }
    %scan3A_76 = arith.constant 25 : i32
    %dma_wait3A = arith.constant 0 : i32
    %dma_wait3A_77 = arith.constant 0 : i32
    %dma_wait3A_78 = tpu.memref_slice %arg8[%dma_wait3A, %dma_wait3A_77] : memref<250x40xi32, #tpu.memory_space<vmem>> -> memref<1x40xi32, #tpu.memory_space<vmem>>
    %dma_wait3A_79 = tpu.memref_squeeze %dma_wait3A_78 : memref<1x40xi32, #tpu.memory_space<vmem>> -> memref<40xi32, #tpu.memory_space<vmem>>
    %dma_wait3A_80 = arith.constant 0 : i32
    %dma_wait3A_81 = arith.constant 0 : i32
    %dma_wait3A_82 = tpu.memref_slice %arg9[%dma_wait3A_80, %dma_wait3A_81] : memref<10112x32xf32, #tpu.memory_space<vmem_shared>> -> memref<10112x32xf32, #tpu.memory_space<vmem_shared>>
    tpu.wait_indirect_dma semaphore(%arg30 : memref<!tpu.dma_semaphore, #tpu.memory_space<semaphore_mem>>) src(%arg10 : memref<40x32xf32, #tpu.memory_space<vmem>>) dst(%dma_wait3A_82 : memref<10112x32xf32, #tpu.memory_space<vmem_shared>>)
    %dma_wait3A_83 = arith.constant 0 : i32
    %dma_wait3A_84 = arith.constant 0 : i32
    %dma_wait3A_85 = tpu.memref_slice %arg8[%dma_wait3A_83, %dma_wait3A_84] : memref<250x40xi32, #tpu.memory_space<vmem>> -> memref<1x40xi32, #tpu.memory_space<vmem>>
    %dma_wait3A_86 = tpu.memref_squeeze %dma_wait3A_85 : memref<1x40xi32, #tpu.memory_space<vmem>> -> memref<40xi32, #tpu.memory_space<vmem>>
    %dma_wait3A_87 = arith.constant 0 : i32
    %dma_wait3A_88 = arith.constant 0 : i32
    %dma_wait3A_89 = tpu.memref_slice %arg9[%dma_wait3A_87, %dma_wait3A_88] : memref<10112x32xf32, #tpu.memory_space<vmem_shared>> -> memref<10112x32xf32, #tpu.memory_space<vmem_shared>>
    tpu.wait_indirect_dma semaphore(%arg31 : memref<!tpu.dma_semaphore, #tpu.memory_space<semaphore_mem>>) src(%arg11 : memref<40x32xf32, #tpu.memory_space<vmem>>) dst(%dma_wait3A_89 : memref<10112x32xf32, #tpu.memory_space<vmem_shared>>)
    %dma_wait3A_90 = arith.constant 0 : i32
    %dma_wait3A_91 = arith.constant 0 : i32
    %dma_wait3A_92 = tpu.memref_slice %arg8[%dma_wait3A_90, %dma_wait3A_91] : memref<250x40xi32, #tpu.memory_space<vmem>> -> memref<1x40xi32, #tpu.memory_space<vmem>>
    %dma_wait3A_93 = tpu.memref_squeeze %dma_wait3A_92 : memref<1x40xi32, #tpu.memory_space<vmem>> -> memref<40xi32, #tpu.memory_space<vmem>>
    %dma_wait3A_94 = arith.constant 0 : i32
    %dma_wait3A_95 = arith.constant 0 : i32
    %dma_wait3A_96 = tpu.memref_slice %arg9[%dma_wait3A_94, %dma_wait3A_95] : memref<10112x32xf32, #tpu.memory_space<vmem_shared>> -> memref<10112x32xf32, #tpu.memory_space<vmem_shared>>
    tpu.wait_indirect_dma semaphore(%arg32 : memref<!tpu.dma_semaphore, #tpu.memory_space<semaphore_mem>>) src(%arg12 : memref<40x32xf32, #tpu.memory_space<vmem>>) dst(%dma_wait3A_96 : memref<10112x32xf32, #tpu.memory_space<vmem_shared>>)
    %dma_wait3A_97 = arith.constant 0 : i32
    %dma_wait3A_98 = arith.constant 0 : i32
    %dma_wait3A_99 = tpu.memref_slice %arg8[%dma_wait3A_97, %dma_wait3A_98] : memref<250x40xi32, #tpu.memory_space<vmem>> -> memref<1x40xi32, #tpu.memory_space<vmem>>
    %dma_wait3A_100 = tpu.memref_squeeze %dma_wait3A_99 : memref<1x40xi32, #tpu.memory_space<vmem>> -> memref<40xi32, #tpu.memory_space<vmem>>
    %dma_wait3A_101 = arith.constant 0 : i32
    %dma_wait3A_102 = arith.constant 0 : i32
    %dma_wait3A_103 = tpu.memref_slice %arg9[%dma_wait3A_101, %dma_wait3A_102] : memref<10112x32xf32, #tpu.memory_space<vmem_shared>> -> memref<10112x32xf32, #tpu.memory_space<vmem_shared>>
    tpu.wait_indirect_dma semaphore(%arg33 : memref<!tpu.dma_semaphore, #tpu.memory_space<semaphore_mem>>) src(%arg13 : memref<40x32xf32, #tpu.memory_space<vmem>>) dst(%dma_wait3A_103 : memref<10112x32xf32, #tpu.memory_space<vmem_shared>>)
    %dma_wait3A_104 = arith.constant 0 : i32
    %dma_wait3A_105 = arith.constant 0 : i32
    %dma_wait3A_106 = tpu.memref_slice %arg8[%dma_wait3A_104, %dma_wait3A_105] : memref<250x40xi32, #tpu.memory_space<vmem>> -> memref<1x40xi32, #tpu.memory_space<vmem>>
    %dma_wait3A_107 = tpu.memref_squeeze %dma_wait3A_106 : memref<1x40xi32, #tpu.memory_space<vmem>> -> memref<40xi32, #tpu.memory_space<vmem>>
    %dma_wait3A_108 = arith.constant 0 : i32
    %dma_wait3A_109 = arith.constant 0 : i32
    %dma_wait3A_110 = tpu.memref_slice %arg9[%dma_wait3A_108, %dma_wait3A_109] : memref<10112x32xf32, #tpu.memory_space<vmem_shared>> -> memref<10112x32xf32, #tpu.memory_space<vmem_shared>>
    tpu.wait_indirect_dma semaphore(%arg34 : memref<!tpu.dma_semaphore, #tpu.memory_space<semaphore_mem>>) src(%arg14 : memref<40x32xf32, #tpu.memory_space<vmem>>) dst(%dma_wait3A_110 : memref<10112x32xf32, #tpu.memory_space<vmem_shared>>)
    %dma_wait3A_111 = arith.constant 0 : i32
    %dma_wait3A_112 = arith.constant 0 : i32
    %dma_wait3A_113 = tpu.memref_slice %arg8[%dma_wait3A_111, %dma_wait3A_112] : memref<250x40xi32, #tpu.memory_space<vmem>> -> memref<1x40xi32, #tpu.memory_space<vmem>>
    %dma_wait3A_114 = tpu.memref_squeeze %dma_wait3A_113 : memref<1x40xi32, #tpu.memory_space<vmem>> -> memref<40xi32, #tpu.memory_space<vmem>>
    %dma_wait3A_115 = arith.constant 0 : i32
    %dma_wait3A_116 = arith.constant 0 : i32
    %dma_wait3A_117 = tpu.memref_slice %arg9[%dma_wait3A_115, %dma_wait3A_116] : memref<10112x32xf32, #tpu.memory_space<vmem_shared>> -> memref<10112x32xf32, #tpu.memory_space<vmem_shared>>
    tpu.wait_indirect_dma semaphore(%arg35 : memref<!tpu.dma_semaphore, #tpu.memory_space<semaphore_mem>>) src(%arg15 : memref<40x32xf32, #tpu.memory_space<vmem>>) dst(%dma_wait3A_117 : memref<10112x32xf32, #tpu.memory_space<vmem_shared>>)
    %dma_wait3A_118 = arith.constant 0 : i32
    %dma_wait3A_119 = arith.constant 0 : i32
    %dma_wait3A_120 = tpu.memref_slice %arg8[%dma_wait3A_118, %dma_wait3A_119] : memref<250x40xi32, #tpu.memory_space<vmem>> -> memref<1x40xi32, #tpu.memory_space<vmem>>
    %dma_wait3A_121 = tpu.memref_squeeze %dma_wait3A_120 : memref<1x40xi32, #tpu.memory_space<vmem>> -> memref<40xi32, #tpu.memory_space<vmem>>
    %dma_wait3A_122 = arith.constant 0 : i32
    %dma_wait3A_123 = arith.constant 0 : i32
    %dma_wait3A_124 = tpu.memref_slice %arg9[%dma_wait3A_122, %dma_wait3A_123] : memref<10112x32xf32, #tpu.memory_space<vmem_shared>> -> memref<10112x32xf32, #tpu.memory_space<vmem_shared>>
    tpu.wait_indirect_dma semaphore(%arg36 : memref<!tpu.dma_semaphore, #tpu.memory_space<semaphore_mem>>) src(%arg16 : memref<40x32xf32, #tpu.memory_space<vmem>>) dst(%dma_wait3A_124 : memref<10112x32xf32, #tpu.memory_space<vmem_shared>>)
    %dma_wait3A_125 = arith.constant 0 : i32
    %dma_wait3A_126 = arith.constant 0 : i32
    %dma_wait3A_127 = tpu.memref_slice %arg8[%dma_wait3A_125, %dma_wait3A_126] : memref<250x40xi32, #tpu.memory_space<vmem>> -> memref<1x40xi32, #tpu.memory_space<vmem>>
    %dma_wait3A_128 = tpu.memref_squeeze %dma_wait3A_127 : memref<1x40xi32, #tpu.memory_space<vmem>> -> memref<40xi32, #tpu.memory_space<vmem>>
    %dma_wait3A_129 = arith.constant 0 : i32
    %dma_wait3A_130 = arith.constant 0 : i32
    %dma_wait3A_131 = tpu.memref_slice %arg9[%dma_wait3A_129, %dma_wait3A_130] : memref<10112x32xf32, #tpu.memory_space<vmem_shared>> -> memref<10112x32xf32, #tpu.memory_space<vmem_shared>>
    tpu.wait_indirect_dma semaphore(%arg37 : memref<!tpu.dma_semaphore, #tpu.memory_space<semaphore_mem>>) src(%arg17 : memref<40x32xf32, #tpu.memory_space<vmem>>) dst(%dma_wait3A_131 : memref<10112x32xf32, #tpu.memory_space<vmem_shared>>)
    %dma_wait3A_132 = arith.constant 0 : i32
    %dma_wait3A_133 = arith.constant 0 : i32
    %dma_wait3A_134 = tpu.memref_slice %arg8[%dma_wait3A_132, %dma_wait3A_133] : memref<250x40xi32, #tpu.memory_space<vmem>> -> memref<1x40xi32, #tpu.memory_space<vmem>>
    %dma_wait3A_135 = tpu.memref_squeeze %dma_wait3A_134 : memref<1x40xi32, #tpu.memory_space<vmem>> -> memref<40xi32, #tpu.memory_space<vmem>>
    %dma_wait3A_136 = arith.constant 0 : i32
    %dma_wait3A_137 = arith.constant 0 : i32
    %dma_wait3A_138 = tpu.memref_slice %arg9[%dma_wait3A_136, %dma_wait3A_137] : memref<10112x32xf32, #tpu.memory_space<vmem_shared>> -> memref<10112x32xf32, #tpu.memory_space<vmem_shared>>
    tpu.wait_indirect_dma semaphore(%arg38 : memref<!tpu.dma_semaphore, #tpu.memory_space<semaphore_mem>>) src(%arg18 : memref<40x32xf32, #tpu.memory_space<vmem>>) dst(%dma_wait3A_138 : memref<10112x32xf32, #tpu.memory_space<vmem_shared>>)
    %dma_wait3A_139 = arith.constant 0 : i32
    %dma_wait3A_140 = arith.constant 0 : i32
    %dma_wait3A_141 = tpu.memref_slice %arg8[%dma_wait3A_139, %dma_wait3A_140] : memref<250x40xi32, #tpu.memory_space<vmem>> -> memref<1x40xi32, #tpu.memory_space<vmem>>
    %dma_wait3A_142 = tpu.memref_squeeze %dma_wait3A_141 : memref<1x40xi32, #tpu.memory_space<vmem>> -> memref<40xi32, #tpu.memory_space<vmem>>
    %dma_wait3A_143 = arith.constant 0 : i32
    %dma_wait3A_144 = arith.constant 0 : i32
    %dma_wait3A_145 = tpu.memref_slice %arg9[%dma_wait3A_143, %dma_wait3A_144] : memref<10112x32xf32, #tpu.memory_space<vmem_shared>> -> memref<10112x32xf32, #tpu.memory_space<vmem_shared>>
    tpu.wait_indirect_dma semaphore(%arg39 : memref<!tpu.dma_semaphore, #tpu.memory_space<semaphore_mem>>) src(%arg19 : memref<40x32xf32, #tpu.memory_space<vmem>>) dst(%dma_wait3A_145 : memref<10112x32xf32, #tpu.memory_space<vmem_shared>>)
    %barrier3A_146 = arith.constant 0 : index
    tpu.barrier barrier_id(%barrier3A_146)
    %mul3A_147 = arith.constant 10112 : i32
    %mul3A_148 = arith.muli %arg0, %mul3A_147 : i32
    %add3A_149 = arith.addi %mul3A_148, %mul3A_2 : i32
    "tpu.region"() ({
      %run_scoped3A = tpu.sem_alloc : memref<!tpu.dma_semaphore, #tpu.memory_space<semaphore_mem>>
      %dma_start3A_150 = arith.constant 0 : i32
      %dma_start3A_151 = tpu.memref_slice %arg6[%add3A_149, %dma_start3A_150] : memref<20224x32xf32, #tpu.memory_space<hbm>> -> memref<632x32xf32, #tpu.memory_space<hbm>>
      %dma_start3A_152 = arith.constant 0 : i32
      %dma_start3A_153 = tpu.memref_slice %arg9[%mul3A_2, %dma_start3A_152] : memref<10112x32xf32, #tpu.memory_space<vmem_shared>> -> memref<632x32xf32, #tpu.memory_space<vmem_shared>>
      tpu.enqueue_dma source(%dma_start3A_153 : memref<632x32xf32, #tpu.memory_space<vmem_shared>>) target(%dma_start3A_151 : memref<632x32xf32, #tpu.memory_space<hbm>>) target_semaphore(%run_scoped3A : memref<!tpu.dma_semaphore, #tpu.memory_space<semaphore_mem>>)
      %dma_wait3A_154 = arith.constant 0 : i32
      %dma_wait3A_155 = tpu.memref_slice %arg6[%add3A_149, %dma_wait3A_154] : memref<20224x32xf32, #tpu.memory_space<hbm>> -> memref<632x32xf32, #tpu.memory_space<hbm>>
      %dma_wait3A_156 = arith.constant 0 : i32
      %dma_wait3A_157 = tpu.memref_slice %arg9[%mul3A_2, %dma_wait3A_156] : memref<10112x32xf32, #tpu.memory_space<vmem_shared>> -> memref<632x32xf32, #tpu.memory_space<vmem_shared>>
      tpu.wait_dma2 semaphore(%run_scoped3A : memref<!tpu.dma_semaphore, #tpu.memory_space<semaphore_mem>>) src(%dma_wait3A_157 : memref<632x32xf32, #tpu.memory_space<vmem_shared>>) dst(%dma_wait3A_155 : memref<632x32xf32, #tpu.memory_space<hbm>>)
      tpu.yield
    }) : () -> ()
    return
  }
}

#map = affine_map<(d0, d1) -> (0, 0)>
#map1 = affine_map<(d0, d1) -> (0, 0, 0)>
module attributes {stable_mosaic.version = 14 : i64} {
  func.func @agg(%arg0: i32, %arg1: i32, %arg2: memref<10000x128xf32, #tpu.memory_space<hbm>>, %arg3: memref<32x250x40xi32, #tpu.memory_space<hbm>>, %arg4: memref<32x250x40xi32, #tpu.memory_space<hbm>>, %arg5: memref<10112x128xf32, #tpu.memory_space<hbm>>, %arg6: memref<20224x128xf32, #tpu.memory_space<hbm>>, %arg7: memref<250x40xi32, #tpu.memory_space<vmem>>, %arg8: memref<250x40xi32, #tpu.memory_space<vmem>>, %arg9: memref<10112x128xf32, #tpu.memory_space<vmem_shared>>, %arg10: memref<40x128xf32, #tpu.memory_space<vmem>>, %arg11: memref<40x128xf32, #tpu.memory_space<vmem>>, %arg12: memref<40x128xf32, #tpu.memory_space<vmem>>, %arg13: memref<40x128xf32, #tpu.memory_space<vmem>>, %arg14: memref<40x128xf32, #tpu.memory_space<vmem>>, %arg15: memref<!tpu.dma_semaphore, #tpu.memory_space<semaphore_mem>>, %arg16: memref<!tpu.dma_semaphore, #tpu.memory_space<semaphore_mem>>, %arg17: memref<!tpu.dma_semaphore, #tpu.memory_space<semaphore_mem>>, %arg18: memref<!tpu.dma_semaphore, #tpu.memory_space<semaphore_mem>>, %arg19: memref<!tpu.dma_semaphore, #tpu.memory_space<semaphore_mem>>, %arg20: memref<!tpu.dma_semaphore, #tpu.memory_space<semaphore_mem>>, %arg21: memref<!tpu.dma_semaphore, #tpu.memory_space<semaphore_mem>>, %arg22: memref<!tpu.dma_semaphore, #tpu.memory_space<semaphore_mem>>, %arg23: memref<!tpu.dma_semaphore, #tpu.memory_space<semaphore_mem>>, %arg24: memref<!tpu.dma_semaphore, #tpu.memory_space<semaphore_mem>>) attributes {dimension_semantics = [#tpu.dimension_semantics<core_parallel>, #tpu.dimension_semantics<subcore_parallel>], iteration_bounds = array<i64: 2, 16>, scalar_prefetch = 0 : i64, scratch_operands = 18 : i64, tpu.core_type = #tpu.core_type<sc_vector_subcore>, window_params = [{transform_indices = #map}, {transform_indices = #map1}, {transform_indices = #map1}, {transform_indices = #map}, {transform_indices = #map}]} {
    %mul3A = arith.constant 2 : i32
    %mul3A_0 = arith.muli %arg1, %mul3A : i32
    %add3A = arith.addi %mul3A_0, %arg0 : i32
    %mul3A_1 = arith.constant 632 : i32
    %mul3A_2 = arith.muli %arg1, %mul3A_1 : i32
    "tpu.region"() ({
      %run_scoped3A = tpu.sem_alloc : memref<!tpu.dma_semaphore, #tpu.memory_space<semaphore_mem>>
      %dma_start3A_80 = arith.constant 0 : i32
      %dma_start3A_81 = arith.constant 0 : i32
      %dma_start3A_82 = tpu.memref_slice %arg3[%add3A, %dma_start3A_80, %dma_start3A_81] : memref<32x250x40xi32, #tpu.memory_space<hbm>> -> memref<1x250x40xi32, #tpu.memory_space<hbm>>
      %dma_start3A_83 = tpu.memref_squeeze %dma_start3A_82 : memref<1x250x40xi32, #tpu.memory_space<hbm>> -> memref<250x40xi32, #tpu.memory_space<hbm>>
      %dma_start3A_84 = arith.constant 0 : i32
      %dma_start3A_85 = arith.constant 0 : i32
      %dma_start3A_86 = tpu.memref_slice %arg3[%add3A, %dma_start3A_84, %dma_start3A_85] : memref<32x250x40xi32, #tpu.memory_space<hbm>> -> memref<1x250x40xi32, #tpu.memory_space<hbm>>
      %dma_start3A_87 = tpu.memref_squeeze %dma_start3A_86 : memref<1x250x40xi32, #tpu.memory_space<hbm>> -> memref<250x40xi32, #tpu.memory_space<hbm>>
      tpu.enqueue_dma source(%dma_start3A_87 : memref<250x40xi32, #tpu.memory_space<hbm>>) target(%arg7 : memref<250x40xi32, #tpu.memory_space<vmem>>) target_semaphore(%run_scoped3A : memref<!tpu.dma_semaphore, #tpu.memory_space<semaphore_mem>>)
      %dma_wait3A_88 = arith.constant 0 : i32
      %dma_wait3A_89 = arith.constant 0 : i32
      %dma_wait3A_90 = tpu.memref_slice %arg3[%add3A, %dma_wait3A_88, %dma_wait3A_89] : memref<32x250x40xi32, #tpu.memory_space<hbm>> -> memref<1x250x40xi32, #tpu.memory_space<hbm>>
      %dma_wait3A_91 = tpu.memref_squeeze %dma_wait3A_90 : memref<1x250x40xi32, #tpu.memory_space<hbm>> -> memref<250x40xi32, #tpu.memory_space<hbm>>
      %dma_wait3A_92 = arith.constant 0 : i32
      %dma_wait3A_93 = arith.constant 0 : i32
      %dma_wait3A_94 = tpu.memref_slice %arg3[%add3A, %dma_wait3A_92, %dma_wait3A_93] : memref<32x250x40xi32, #tpu.memory_space<hbm>> -> memref<1x250x40xi32, #tpu.memory_space<hbm>>
      %dma_wait3A_95 = tpu.memref_squeeze %dma_wait3A_94 : memref<1x250x40xi32, #tpu.memory_space<hbm>> -> memref<250x40xi32, #tpu.memory_space<hbm>>
      tpu.wait_dma2 semaphore(%run_scoped3A : memref<!tpu.dma_semaphore, #tpu.memory_space<semaphore_mem>>) src(%dma_wait3A_95 : memref<250x40xi32, #tpu.memory_space<hbm>>) dst(%arg7 : memref<250x40xi32, #tpu.memory_space<vmem>>)
      tpu.yield
    }) : () -> ()
    "tpu.region"() ({
      %run_scoped3A = tpu.sem_alloc : memref<!tpu.dma_semaphore, #tpu.memory_space<semaphore_mem>>
      %dma_start3A_80 = arith.constant 0 : i32
      %dma_start3A_81 = arith.constant 0 : i32
      %dma_start3A_82 = tpu.memref_slice %arg4[%add3A, %dma_start3A_80, %dma_start3A_81] : memref<32x250x40xi32, #tpu.memory_space<hbm>> -> memref<1x250x40xi32, #tpu.memory_space<hbm>>
      %dma_start3A_83 = tpu.memref_squeeze %dma_start3A_82 : memref<1x250x40xi32, #tpu.memory_space<hbm>> -> memref<250x40xi32, #tpu.memory_space<hbm>>
      %dma_start3A_84 = arith.constant 0 : i32
      %dma_start3A_85 = arith.constant 0 : i32
      %dma_start3A_86 = tpu.memref_slice %arg4[%add3A, %dma_start3A_84, %dma_start3A_85] : memref<32x250x40xi32, #tpu.memory_space<hbm>> -> memref<1x250x40xi32, #tpu.memory_space<hbm>>
      %dma_start3A_87 = tpu.memref_squeeze %dma_start3A_86 : memref<1x250x40xi32, #tpu.memory_space<hbm>> -> memref<250x40xi32, #tpu.memory_space<hbm>>
      tpu.enqueue_dma source(%dma_start3A_87 : memref<250x40xi32, #tpu.memory_space<hbm>>) target(%arg8 : memref<250x40xi32, #tpu.memory_space<vmem>>) target_semaphore(%run_scoped3A : memref<!tpu.dma_semaphore, #tpu.memory_space<semaphore_mem>>)
      %dma_wait3A_88 = arith.constant 0 : i32
      %dma_wait3A_89 = arith.constant 0 : i32
      %dma_wait3A_90 = tpu.memref_slice %arg4[%add3A, %dma_wait3A_88, %dma_wait3A_89] : memref<32x250x40xi32, #tpu.memory_space<hbm>> -> memref<1x250x40xi32, #tpu.memory_space<hbm>>
      %dma_wait3A_91 = tpu.memref_squeeze %dma_wait3A_90 : memref<1x250x40xi32, #tpu.memory_space<hbm>> -> memref<250x40xi32, #tpu.memory_space<hbm>>
      %dma_wait3A_92 = arith.constant 0 : i32
      %dma_wait3A_93 = arith.constant 0 : i32
      %dma_wait3A_94 = tpu.memref_slice %arg4[%add3A, %dma_wait3A_92, %dma_wait3A_93] : memref<32x250x40xi32, #tpu.memory_space<hbm>> -> memref<1x250x40xi32, #tpu.memory_space<hbm>>
      %dma_wait3A_95 = tpu.memref_squeeze %dma_wait3A_94 : memref<1x250x40xi32, #tpu.memory_space<hbm>> -> memref<250x40xi32, #tpu.memory_space<hbm>>
      tpu.wait_dma2 semaphore(%run_scoped3A : memref<!tpu.dma_semaphore, #tpu.memory_space<semaphore_mem>>) src(%dma_wait3A_95 : memref<250x40xi32, #tpu.memory_space<hbm>>) dst(%arg8 : memref<250x40xi32, #tpu.memory_space<vmem>>)
      tpu.yield
    }) : () -> ()
    %dma_start3A = arith.constant 0 : i32
    %dma_start3A_3 = arith.constant 0 : i32
    %dma_start3A_4 = tpu.memref_slice %arg7[%dma_start3A, %dma_start3A_3] : memref<250x40xi32, #tpu.memory_space<vmem>> -> memref<1x40xi32, #tpu.memory_space<vmem>>
    %dma_start3A_5 = tpu.memref_squeeze %dma_start3A_4 : memref<1x40xi32, #tpu.memory_space<vmem>> -> memref<40xi32, #tpu.memory_space<vmem>>
    %dma_start3A_6 = arith.constant 0 : i32
    %dma_start3A_7 = arith.constant 0 : i32
    %dma_start3A_8 = tpu.memref_slice %arg2[%dma_start3A_6, %dma_start3A_7] : memref<10000x128xf32, #tpu.memory_space<hbm>> -> memref<10000x128xf32, #tpu.memory_space<hbm>>
    tpu.enqueue_indirect_dma source(%dma_start3A_8 : memref<10000x128xf32, #tpu.memory_space<hbm>>) target(%arg10 : memref<40x128xf32, #tpu.memory_space<vmem>>) offsets(%dma_start3A_5 : memref<40xi32, #tpu.memory_space<vmem>>) semaphore(%arg15 : memref<!tpu.dma_semaphore, #tpu.memory_space<semaphore_mem>>)
    %dma_start3A_9 = arith.constant 1 : i32
    %dma_start3A_10 = arith.constant 0 : i32
    %dma_start3A_11 = tpu.memref_slice %arg7[%dma_start3A_9, %dma_start3A_10] : memref<250x40xi32, #tpu.memory_space<vmem>> -> memref<1x40xi32, #tpu.memory_space<vmem>>
    %dma_start3A_12 = tpu.memref_squeeze %dma_start3A_11 : memref<1x40xi32, #tpu.memory_space<vmem>> -> memref<40xi32, #tpu.memory_space<vmem>>
    %dma_start3A_13 = arith.constant 0 : i32
    %dma_start3A_14 = arith.constant 0 : i32
    %dma_start3A_15 = tpu.memref_slice %arg2[%dma_start3A_13, %dma_start3A_14] : memref<10000x128xf32, #tpu.memory_space<hbm>> -> memref<10000x128xf32, #tpu.memory_space<hbm>>
    tpu.enqueue_indirect_dma source(%dma_start3A_15 : memref<10000x128xf32, #tpu.memory_space<hbm>>) target(%arg11 : memref<40x128xf32, #tpu.memory_space<vmem>>) offsets(%dma_start3A_12 : memref<40xi32, #tpu.memory_space<vmem>>) semaphore(%arg16 : memref<!tpu.dma_semaphore, #tpu.memory_space<semaphore_mem>>)
    %dma_start3A_16 = arith.constant 2 : i32
    %dma_start3A_17 = arith.constant 0 : i32
    %dma_start3A_18 = tpu.memref_slice %arg7[%dma_start3A_16, %dma_start3A_17] : memref<250x40xi32, #tpu.memory_space<vmem>> -> memref<1x40xi32, #tpu.memory_space<vmem>>
    %dma_start3A_19 = tpu.memref_squeeze %dma_start3A_18 : memref<1x40xi32, #tpu.memory_space<vmem>> -> memref<40xi32, #tpu.memory_space<vmem>>
    %dma_start3A_20 = arith.constant 0 : i32
    %dma_start3A_21 = arith.constant 0 : i32
    %dma_start3A_22 = tpu.memref_slice %arg2[%dma_start3A_20, %dma_start3A_21] : memref<10000x128xf32, #tpu.memory_space<hbm>> -> memref<10000x128xf32, #tpu.memory_space<hbm>>
    tpu.enqueue_indirect_dma source(%dma_start3A_22 : memref<10000x128xf32, #tpu.memory_space<hbm>>) target(%arg12 : memref<40x128xf32, #tpu.memory_space<vmem>>) offsets(%dma_start3A_19 : memref<40xi32, #tpu.memory_space<vmem>>) semaphore(%arg17 : memref<!tpu.dma_semaphore, #tpu.memory_space<semaphore_mem>>)
    %dma_start3A_23 = arith.constant 3 : i32
    %dma_start3A_24 = arith.constant 0 : i32
    %dma_start3A_25 = tpu.memref_slice %arg7[%dma_start3A_23, %dma_start3A_24] : memref<250x40xi32, #tpu.memory_space<vmem>> -> memref<1x40xi32, #tpu.memory_space<vmem>>
    %dma_start3A_26 = tpu.memref_squeeze %dma_start3A_25 : memref<1x40xi32, #tpu.memory_space<vmem>> -> memref<40xi32, #tpu.memory_space<vmem>>
    %dma_start3A_27 = arith.constant 0 : i32
    %dma_start3A_28 = arith.constant 0 : i32
    %dma_start3A_29 = tpu.memref_slice %arg2[%dma_start3A_27, %dma_start3A_28] : memref<10000x128xf32, #tpu.memory_space<hbm>> -> memref<10000x128xf32, #tpu.memory_space<hbm>>
    tpu.enqueue_indirect_dma source(%dma_start3A_29 : memref<10000x128xf32, #tpu.memory_space<hbm>>) target(%arg13 : memref<40x128xf32, #tpu.memory_space<vmem>>) offsets(%dma_start3A_26 : memref<40xi32, #tpu.memory_space<vmem>>) semaphore(%arg18 : memref<!tpu.dma_semaphore, #tpu.memory_space<semaphore_mem>>)
    %dma_start3A_30 = arith.constant 4 : i32
    %dma_start3A_31 = arith.constant 0 : i32
    %dma_start3A_32 = tpu.memref_slice %arg7[%dma_start3A_30, %dma_start3A_31] : memref<250x40xi32, #tpu.memory_space<vmem>> -> memref<1x40xi32, #tpu.memory_space<vmem>>
    %dma_start3A_33 = tpu.memref_squeeze %dma_start3A_32 : memref<1x40xi32, #tpu.memory_space<vmem>> -> memref<40xi32, #tpu.memory_space<vmem>>
    %dma_start3A_34 = arith.constant 0 : i32
    %dma_start3A_35 = arith.constant 0 : i32
    %dma_start3A_36 = tpu.memref_slice %arg2[%dma_start3A_34, %dma_start3A_35] : memref<10000x128xf32, #tpu.memory_space<hbm>> -> memref<10000x128xf32, #tpu.memory_space<hbm>>
    tpu.enqueue_indirect_dma source(%dma_start3A_36 : memref<10000x128xf32, #tpu.memory_space<hbm>>) target(%arg14 : memref<40x128xf32, #tpu.memory_space<vmem>>) offsets(%dma_start3A_33 : memref<40xi32, #tpu.memory_space<vmem>>) semaphore(%arg19 : memref<!tpu.dma_semaphore, #tpu.memory_space<semaphore_mem>>)
    "tpu.region"() ({
      %run_scoped3A = tpu.sem_alloc : memref<!tpu.dma_semaphore, #tpu.memory_space<semaphore_mem>>
      %dma_start3A_80 = arith.constant 0 : i32
      %dma_start3A_81 = tpu.memref_slice %arg9[%mul3A_2, %dma_start3A_80] : memref<10112x128xf32, #tpu.memory_space<vmem_shared>> -> memref<632x128xf32, #tpu.memory_space<vmem_shared>>
      %dma_start3A_82 = arith.constant 0 : i32
      %dma_start3A_83 = tpu.memref_slice %arg5[%mul3A_2, %dma_start3A_82] : memref<10112x128xf32, #tpu.memory_space<hbm>> -> memref<632x128xf32, #tpu.memory_space<hbm>>
      tpu.enqueue_dma source(%dma_start3A_83 : memref<632x128xf32, #tpu.memory_space<hbm>>) target(%dma_start3A_81 : memref<632x128xf32, #tpu.memory_space<vmem_shared>>) target_semaphore(%run_scoped3A : memref<!tpu.dma_semaphore, #tpu.memory_space<semaphore_mem>>)
      %dma_wait3A_84 = arith.constant 0 : i32
      %dma_wait3A_85 = tpu.memref_slice %arg9[%mul3A_2, %dma_wait3A_84] : memref<10112x128xf32, #tpu.memory_space<vmem_shared>> -> memref<632x128xf32, #tpu.memory_space<vmem_shared>>
      %dma_wait3A_86 = arith.constant 0 : i32
      %dma_wait3A_87 = tpu.memref_slice %arg5[%mul3A_2, %dma_wait3A_86] : memref<10112x128xf32, #tpu.memory_space<hbm>> -> memref<632x128xf32, #tpu.memory_space<hbm>>
      tpu.wait_dma2 semaphore(%run_scoped3A : memref<!tpu.dma_semaphore, #tpu.memory_space<semaphore_mem>>) src(%dma_wait3A_87 : memref<632x128xf32, #tpu.memory_space<hbm>>) dst(%dma_wait3A_85 : memref<632x128xf32, #tpu.memory_space<vmem_shared>>)
      tpu.yield
    }) : () -> ()
    %barrier3A = arith.constant 0 : index
    tpu.barrier barrier_id(%barrier3A)
    %scan3A = arith.constant 0 : i32
    %scan3A_37 = arith.constant 0 : i32
    %scan3A_38 = arith.constant 50 : i32
    %scan3A_39 = arith.addi %scan3A_37, %scan3A_38 : i32
    %scan3A_40 = arith.constant 1 : i32
    scf.for %scan3A_80 = %scan3A_37 to %scan3A_39 step %scan3A_40  : i32 {
      %dma_wait3A_81 = arith.constant 0 : i32
      %dma_wait3A_82 = arith.constant 0 : i32
      %dma_wait3A_83 = tpu.memref_slice %arg7[%dma_wait3A_81, %dma_wait3A_82] : memref<250x40xi32, #tpu.memory_space<vmem>> -> memref<1x40xi32, #tpu.memory_space<vmem>>
      %dma_wait3A_84 = tpu.memref_squeeze %dma_wait3A_83 : memref<1x40xi32, #tpu.memory_space<vmem>> -> memref<40xi32, #tpu.memory_space<vmem>>
      %dma_wait3A_85 = arith.constant 0 : i32
      %dma_wait3A_86 = arith.constant 0 : i32
      %dma_wait3A_87 = tpu.memref_slice %arg2[%dma_wait3A_85, %dma_wait3A_86] : memref<10000x128xf32, #tpu.memory_space<hbm>> -> memref<10000x128xf32, #tpu.memory_space<hbm>>
      tpu.wait_indirect_dma semaphore(%arg15 : memref<!tpu.dma_semaphore, #tpu.memory_space<semaphore_mem>>) src(%dma_wait3A_87 : memref<10000x128xf32, #tpu.memory_space<hbm>>) dst(%arg10 : memref<40x128xf32, #tpu.memory_space<vmem>>)
      %mul3A_88 = arith.constant 5 : i32
      %mul3A_89 = arith.muli %scan3A_80, %mul3A_88 : i32
      %add3A_90 = arith.constant 0 : i32
      %add3A_91 = arith.addi %mul3A_89, %add3A_90 : i32
      %dma_start3A_92 = arith.constant 0 : i32
      %dma_start3A_93 = tpu.memref_slice %arg8[%add3A_91, %dma_start3A_92] : memref<250x40xi32, #tpu.memory_space<vmem>> -> memref<1x40xi32, #tpu.memory_space<vmem>>
      %dma_start3A_94 = tpu.memref_squeeze %dma_start3A_93 : memref<1x40xi32, #tpu.memory_space<vmem>> -> memref<40xi32, #tpu.memory_space<vmem>>
      %dma_start3A_95 = arith.constant 0 : i32
      %dma_start3A_96 = arith.constant 0 : i32
      %dma_start3A_97 = tpu.memref_slice %arg9[%dma_start3A_95, %dma_start3A_96] : memref<10112x128xf32, #tpu.memory_space<vmem_shared>> -> memref<10112x128xf32, #tpu.memory_space<vmem_shared>>
      tpu.enqueue_indirect_dma source(%arg10 : memref<40x128xf32, #tpu.memory_space<vmem>>) target(%dma_start3A_97 : memref<10112x128xf32, #tpu.memory_space<vmem_shared>>) offsets(%dma_start3A_94 : memref<40xi32, #tpu.memory_space<vmem>>) semaphore(%arg20 : memref<!tpu.dma_semaphore, #tpu.memory_space<semaphore_mem>>) {add = true}
      %dma_wait3A_98 = arith.constant 0 : i32
      %dma_wait3A_99 = arith.constant 0 : i32
      %dma_wait3A_100 = tpu.memref_slice %arg7[%dma_wait3A_98, %dma_wait3A_99] : memref<250x40xi32, #tpu.memory_space<vmem>> -> memref<1x40xi32, #tpu.memory_space<vmem>>
      %dma_wait3A_101 = tpu.memref_squeeze %dma_wait3A_100 : memref<1x40xi32, #tpu.memory_space<vmem>> -> memref<40xi32, #tpu.memory_space<vmem>>
      %dma_wait3A_102 = arith.constant 0 : i32
      %dma_wait3A_103 = arith.constant 0 : i32
      %dma_wait3A_104 = tpu.memref_slice %arg2[%dma_wait3A_102, %dma_wait3A_103] : memref<10000x128xf32, #tpu.memory_space<hbm>> -> memref<10000x128xf32, #tpu.memory_space<hbm>>
      tpu.wait_indirect_dma semaphore(%arg16 : memref<!tpu.dma_semaphore, #tpu.memory_space<semaphore_mem>>) src(%dma_wait3A_104 : memref<10000x128xf32, #tpu.memory_space<hbm>>) dst(%arg11 : memref<40x128xf32, #tpu.memory_space<vmem>>)
      %mul3A_105 = arith.constant 5 : i32
      %mul3A_106 = arith.muli %scan3A_80, %mul3A_105 : i32
      %add3A_107 = arith.constant 1 : i32
      %add3A_108 = arith.addi %mul3A_106, %add3A_107 : i32
      %dma_start3A_109 = arith.constant 0 : i32
      %dma_start3A_110 = tpu.memref_slice %arg8[%add3A_108, %dma_start3A_109] : memref<250x40xi32, #tpu.memory_space<vmem>> -> memref<1x40xi32, #tpu.memory_space<vmem>>
      %dma_start3A_111 = tpu.memref_squeeze %dma_start3A_110 : memref<1x40xi32, #tpu.memory_space<vmem>> -> memref<40xi32, #tpu.memory_space<vmem>>
      %dma_start3A_112 = arith.constant 0 : i32
      %dma_start3A_113 = arith.constant 0 : i32
      %dma_start3A_114 = tpu.memref_slice %arg9[%dma_start3A_112, %dma_start3A_113] : memref<10112x128xf32, #tpu.memory_space<vmem_shared>> -> memref<10112x128xf32, #tpu.memory_space<vmem_shared>>
      tpu.enqueue_indirect_dma source(%arg11 : memref<40x128xf32, #tpu.memory_space<vmem>>) target(%dma_start3A_114 : memref<10112x128xf32, #tpu.memory_space<vmem_shared>>) offsets(%dma_start3A_111 : memref<40xi32, #tpu.memory_space<vmem>>) semaphore(%arg21 : memref<!tpu.dma_semaphore, #tpu.memory_space<semaphore_mem>>) {add = true}
      %dma_wait3A_115 = arith.constant 0 : i32
      %dma_wait3A_116 = arith.constant 0 : i32
      %dma_wait3A_117 = tpu.memref_slice %arg7[%dma_wait3A_115, %dma_wait3A_116] : memref<250x40xi32, #tpu.memory_space<vmem>> -> memref<1x40xi32, #tpu.memory_space<vmem>>
      %dma_wait3A_118 = tpu.memref_squeeze %dma_wait3A_117 : memref<1x40xi32, #tpu.memory_space<vmem>> -> memref<40xi32, #tpu.memory_space<vmem>>
      %dma_wait3A_119 = arith.constant 0 : i32
      %dma_wait3A_120 = arith.constant 0 : i32
      %dma_wait3A_121 = tpu.memref_slice %arg2[%dma_wait3A_119, %dma_wait3A_120] : memref<10000x128xf32, #tpu.memory_space<hbm>> -> memref<10000x128xf32, #tpu.memory_space<hbm>>
      tpu.wait_indirect_dma semaphore(%arg17 : memref<!tpu.dma_semaphore, #tpu.memory_space<semaphore_mem>>) src(%dma_wait3A_121 : memref<10000x128xf32, #tpu.memory_space<hbm>>) dst(%arg12 : memref<40x128xf32, #tpu.memory_space<vmem>>)
      %mul3A_122 = arith.constant 5 : i32
      %mul3A_123 = arith.muli %scan3A_80, %mul3A_122 : i32
      %add3A_124 = arith.constant 2 : i32
      %add3A_125 = arith.addi %mul3A_123, %add3A_124 : i32
      %dma_start3A_126 = arith.constant 0 : i32
      %dma_start3A_127 = tpu.memref_slice %arg8[%add3A_125, %dma_start3A_126] : memref<250x40xi32, #tpu.memory_space<vmem>> -> memref<1x40xi32, #tpu.memory_space<vmem>>
      %dma_start3A_128 = tpu.memref_squeeze %dma_start3A_127 : memref<1x40xi32, #tpu.memory_space<vmem>> -> memref<40xi32, #tpu.memory_space<vmem>>
      %dma_start3A_129 = arith.constant 0 : i32
      %dma_start3A_130 = arith.constant 0 : i32
      %dma_start3A_131 = tpu.memref_slice %arg9[%dma_start3A_129, %dma_start3A_130] : memref<10112x128xf32, #tpu.memory_space<vmem_shared>> -> memref<10112x128xf32, #tpu.memory_space<vmem_shared>>
      tpu.enqueue_indirect_dma source(%arg12 : memref<40x128xf32, #tpu.memory_space<vmem>>) target(%dma_start3A_131 : memref<10112x128xf32, #tpu.memory_space<vmem_shared>>) offsets(%dma_start3A_128 : memref<40xi32, #tpu.memory_space<vmem>>) semaphore(%arg22 : memref<!tpu.dma_semaphore, #tpu.memory_space<semaphore_mem>>) {add = true}
      %dma_wait3A_132 = arith.constant 0 : i32
      %dma_wait3A_133 = arith.constant 0 : i32
      %dma_wait3A_134 = tpu.memref_slice %arg7[%dma_wait3A_132, %dma_wait3A_133] : memref<250x40xi32, #tpu.memory_space<vmem>> -> memref<1x40xi32, #tpu.memory_space<vmem>>
      %dma_wait3A_135 = tpu.memref_squeeze %dma_wait3A_134 : memref<1x40xi32, #tpu.memory_space<vmem>> -> memref<40xi32, #tpu.memory_space<vmem>>
      %dma_wait3A_136 = arith.constant 0 : i32
      %dma_wait3A_137 = arith.constant 0 : i32
      %dma_wait3A_138 = tpu.memref_slice %arg2[%dma_wait3A_136, %dma_wait3A_137] : memref<10000x128xf32, #tpu.memory_space<hbm>> -> memref<10000x128xf32, #tpu.memory_space<hbm>>
      tpu.wait_indirect_dma semaphore(%arg18 : memref<!tpu.dma_semaphore, #tpu.memory_space<semaphore_mem>>) src(%dma_wait3A_138 : memref<10000x128xf32, #tpu.memory_space<hbm>>) dst(%arg13 : memref<40x128xf32, #tpu.memory_space<vmem>>)
      %mul3A_139 = arith.constant 5 : i32
      %mul3A_140 = arith.muli %scan3A_80, %mul3A_139 : i32
      %add3A_141 = arith.constant 3 : i32
      %add3A_142 = arith.addi %mul3A_140, %add3A_141 : i32
      %dma_start3A_143 = arith.constant 0 : i32
      %dma_start3A_144 = tpu.memref_slice %arg8[%add3A_142, %dma_start3A_143] : memref<250x40xi32, #tpu.memory_space<vmem>> -> memref<1x40xi32, #tpu.memory_space<vmem>>
      %dma_start3A_145 = tpu.memref_squeeze %dma_start3A_144 : memref<1x40xi32, #tpu.memory_space<vmem>> -> memref<40xi32, #tpu.memory_space<vmem>>
      %dma_start3A_146 = arith.constant 0 : i32
      %dma_start3A_147 = arith.constant 0 : i32
      %dma_start3A_148 = tpu.memref_slice %arg9[%dma_start3A_146, %dma_start3A_147] : memref<10112x128xf32, #tpu.memory_space<vmem_shared>> -> memref<10112x128xf32, #tpu.memory_space<vmem_shared>>
      tpu.enqueue_indirect_dma source(%arg13 : memref<40x128xf32, #tpu.memory_space<vmem>>) target(%dma_start3A_148 : memref<10112x128xf32, #tpu.memory_space<vmem_shared>>) offsets(%dma_start3A_145 : memref<40xi32, #tpu.memory_space<vmem>>) semaphore(%arg23 : memref<!tpu.dma_semaphore, #tpu.memory_space<semaphore_mem>>) {add = true}
      %dma_wait3A_149 = arith.constant 0 : i32
      %dma_wait3A_150 = arith.constant 0 : i32
      %dma_wait3A_151 = tpu.memref_slice %arg7[%dma_wait3A_149, %dma_wait3A_150] : memref<250x40xi32, #tpu.memory_space<vmem>> -> memref<1x40xi32, #tpu.memory_space<vmem>>
      %dma_wait3A_152 = tpu.memref_squeeze %dma_wait3A_151 : memref<1x40xi32, #tpu.memory_space<vmem>> -> memref<40xi32, #tpu.memory_space<vmem>>
      %dma_wait3A_153 = arith.constant 0 : i32
      %dma_wait3A_154 = arith.constant 0 : i32
      %dma_wait3A_155 = tpu.memref_slice %arg2[%dma_wait3A_153, %dma_wait3A_154] : memref<10000x128xf32, #tpu.memory_space<hbm>> -> memref<10000x128xf32, #tpu.memory_space<hbm>>
      tpu.wait_indirect_dma semaphore(%arg19 : memref<!tpu.dma_semaphore, #tpu.memory_space<semaphore_mem>>) src(%dma_wait3A_155 : memref<10000x128xf32, #tpu.memory_space<hbm>>) dst(%arg14 : memref<40x128xf32, #tpu.memory_space<vmem>>)
      %mul3A_156 = arith.constant 5 : i32
      %mul3A_157 = arith.muli %scan3A_80, %mul3A_156 : i32
      %add3A_158 = arith.constant 4 : i32
      %add3A_159 = arith.addi %mul3A_157, %add3A_158 : i32
      %dma_start3A_160 = arith.constant 0 : i32
      %dma_start3A_161 = tpu.memref_slice %arg8[%add3A_159, %dma_start3A_160] : memref<250x40xi32, #tpu.memory_space<vmem>> -> memref<1x40xi32, #tpu.memory_space<vmem>>
      %dma_start3A_162 = tpu.memref_squeeze %dma_start3A_161 : memref<1x40xi32, #tpu.memory_space<vmem>> -> memref<40xi32, #tpu.memory_space<vmem>>
      %dma_start3A_163 = arith.constant 0 : i32
      %dma_start3A_164 = arith.constant 0 : i32
      %dma_start3A_165 = tpu.memref_slice %arg9[%dma_start3A_163, %dma_start3A_164] : memref<10112x128xf32, #tpu.memory_space<vmem_shared>> -> memref<10112x128xf32, #tpu.memory_space<vmem_shared>>
      tpu.enqueue_indirect_dma source(%arg14 : memref<40x128xf32, #tpu.memory_space<vmem>>) target(%dma_start3A_165 : memref<10112x128xf32, #tpu.memory_space<vmem_shared>>) offsets(%dma_start3A_162 : memref<40xi32, #tpu.memory_space<vmem>>) semaphore(%arg24 : memref<!tpu.dma_semaphore, #tpu.memory_space<semaphore_mem>>) {add = true}
      %add3A_166 = arith.constant 1 : i32
      %add3A_167 = arith.addi %scan3A_80, %add3A_166 : i32
      %lt3A = arith.constant 50 : i32
      %lt3A_168 = arith.cmpi slt, %add3A_167, %lt3A : i32
      %convert_element_type3A = arith.extui %lt3A_168 : i1 to i32
      %cond3A = arith.constant 0 : i32
      %cond3A_169 = arith.cmpi ne, %convert_element_type3A, %cond3A : i32
      scf.if %cond3A_169 {
        %dma_wait3A_170 = arith.constant 0 : i32
        %dma_wait3A_171 = arith.constant 0 : i32
        %dma_wait3A_172 = tpu.memref_slice %arg8[%dma_wait3A_170, %dma_wait3A_171] : memref<250x40xi32, #tpu.memory_space<vmem>> -> memref<1x40xi32, #tpu.memory_space<vmem>>
        %dma_wait3A_173 = tpu.memref_squeeze %dma_wait3A_172 : memref<1x40xi32, #tpu.memory_space<vmem>> -> memref<40xi32, #tpu.memory_space<vmem>>
        %dma_wait3A_174 = arith.constant 0 : i32
        %dma_wait3A_175 = arith.constant 0 : i32
        %dma_wait3A_176 = tpu.memref_slice %arg9[%dma_wait3A_174, %dma_wait3A_175] : memref<10112x128xf32, #tpu.memory_space<vmem_shared>> -> memref<10112x128xf32, #tpu.memory_space<vmem_shared>>
        tpu.wait_indirect_dma semaphore(%arg20 : memref<!tpu.dma_semaphore, #tpu.memory_space<semaphore_mem>>) src(%arg10 : memref<40x128xf32, #tpu.memory_space<vmem>>) dst(%dma_wait3A_176 : memref<10112x128xf32, #tpu.memory_space<vmem_shared>>)
        %add3A_177 = arith.constant 1 : i32
        %add3A_178 = arith.addi %scan3A_80, %add3A_177 : i32
        %mul3A_179 = arith.constant 5 : i32
        %mul3A_180 = arith.muli %add3A_178, %mul3A_179 : i32
        %add3A_181 = arith.constant 0 : i32
        %add3A_182 = arith.addi %mul3A_180, %add3A_181 : i32
        %dma_start3A_183 = arith.constant 0 : i32
        %dma_start3A_184 = tpu.memref_slice %arg7[%add3A_182, %dma_start3A_183] : memref<250x40xi32, #tpu.memory_space<vmem>> -> memref<1x40xi32, #tpu.memory_space<vmem>>
        %dma_start3A_185 = tpu.memref_squeeze %dma_start3A_184 : memref<1x40xi32, #tpu.memory_space<vmem>> -> memref<40xi32, #tpu.memory_space<vmem>>
        %dma_start3A_186 = arith.constant 0 : i32
        %dma_start3A_187 = arith.constant 0 : i32
        %dma_start3A_188 = tpu.memref_slice %arg2[%dma_start3A_186, %dma_start3A_187] : memref<10000x128xf32, #tpu.memory_space<hbm>> -> memref<10000x128xf32, #tpu.memory_space<hbm>>
        tpu.enqueue_indirect_dma source(%dma_start3A_188 : memref<10000x128xf32, #tpu.memory_space<hbm>>) target(%arg10 : memref<40x128xf32, #tpu.memory_space<vmem>>) offsets(%dma_start3A_185 : memref<40xi32, #tpu.memory_space<vmem>>) semaphore(%arg15 : memref<!tpu.dma_semaphore, #tpu.memory_space<semaphore_mem>>)
        %dma_wait3A_189 = arith.constant 0 : i32
        %dma_wait3A_190 = arith.constant 0 : i32
        %dma_wait3A_191 = tpu.memref_slice %arg8[%dma_wait3A_189, %dma_wait3A_190] : memref<250x40xi32, #tpu.memory_space<vmem>> -> memref<1x40xi32, #tpu.memory_space<vmem>>
        %dma_wait3A_192 = tpu.memref_squeeze %dma_wait3A_191 : memref<1x40xi32, #tpu.memory_space<vmem>> -> memref<40xi32, #tpu.memory_space<vmem>>
        %dma_wait3A_193 = arith.constant 0 : i32
        %dma_wait3A_194 = arith.constant 0 : i32
        %dma_wait3A_195 = tpu.memref_slice %arg9[%dma_wait3A_193, %dma_wait3A_194] : memref<10112x128xf32, #tpu.memory_space<vmem_shared>> -> memref<10112x128xf32, #tpu.memory_space<vmem_shared>>
        tpu.wait_indirect_dma semaphore(%arg21 : memref<!tpu.dma_semaphore, #tpu.memory_space<semaphore_mem>>) src(%arg11 : memref<40x128xf32, #tpu.memory_space<vmem>>) dst(%dma_wait3A_195 : memref<10112x128xf32, #tpu.memory_space<vmem_shared>>)
        %add3A_196 = arith.constant 1 : i32
        %add3A_197 = arith.addi %scan3A_80, %add3A_196 : i32
        %mul3A_198 = arith.constant 5 : i32
        %mul3A_199 = arith.muli %add3A_197, %mul3A_198 : i32
        %add3A_200 = arith.constant 1 : i32
        %add3A_201 = arith.addi %mul3A_199, %add3A_200 : i32
        %dma_start3A_202 = arith.constant 0 : i32
        %dma_start3A_203 = tpu.memref_slice %arg7[%add3A_201, %dma_start3A_202] : memref<250x40xi32, #tpu.memory_space<vmem>> -> memref<1x40xi32, #tpu.memory_space<vmem>>
        %dma_start3A_204 = tpu.memref_squeeze %dma_start3A_203 : memref<1x40xi32, #tpu.memory_space<vmem>> -> memref<40xi32, #tpu.memory_space<vmem>>
        %dma_start3A_205 = arith.constant 0 : i32
        %dma_start3A_206 = arith.constant 0 : i32
        %dma_start3A_207 = tpu.memref_slice %arg2[%dma_start3A_205, %dma_start3A_206] : memref<10000x128xf32, #tpu.memory_space<hbm>> -> memref<10000x128xf32, #tpu.memory_space<hbm>>
        tpu.enqueue_indirect_dma source(%dma_start3A_207 : memref<10000x128xf32, #tpu.memory_space<hbm>>) target(%arg11 : memref<40x128xf32, #tpu.memory_space<vmem>>) offsets(%dma_start3A_204 : memref<40xi32, #tpu.memory_space<vmem>>) semaphore(%arg16 : memref<!tpu.dma_semaphore, #tpu.memory_space<semaphore_mem>>)
        %dma_wait3A_208 = arith.constant 0 : i32
        %dma_wait3A_209 = arith.constant 0 : i32
        %dma_wait3A_210 = tpu.memref_slice %arg8[%dma_wait3A_208, %dma_wait3A_209] : memref<250x40xi32, #tpu.memory_space<vmem>> -> memref<1x40xi32, #tpu.memory_space<vmem>>
        %dma_wait3A_211 = tpu.memref_squeeze %dma_wait3A_210 : memref<1x40xi32, #tpu.memory_space<vmem>> -> memref<40xi32, #tpu.memory_space<vmem>>
        %dma_wait3A_212 = arith.constant 0 : i32
        %dma_wait3A_213 = arith.constant 0 : i32
        %dma_wait3A_214 = tpu.memref_slice %arg9[%dma_wait3A_212, %dma_wait3A_213] : memref<10112x128xf32, #tpu.memory_space<vmem_shared>> -> memref<10112x128xf32, #tpu.memory_space<vmem_shared>>
        tpu.wait_indirect_dma semaphore(%arg22 : memref<!tpu.dma_semaphore, #tpu.memory_space<semaphore_mem>>) src(%arg12 : memref<40x128xf32, #tpu.memory_space<vmem>>) dst(%dma_wait3A_214 : memref<10112x128xf32, #tpu.memory_space<vmem_shared>>)
        %add3A_215 = arith.constant 1 : i32
        %add3A_216 = arith.addi %scan3A_80, %add3A_215 : i32
        %mul3A_217 = arith.constant 5 : i32
        %mul3A_218 = arith.muli %add3A_216, %mul3A_217 : i32
        %add3A_219 = arith.constant 2 : i32
        %add3A_220 = arith.addi %mul3A_218, %add3A_219 : i32
        %dma_start3A_221 = arith.constant 0 : i32
        %dma_start3A_222 = tpu.memref_slice %arg7[%add3A_220, %dma_start3A_221] : memref<250x40xi32, #tpu.memory_space<vmem>> -> memref<1x40xi32, #tpu.memory_space<vmem>>
        %dma_start3A_223 = tpu.memref_squeeze %dma_start3A_222 : memref<1x40xi32, #tpu.memory_space<vmem>> -> memref<40xi32, #tpu.memory_space<vmem>>
        %dma_start3A_224 = arith.constant 0 : i32
        %dma_start3A_225 = arith.constant 0 : i32
        %dma_start3A_226 = tpu.memref_slice %arg2[%dma_start3A_224, %dma_start3A_225] : memref<10000x128xf32, #tpu.memory_space<hbm>> -> memref<10000x128xf32, #tpu.memory_space<hbm>>
        tpu.enqueue_indirect_dma source(%dma_start3A_226 : memref<10000x128xf32, #tpu.memory_space<hbm>>) target(%arg12 : memref<40x128xf32, #tpu.memory_space<vmem>>) offsets(%dma_start3A_223 : memref<40xi32, #tpu.memory_space<vmem>>) semaphore(%arg17 : memref<!tpu.dma_semaphore, #tpu.memory_space<semaphore_mem>>)
        %dma_wait3A_227 = arith.constant 0 : i32
        %dma_wait3A_228 = arith.constant 0 : i32
        %dma_wait3A_229 = tpu.memref_slice %arg8[%dma_wait3A_227, %dma_wait3A_228] : memref<250x40xi32, #tpu.memory_space<vmem>> -> memref<1x40xi32, #tpu.memory_space<vmem>>
        %dma_wait3A_230 = tpu.memref_squeeze %dma_wait3A_229 : memref<1x40xi32, #tpu.memory_space<vmem>> -> memref<40xi32, #tpu.memory_space<vmem>>
        %dma_wait3A_231 = arith.constant 0 : i32
        %dma_wait3A_232 = arith.constant 0 : i32
        %dma_wait3A_233 = tpu.memref_slice %arg9[%dma_wait3A_231, %dma_wait3A_232] : memref<10112x128xf32, #tpu.memory_space<vmem_shared>> -> memref<10112x128xf32, #tpu.memory_space<vmem_shared>>
        tpu.wait_indirect_dma semaphore(%arg23 : memref<!tpu.dma_semaphore, #tpu.memory_space<semaphore_mem>>) src(%arg13 : memref<40x128xf32, #tpu.memory_space<vmem>>) dst(%dma_wait3A_233 : memref<10112x128xf32, #tpu.memory_space<vmem_shared>>)
        %add3A_234 = arith.constant 1 : i32
        %add3A_235 = arith.addi %scan3A_80, %add3A_234 : i32
        %mul3A_236 = arith.constant 5 : i32
        %mul3A_237 = arith.muli %add3A_235, %mul3A_236 : i32
        %add3A_238 = arith.constant 3 : i32
        %add3A_239 = arith.addi %mul3A_237, %add3A_238 : i32
        %dma_start3A_240 = arith.constant 0 : i32
        %dma_start3A_241 = tpu.memref_slice %arg7[%add3A_239, %dma_start3A_240] : memref<250x40xi32, #tpu.memory_space<vmem>> -> memref<1x40xi32, #tpu.memory_space<vmem>>
        %dma_start3A_242 = tpu.memref_squeeze %dma_start3A_241 : memref<1x40xi32, #tpu.memory_space<vmem>> -> memref<40xi32, #tpu.memory_space<vmem>>
        %dma_start3A_243 = arith.constant 0 : i32
        %dma_start3A_244 = arith.constant 0 : i32
        %dma_start3A_245 = tpu.memref_slice %arg2[%dma_start3A_243, %dma_start3A_244] : memref<10000x128xf32, #tpu.memory_space<hbm>> -> memref<10000x128xf32, #tpu.memory_space<hbm>>
        tpu.enqueue_indirect_dma source(%dma_start3A_245 : memref<10000x128xf32, #tpu.memory_space<hbm>>) target(%arg13 : memref<40x128xf32, #tpu.memory_space<vmem>>) offsets(%dma_start3A_242 : memref<40xi32, #tpu.memory_space<vmem>>) semaphore(%arg18 : memref<!tpu.dma_semaphore, #tpu.memory_space<semaphore_mem>>)
        %dma_wait3A_246 = arith.constant 0 : i32
        %dma_wait3A_247 = arith.constant 0 : i32
        %dma_wait3A_248 = tpu.memref_slice %arg8[%dma_wait3A_246, %dma_wait3A_247] : memref<250x40xi32, #tpu.memory_space<vmem>> -> memref<1x40xi32, #tpu.memory_space<vmem>>
        %dma_wait3A_249 = tpu.memref_squeeze %dma_wait3A_248 : memref<1x40xi32, #tpu.memory_space<vmem>> -> memref<40xi32, #tpu.memory_space<vmem>>
        %dma_wait3A_250 = arith.constant 0 : i32
        %dma_wait3A_251 = arith.constant 0 : i32
        %dma_wait3A_252 = tpu.memref_slice %arg9[%dma_wait3A_250, %dma_wait3A_251] : memref<10112x128xf32, #tpu.memory_space<vmem_shared>> -> memref<10112x128xf32, #tpu.memory_space<vmem_shared>>
        tpu.wait_indirect_dma semaphore(%arg24 : memref<!tpu.dma_semaphore, #tpu.memory_space<semaphore_mem>>) src(%arg14 : memref<40x128xf32, #tpu.memory_space<vmem>>) dst(%dma_wait3A_252 : memref<10112x128xf32, #tpu.memory_space<vmem_shared>>)
        %add3A_253 = arith.constant 1 : i32
        %add3A_254 = arith.addi %scan3A_80, %add3A_253 : i32
        %mul3A_255 = arith.constant 5 : i32
        %mul3A_256 = arith.muli %add3A_254, %mul3A_255 : i32
        %add3A_257 = arith.constant 4 : i32
        %add3A_258 = arith.addi %mul3A_256, %add3A_257 : i32
        %dma_start3A_259 = arith.constant 0 : i32
        %dma_start3A_260 = tpu.memref_slice %arg7[%add3A_258, %dma_start3A_259] : memref<250x40xi32, #tpu.memory_space<vmem>> -> memref<1x40xi32, #tpu.memory_space<vmem>>
        %dma_start3A_261 = tpu.memref_squeeze %dma_start3A_260 : memref<1x40xi32, #tpu.memory_space<vmem>> -> memref<40xi32, #tpu.memory_space<vmem>>
        %dma_start3A_262 = arith.constant 0 : i32
        %dma_start3A_263 = arith.constant 0 : i32
        %dma_start3A_264 = tpu.memref_slice %arg2[%dma_start3A_262, %dma_start3A_263] : memref<10000x128xf32, #tpu.memory_space<hbm>> -> memref<10000x128xf32, #tpu.memory_space<hbm>>
        tpu.enqueue_indirect_dma source(%dma_start3A_264 : memref<10000x128xf32, #tpu.memory_space<hbm>>) target(%arg14 : memref<40x128xf32, #tpu.memory_space<vmem>>) offsets(%dma_start3A_261 : memref<40xi32, #tpu.memory_space<vmem>>) semaphore(%arg19 : memref<!tpu.dma_semaphore, #tpu.memory_space<semaphore_mem>>)
      } else {
      }
    }
    %scan3A_41 = arith.constant 50 : i32
    %dma_wait3A = arith.constant 0 : i32
    %dma_wait3A_42 = arith.constant 0 : i32
    %dma_wait3A_43 = tpu.memref_slice %arg8[%dma_wait3A, %dma_wait3A_42] : memref<250x40xi32, #tpu.memory_space<vmem>> -> memref<1x40xi32, #tpu.memory_space<vmem>>
    %dma_wait3A_44 = tpu.memref_squeeze %dma_wait3A_43 : memref<1x40xi32, #tpu.memory_space<vmem>> -> memref<40xi32, #tpu.memory_space<vmem>>
    %dma_wait3A_45 = arith.constant 0 : i32
    %dma_wait3A_46 = arith.constant 0 : i32
    %dma_wait3A_47 = tpu.memref_slice %arg9[%dma_wait3A_45, %dma_wait3A_46] : memref<10112x128xf32, #tpu.memory_space<vmem_shared>> -> memref<10112x128xf32, #tpu.memory_space<vmem_shared>>
    tpu.wait_indirect_dma semaphore(%arg20 : memref<!tpu.dma_semaphore, #tpu.memory_space<semaphore_mem>>) src(%arg10 : memref<40x128xf32, #tpu.memory_space<vmem>>) dst(%dma_wait3A_47 : memref<10112x128xf32, #tpu.memory_space<vmem_shared>>)
    %dma_wait3A_48 = arith.constant 0 : i32
    %dma_wait3A_49 = arith.constant 0 : i32
    %dma_wait3A_50 = tpu.memref_slice %arg8[%dma_wait3A_48, %dma_wait3A_49] : memref<250x40xi32, #tpu.memory_space<vmem>> -> memref<1x40xi32, #tpu.memory_space<vmem>>
    %dma_wait3A_51 = tpu.memref_squeeze %dma_wait3A_50 : memref<1x40xi32, #tpu.memory_space<vmem>> -> memref<40xi32, #tpu.memory_space<vmem>>
    %dma_wait3A_52 = arith.constant 0 : i32
    %dma_wait3A_53 = arith.constant 0 : i32
    %dma_wait3A_54 = tpu.memref_slice %arg9[%dma_wait3A_52, %dma_wait3A_53] : memref<10112x128xf32, #tpu.memory_space<vmem_shared>> -> memref<10112x128xf32, #tpu.memory_space<vmem_shared>>
    tpu.wait_indirect_dma semaphore(%arg21 : memref<!tpu.dma_semaphore, #tpu.memory_space<semaphore_mem>>) src(%arg11 : memref<40x128xf32, #tpu.memory_space<vmem>>) dst(%dma_wait3A_54 : memref<10112x128xf32, #tpu.memory_space<vmem_shared>>)
    %dma_wait3A_55 = arith.constant 0 : i32
    %dma_wait3A_56 = arith.constant 0 : i32
    %dma_wait3A_57 = tpu.memref_slice %arg8[%dma_wait3A_55, %dma_wait3A_56] : memref<250x40xi32, #tpu.memory_space<vmem>> -> memref<1x40xi32, #tpu.memory_space<vmem>>
    %dma_wait3A_58 = tpu.memref_squeeze %dma_wait3A_57 : memref<1x40xi32, #tpu.memory_space<vmem>> -> memref<40xi32, #tpu.memory_space<vmem>>
    %dma_wait3A_59 = arith.constant 0 : i32
    %dma_wait3A_60 = arith.constant 0 : i32
    %dma_wait3A_61 = tpu.memref_slice %arg9[%dma_wait3A_59, %dma_wait3A_60] : memref<10112x128xf32, #tpu.memory_space<vmem_shared>> -> memref<10112x128xf32, #tpu.memory_space<vmem_shared>>
    tpu.wait_indirect_dma semaphore(%arg22 : memref<!tpu.dma_semaphore, #tpu.memory_space<semaphore_mem>>) src(%arg12 : memref<40x128xf32, #tpu.memory_space<vmem>>) dst(%dma_wait3A_61 : memref<10112x128xf32, #tpu.memory_space<vmem_shared>>)
    %dma_wait3A_62 = arith.constant 0 : i32
    %dma_wait3A_63 = arith.constant 0 : i32
    %dma_wait3A_64 = tpu.memref_slice %arg8[%dma_wait3A_62, %dma_wait3A_63] : memref<250x40xi32, #tpu.memory_space<vmem>> -> memref<1x40xi32, #tpu.memory_space<vmem>>
    %dma_wait3A_65 = tpu.memref_squeeze %dma_wait3A_64 : memref<1x40xi32, #tpu.memory_space<vmem>> -> memref<40xi32, #tpu.memory_space<vmem>>
    %dma_wait3A_66 = arith.constant 0 : i32
    %dma_wait3A_67 = arith.constant 0 : i32
    %dma_wait3A_68 = tpu.memref_slice %arg9[%dma_wait3A_66, %dma_wait3A_67] : memref<10112x128xf32, #tpu.memory_space<vmem_shared>> -> memref<10112x128xf32, #tpu.memory_space<vmem_shared>>
    tpu.wait_indirect_dma semaphore(%arg23 : memref<!tpu.dma_semaphore, #tpu.memory_space<semaphore_mem>>) src(%arg13 : memref<40x128xf32, #tpu.memory_space<vmem>>) dst(%dma_wait3A_68 : memref<10112x128xf32, #tpu.memory_space<vmem_shared>>)
    %dma_wait3A_69 = arith.constant 0 : i32
    %dma_wait3A_70 = arith.constant 0 : i32
    %dma_wait3A_71 = tpu.memref_slice %arg8[%dma_wait3A_69, %dma_wait3A_70] : memref<250x40xi32, #tpu.memory_space<vmem>> -> memref<1x40xi32, #tpu.memory_space<vmem>>
    %dma_wait3A_72 = tpu.memref_squeeze %dma_wait3A_71 : memref<1x40xi32, #tpu.memory_space<vmem>> -> memref<40xi32, #tpu.memory_space<vmem>>
    %dma_wait3A_73 = arith.constant 0 : i32
    %dma_wait3A_74 = arith.constant 0 : i32
    %dma_wait3A_75 = tpu.memref_slice %arg9[%dma_wait3A_73, %dma_wait3A_74] : memref<10112x128xf32, #tpu.memory_space<vmem_shared>> -> memref<10112x128xf32, #tpu.memory_space<vmem_shared>>
    tpu.wait_indirect_dma semaphore(%arg24 : memref<!tpu.dma_semaphore, #tpu.memory_space<semaphore_mem>>) src(%arg14 : memref<40x128xf32, #tpu.memory_space<vmem>>) dst(%dma_wait3A_75 : memref<10112x128xf32, #tpu.memory_space<vmem_shared>>)
    %barrier3A_76 = arith.constant 0 : index
    tpu.barrier barrier_id(%barrier3A_76)
    %mul3A_77 = arith.constant 10112 : i32
    %mul3A_78 = arith.muli %arg0, %mul3A_77 : i32
    %add3A_79 = arith.addi %mul3A_78, %mul3A_2 : i32
    "tpu.region"() ({
      %run_scoped3A = tpu.sem_alloc : memref<!tpu.dma_semaphore, #tpu.memory_space<semaphore_mem>>
      %dma_start3A_80 = arith.constant 0 : i32
      %dma_start3A_81 = tpu.memref_slice %arg6[%add3A_79, %dma_start3A_80] : memref<20224x128xf32, #tpu.memory_space<hbm>> -> memref<632x128xf32, #tpu.memory_space<hbm>>
      %dma_start3A_82 = arith.constant 0 : i32
      %dma_start3A_83 = tpu.memref_slice %arg9[%mul3A_2, %dma_start3A_82] : memref<10112x128xf32, #tpu.memory_space<vmem_shared>> -> memref<632x128xf32, #tpu.memory_space<vmem_shared>>
      tpu.enqueue_dma source(%dma_start3A_83 : memref<632x128xf32, #tpu.memory_space<vmem_shared>>) target(%dma_start3A_81 : memref<632x128xf32, #tpu.memory_space<hbm>>) target_semaphore(%run_scoped3A : memref<!tpu.dma_semaphore, #tpu.memory_space<semaphore_mem>>)
      %dma_wait3A_84 = arith.constant 0 : i32
      %dma_wait3A_85 = tpu.memref_slice %arg6[%add3A_79, %dma_wait3A_84] : memref<20224x128xf32, #tpu.memory_space<hbm>> -> memref<632x128xf32, #tpu.memory_space<hbm>>
      %dma_wait3A_86 = arith.constant 0 : i32
      %dma_wait3A_87 = tpu.memref_slice %arg9[%mul3A_2, %dma_wait3A_86] : memref<10112x128xf32, #tpu.memory_space<vmem_shared>> -> memref<632x128xf32, #tpu.memory_space<vmem_shared>>
      tpu.wait_dma2 semaphore(%run_scoped3A : memref<!tpu.dma_semaphore, #tpu.memory_space<semaphore_mem>>) src(%dma_wait3A_87 : memref<632x128xf32, #tpu.memory_space<vmem_shared>>) dst(%dma_wait3A_85 : memref<632x128xf32, #tpu.memory_space<hbm>>)
      tpu.yield
    }) : () -> ()
    return
  }
}

#map = affine_map<(d0, d1) -> (0, 0, 0)>
#map1 = affine_map<(d0, d1) -> (0, 0)>
module attributes {stable_mosaic.version = 14 : i64} {
  func.func @_deg_kernel(%arg0: i32, %arg1: i32, %arg2: memref<32x125x80xi32, #tpu.memory_space<hbm>>, %arg3: memref<32x125x80xi32, #tpu.memory_space<hbm>>, %arg4: memref<80x16xf32, #tpu.memory_space<hbm>>, %arg5: memref<80x16xf32, #tpu.memory_space<hbm>>, %arg6: memref<10112x16xf32, #tpu.memory_space<hbm>>, %arg7: memref<20224x16xf32, #tpu.memory_space<hbm>>, %arg8: memref<125x80xi32, #tpu.memory_space<vmem>>, %arg9: memref<125x80xi32, #tpu.memory_space<vmem>>, %arg10: memref<80x16xf32, #tpu.memory_space<vmem>>, %arg11: memref<80x16xf32, #tpu.memory_space<vmem>>, %arg12: memref<10112x16xf32, #tpu.memory_space<vmem_shared>>, %arg13: memref<!tpu.dma_semaphore, #tpu.memory_space<semaphore_mem>>, %arg14: memref<!tpu.dma_semaphore, #tpu.memory_space<semaphore_mem>>, %arg15: memref<!tpu.dma_semaphore, #tpu.memory_space<semaphore_mem>>, %arg16: memref<!tpu.dma_semaphore, #tpu.memory_space<semaphore_mem>>, %arg17: memref<!tpu.dma_semaphore, #tpu.memory_space<semaphore_mem>>, %arg18: memref<!tpu.dma_semaphore, #tpu.memory_space<semaphore_mem>>, %arg19: memref<!tpu.dma_semaphore, #tpu.memory_space<semaphore_mem>>, %arg20: memref<!tpu.dma_semaphore, #tpu.memory_space<semaphore_mem>>, %arg21: memref<!tpu.dma_semaphore, #tpu.memory_space<semaphore_mem>>, %arg22: memref<!tpu.dma_semaphore, #tpu.memory_space<semaphore_mem>>) attributes {dimension_semantics = [#tpu.dimension_semantics<core_parallel>, #tpu.dimension_semantics<subcore_parallel>], iteration_bounds = array<i64: 2, 16>, scalar_prefetch = 0 : i64, scratch_operands = 15 : i64, tpu.core_type = #tpu.core_type<sc_vector_subcore>, window_params = [{transform_indices = #map}, {transform_indices = #map}, {transform_indices = #map1}, {transform_indices = #map1}, {transform_indices = #map1}, {transform_indices = #map1}]} {
    %mul3A = arith.constant 2 : i32
    %mul3A_0 = arith.muli %arg1, %mul3A : i32
    %add3A = arith.addi %mul3A_0, %arg0 : i32
    %mul3A_1 = arith.constant 632 : i32
    %mul3A_2 = arith.muli %arg1, %mul3A_1 : i32
    "tpu.region"() ({
      %run_scoped3A = tpu.sem_alloc : memref<!tpu.dma_semaphore, #tpu.memory_space<semaphore_mem>>
      tpu.enqueue_dma source(%arg4 : memref<80x16xf32, #tpu.memory_space<hbm>>) target(%arg10 : memref<80x16xf32, #tpu.memory_space<vmem>>) target_semaphore(%run_scoped3A : memref<!tpu.dma_semaphore, #tpu.memory_space<semaphore_mem>>)
      tpu.wait_dma2 semaphore(%run_scoped3A : memref<!tpu.dma_semaphore, #tpu.memory_space<semaphore_mem>>) src(%arg4 : memref<80x16xf32, #tpu.memory_space<hbm>>) dst(%arg10 : memref<80x16xf32, #tpu.memory_space<vmem>>)
      tpu.yield
    }) : () -> ()
    "tpu.region"() ({
      %run_scoped3A = tpu.sem_alloc : memref<!tpu.dma_semaphore, #tpu.memory_space<semaphore_mem>>
      tpu.enqueue_dma source(%arg5 : memref<80x16xf32, #tpu.memory_space<hbm>>) target(%arg11 : memref<80x16xf32, #tpu.memory_space<vmem>>) target_semaphore(%run_scoped3A : memref<!tpu.dma_semaphore, #tpu.memory_space<semaphore_mem>>)
      tpu.wait_dma2 semaphore(%run_scoped3A : memref<!tpu.dma_semaphore, #tpu.memory_space<semaphore_mem>>) src(%arg5 : memref<80x16xf32, #tpu.memory_space<hbm>>) dst(%arg11 : memref<80x16xf32, #tpu.memory_space<vmem>>)
      tpu.yield
    }) : () -> ()
    "tpu.region"() ({
      %run_scoped3A = tpu.sem_alloc : memref<!tpu.dma_semaphore, #tpu.memory_space<semaphore_mem>>
      %dma_start3A_81 = arith.constant 0 : i32
      %dma_start3A_82 = arith.constant 0 : i32
      %dma_start3A_83 = tpu.memref_slice %arg2[%add3A, %dma_start3A_81, %dma_start3A_82] : memref<32x125x80xi32, #tpu.memory_space<hbm>> -> memref<1x125x80xi32, #tpu.memory_space<hbm>>
      %dma_start3A_84 = tpu.memref_squeeze %dma_start3A_83 : memref<1x125x80xi32, #tpu.memory_space<hbm>> -> memref<125x80xi32, #tpu.memory_space<hbm>>
      %dma_start3A_85 = arith.constant 0 : i32
      %dma_start3A_86 = arith.constant 0 : i32
      %dma_start3A_87 = tpu.memref_slice %arg2[%add3A, %dma_start3A_85, %dma_start3A_86] : memref<32x125x80xi32, #tpu.memory_space<hbm>> -> memref<1x125x80xi32, #tpu.memory_space<hbm>>
      %dma_start3A_88 = tpu.memref_squeeze %dma_start3A_87 : memref<1x125x80xi32, #tpu.memory_space<hbm>> -> memref<125x80xi32, #tpu.memory_space<hbm>>
      tpu.enqueue_dma source(%dma_start3A_88 : memref<125x80xi32, #tpu.memory_space<hbm>>) target(%arg8 : memref<125x80xi32, #tpu.memory_space<vmem>>) target_semaphore(%run_scoped3A : memref<!tpu.dma_semaphore, #tpu.memory_space<semaphore_mem>>)
      %dma_wait3A = arith.constant 0 : i32
      %dma_wait3A_89 = arith.constant 0 : i32
      %dma_wait3A_90 = tpu.memref_slice %arg2[%add3A, %dma_wait3A, %dma_wait3A_89] : memref<32x125x80xi32, #tpu.memory_space<hbm>> -> memref<1x125x80xi32, #tpu.memory_space<hbm>>
      %dma_wait3A_91 = tpu.memref_squeeze %dma_wait3A_90 : memref<1x125x80xi32, #tpu.memory_space<hbm>> -> memref<125x80xi32, #tpu.memory_space<hbm>>
      %dma_wait3A_92 = arith.constant 0 : i32
      %dma_wait3A_93 = arith.constant 0 : i32
      %dma_wait3A_94 = tpu.memref_slice %arg2[%add3A, %dma_wait3A_92, %dma_wait3A_93] : memref<32x125x80xi32, #tpu.memory_space<hbm>> -> memref<1x125x80xi32, #tpu.memory_space<hbm>>
      %dma_wait3A_95 = tpu.memref_squeeze %dma_wait3A_94 : memref<1x125x80xi32, #tpu.memory_space<hbm>> -> memref<125x80xi32, #tpu.memory_space<hbm>>
      tpu.wait_dma2 semaphore(%run_scoped3A : memref<!tpu.dma_semaphore, #tpu.memory_space<semaphore_mem>>) src(%dma_wait3A_95 : memref<125x80xi32, #tpu.memory_space<hbm>>) dst(%arg8 : memref<125x80xi32, #tpu.memory_space<vmem>>)
      tpu.yield
    }) : () -> ()
    "tpu.region"() ({
      %run_scoped3A = tpu.sem_alloc : memref<!tpu.dma_semaphore, #tpu.memory_space<semaphore_mem>>
      %dma_start3A_81 = arith.constant 0 : i32
      %dma_start3A_82 = arith.constant 0 : i32
      %dma_start3A_83 = tpu.memref_slice %arg3[%add3A, %dma_start3A_81, %dma_start3A_82] : memref<32x125x80xi32, #tpu.memory_space<hbm>> -> memref<1x125x80xi32, #tpu.memory_space<hbm>>
      %dma_start3A_84 = tpu.memref_squeeze %dma_start3A_83 : memref<1x125x80xi32, #tpu.memory_space<hbm>> -> memref<125x80xi32, #tpu.memory_space<hbm>>
      %dma_start3A_85 = arith.constant 0 : i32
      %dma_start3A_86 = arith.constant 0 : i32
      %dma_start3A_87 = tpu.memref_slice %arg3[%add3A, %dma_start3A_85, %dma_start3A_86] : memref<32x125x80xi32, #tpu.memory_space<hbm>> -> memref<1x125x80xi32, #tpu.memory_space<hbm>>
      %dma_start3A_88 = tpu.memref_squeeze %dma_start3A_87 : memref<1x125x80xi32, #tpu.memory_space<hbm>> -> memref<125x80xi32, #tpu.memory_space<hbm>>
      tpu.enqueue_dma source(%dma_start3A_88 : memref<125x80xi32, #tpu.memory_space<hbm>>) target(%arg9 : memref<125x80xi32, #tpu.memory_space<vmem>>) target_semaphore(%run_scoped3A : memref<!tpu.dma_semaphore, #tpu.memory_space<semaphore_mem>>)
      %dma_wait3A = arith.constant 0 : i32
      %dma_wait3A_89 = arith.constant 0 : i32
      %dma_wait3A_90 = tpu.memref_slice %arg3[%add3A, %dma_wait3A, %dma_wait3A_89] : memref<32x125x80xi32, #tpu.memory_space<hbm>> -> memref<1x125x80xi32, #tpu.memory_space<hbm>>
      %dma_wait3A_91 = tpu.memref_squeeze %dma_wait3A_90 : memref<1x125x80xi32, #tpu.memory_space<hbm>> -> memref<125x80xi32, #tpu.memory_space<hbm>>
      %dma_wait3A_92 = arith.constant 0 : i32
      %dma_wait3A_93 = arith.constant 0 : i32
      %dma_wait3A_94 = tpu.memref_slice %arg3[%add3A, %dma_wait3A_92, %dma_wait3A_93] : memref<32x125x80xi32, #tpu.memory_space<hbm>> -> memref<1x125x80xi32, #tpu.memory_space<hbm>>
      %dma_wait3A_95 = tpu.memref_squeeze %dma_wait3A_94 : memref<1x125x80xi32, #tpu.memory_space<hbm>> -> memref<125x80xi32, #tpu.memory_space<hbm>>
      tpu.wait_dma2 semaphore(%run_scoped3A : memref<!tpu.dma_semaphore, #tpu.memory_space<semaphore_mem>>) src(%dma_wait3A_95 : memref<125x80xi32, #tpu.memory_space<hbm>>) dst(%arg9 : memref<125x80xi32, #tpu.memory_space<vmem>>)
      tpu.yield
    }) : () -> ()
    "tpu.region"() ({
      %run_scoped3A = tpu.sem_alloc : memref<!tpu.dma_semaphore, #tpu.memory_space<semaphore_mem>>
      %dma_start3A_81 = arith.constant 0 : i32
      %dma_start3A_82 = tpu.memref_slice %arg12[%mul3A_2, %dma_start3A_81] : memref<10112x16xf32, #tpu.memory_space<vmem_shared>> -> memref<632x16xf32, #tpu.memory_space<vmem_shared>>
      %dma_start3A_83 = arith.constant 0 : i32
      %dma_start3A_84 = tpu.memref_slice %arg6[%mul3A_2, %dma_start3A_83] : memref<10112x16xf32, #tpu.memory_space<hbm>> -> memref<632x16xf32, #tpu.memory_space<hbm>>
      tpu.enqueue_dma source(%dma_start3A_84 : memref<632x16xf32, #tpu.memory_space<hbm>>) target(%dma_start3A_82 : memref<632x16xf32, #tpu.memory_space<vmem_shared>>) target_semaphore(%run_scoped3A : memref<!tpu.dma_semaphore, #tpu.memory_space<semaphore_mem>>)
      %dma_wait3A = arith.constant 0 : i32
      %dma_wait3A_85 = tpu.memref_slice %arg12[%mul3A_2, %dma_wait3A] : memref<10112x16xf32, #tpu.memory_space<vmem_shared>> -> memref<632x16xf32, #tpu.memory_space<vmem_shared>>
      %dma_wait3A_86 = arith.constant 0 : i32
      %dma_wait3A_87 = tpu.memref_slice %arg6[%mul3A_2, %dma_wait3A_86] : memref<10112x16xf32, #tpu.memory_space<hbm>> -> memref<632x16xf32, #tpu.memory_space<hbm>>
      tpu.wait_dma2 semaphore(%run_scoped3A : memref<!tpu.dma_semaphore, #tpu.memory_space<semaphore_mem>>) src(%dma_wait3A_87 : memref<632x16xf32, #tpu.memory_space<hbm>>) dst(%dma_wait3A_85 : memref<632x16xf32, #tpu.memory_space<vmem_shared>>)
      tpu.yield
    }) : () -> ()
    %barrier3A = arith.constant 0 : index
    tpu.barrier barrier_id(%barrier3A)
    %dma_start3A = arith.constant 0 : i32
    %dma_start3A_3 = arith.constant 0 : i32
    %dma_start3A_4 = tpu.memref_slice %arg8[%dma_start3A, %dma_start3A_3] : memref<125x80xi32, #tpu.memory_space<vmem>> -> memref<1x80xi32, #tpu.memory_space<vmem>>
    %dma_start3A_5 = tpu.memref_squeeze %dma_start3A_4 : memref<1x80xi32, #tpu.memory_space<vmem>> -> memref<80xi32, #tpu.memory_space<vmem>>
    %dma_start3A_6 = arith.constant 0 : i32
    %dma_start3A_7 = arith.constant 0 : i32
    %dma_start3A_8 = tpu.memref_slice %arg12[%dma_start3A_6, %dma_start3A_7] : memref<10112x16xf32, #tpu.memory_space<vmem_shared>> -> memref<10112x16xf32, #tpu.memory_space<vmem_shared>>
    tpu.enqueue_indirect_dma source(%arg10 : memref<80x16xf32, #tpu.memory_space<vmem>>) target(%dma_start3A_8 : memref<10112x16xf32, #tpu.memory_space<vmem_shared>>) offsets(%dma_start3A_5 : memref<80xi32, #tpu.memory_space<vmem>>) semaphore(%arg13 : memref<!tpu.dma_semaphore, #tpu.memory_space<semaphore_mem>>) {add = true}
    %dma_start3A_9 = arith.constant 0 : i32
    %dma_start3A_10 = arith.constant 0 : i32
    %dma_start3A_11 = tpu.memref_slice %arg9[%dma_start3A_9, %dma_start3A_10] : memref<125x80xi32, #tpu.memory_space<vmem>> -> memref<1x80xi32, #tpu.memory_space<vmem>>
    %dma_start3A_12 = tpu.memref_squeeze %dma_start3A_11 : memref<1x80xi32, #tpu.memory_space<vmem>> -> memref<80xi32, #tpu.memory_space<vmem>>
    %dma_start3A_13 = arith.constant 0 : i32
    %dma_start3A_14 = arith.constant 0 : i32
    %dma_start3A_15 = tpu.memref_slice %arg12[%dma_start3A_13, %dma_start3A_14] : memref<10112x16xf32, #tpu.memory_space<vmem_shared>> -> memref<10112x16xf32, #tpu.memory_space<vmem_shared>>
    tpu.enqueue_indirect_dma source(%arg11 : memref<80x16xf32, #tpu.memory_space<vmem>>) target(%dma_start3A_15 : memref<10112x16xf32, #tpu.memory_space<vmem_shared>>) offsets(%dma_start3A_12 : memref<80xi32, #tpu.memory_space<vmem>>) semaphore(%arg18 : memref<!tpu.dma_semaphore, #tpu.memory_space<semaphore_mem>>) {add = true}
    %dma_start3A_16 = arith.constant 1 : i32
    %dma_start3A_17 = arith.constant 0 : i32
    %dma_start3A_18 = tpu.memref_slice %arg8[%dma_start3A_16, %dma_start3A_17] : memref<125x80xi32, #tpu.memory_space<vmem>> -> memref<1x80xi32, #tpu.memory_space<vmem>>
    %dma_start3A_19 = tpu.memref_squeeze %dma_start3A_18 : memref<1x80xi32, #tpu.memory_space<vmem>> -> memref<80xi32, #tpu.memory_space<vmem>>
    %dma_start3A_20 = arith.constant 0 : i32
    %dma_start3A_21 = arith.constant 0 : i32
    %dma_start3A_22 = tpu.memref_slice %arg12[%dma_start3A_20, %dma_start3A_21] : memref<10112x16xf32, #tpu.memory_space<vmem_shared>> -> memref<10112x16xf32, #tpu.memory_space<vmem_shared>>
    tpu.enqueue_indirect_dma source(%arg10 : memref<80x16xf32, #tpu.memory_space<vmem>>) target(%dma_start3A_22 : memref<10112x16xf32, #tpu.memory_space<vmem_shared>>) offsets(%dma_start3A_19 : memref<80xi32, #tpu.memory_space<vmem>>) semaphore(%arg14 : memref<!tpu.dma_semaphore, #tpu.memory_space<semaphore_mem>>) {add = true}
    %dma_start3A_23 = arith.constant 1 : i32
    %dma_start3A_24 = arith.constant 0 : i32
    %dma_start3A_25 = tpu.memref_slice %arg9[%dma_start3A_23, %dma_start3A_24] : memref<125x80xi32, #tpu.memory_space<vmem>> -> memref<1x80xi32, #tpu.memory_space<vmem>>
    %dma_start3A_26 = tpu.memref_squeeze %dma_start3A_25 : memref<1x80xi32, #tpu.memory_space<vmem>> -> memref<80xi32, #tpu.memory_space<vmem>>
    %dma_start3A_27 = arith.constant 0 : i32
    %dma_start3A_28 = arith.constant 0 : i32
    %dma_start3A_29 = tpu.memref_slice %arg12[%dma_start3A_27, %dma_start3A_28] : memref<10112x16xf32, #tpu.memory_space<vmem_shared>> -> memref<10112x16xf32, #tpu.memory_space<vmem_shared>>
    tpu.enqueue_indirect_dma source(%arg11 : memref<80x16xf32, #tpu.memory_space<vmem>>) target(%dma_start3A_29 : memref<10112x16xf32, #tpu.memory_space<vmem_shared>>) offsets(%dma_start3A_26 : memref<80xi32, #tpu.memory_space<vmem>>) semaphore(%arg19 : memref<!tpu.dma_semaphore, #tpu.memory_space<semaphore_mem>>) {add = true}
    %dma_start3A_30 = arith.constant 2 : i32
    %dma_start3A_31 = arith.constant 0 : i32
    %dma_start3A_32 = tpu.memref_slice %arg8[%dma_start3A_30, %dma_start3A_31] : memref<125x80xi32, #tpu.memory_space<vmem>> -> memref<1x80xi32, #tpu.memory_space<vmem>>
    %dma_start3A_33 = tpu.memref_squeeze %dma_start3A_32 : memref<1x80xi32, #tpu.memory_space<vmem>> -> memref<80xi32, #tpu.memory_space<vmem>>
    %dma_start3A_34 = arith.constant 0 : i32
    %dma_start3A_35 = arith.constant 0 : i32
    %dma_start3A_36 = tpu.memref_slice %arg12[%dma_start3A_34, %dma_start3A_35] : memref<10112x16xf32, #tpu.memory_space<vmem_shared>> -> memref<10112x16xf32, #tpu.memory_space<vmem_shared>>
    tpu.enqueue_indirect_dma source(%arg10 : memref<80x16xf32, #tpu.memory_space<vmem>>) target(%dma_start3A_36 : memref<10112x16xf32, #tpu.memory_space<vmem_shared>>) offsets(%dma_start3A_33 : memref<80xi32, #tpu.memory_space<vmem>>) semaphore(%arg15 : memref<!tpu.dma_semaphore, #tpu.memory_space<semaphore_mem>>) {add = true}
    %dma_start3A_37 = arith.constant 2 : i32
    %dma_start3A_38 = arith.constant 0 : i32
    %dma_start3A_39 = tpu.memref_slice %arg9[%dma_start3A_37, %dma_start3A_38] : memref<125x80xi32, #tpu.memory_space<vmem>> -> memref<1x80xi32, #tpu.memory_space<vmem>>
    %dma_start3A_40 = tpu.memref_squeeze %dma_start3A_39 : memref<1x80xi32, #tpu.memory_space<vmem>> -> memref<80xi32, #tpu.memory_space<vmem>>
    %dma_start3A_41 = arith.constant 0 : i32
    %dma_start3A_42 = arith.constant 0 : i32
    %dma_start3A_43 = tpu.memref_slice %arg12[%dma_start3A_41, %dma_start3A_42] : memref<10112x16xf32, #tpu.memory_space<vmem_shared>> -> memref<10112x16xf32, #tpu.memory_space<vmem_shared>>
    tpu.enqueue_indirect_dma source(%arg11 : memref<80x16xf32, #tpu.memory_space<vmem>>) target(%dma_start3A_43 : memref<10112x16xf32, #tpu.memory_space<vmem_shared>>) offsets(%dma_start3A_40 : memref<80xi32, #tpu.memory_space<vmem>>) semaphore(%arg20 : memref<!tpu.dma_semaphore, #tpu.memory_space<semaphore_mem>>) {add = true}
    %dma_start3A_44 = arith.constant 3 : i32
    %dma_start3A_45 = arith.constant 0 : i32
    %dma_start3A_46 = tpu.memref_slice %arg8[%dma_start3A_44, %dma_start3A_45] : memref<125x80xi32, #tpu.memory_space<vmem>> -> memref<1x80xi32, #tpu.memory_space<vmem>>
    %dma_start3A_47 = tpu.memref_squeeze %dma_start3A_46 : memref<1x80xi32, #tpu.memory_space<vmem>> -> memref<80xi32, #tpu.memory_space<vmem>>
    %dma_start3A_48 = arith.constant 0 : i32
    %dma_start3A_49 = arith.constant 0 : i32
    %dma_start3A_50 = tpu.memref_slice %arg12[%dma_start3A_48, %dma_start3A_49] : memref<10112x16xf32, #tpu.memory_space<vmem_shared>> -> memref<10112x16xf32, #tpu.memory_space<vmem_shared>>
    tpu.enqueue_indirect_dma source(%arg10 : memref<80x16xf32, #tpu.memory_space<vmem>>) target(%dma_start3A_50 : memref<10112x16xf32, #tpu.memory_space<vmem_shared>>) offsets(%dma_start3A_47 : memref<80xi32, #tpu.memory_space<vmem>>) semaphore(%arg16 : memref<!tpu.dma_semaphore, #tpu.memory_space<semaphore_mem>>) {add = true}
    %dma_start3A_51 = arith.constant 3 : i32
    %dma_start3A_52 = arith.constant 0 : i32
    %dma_start3A_53 = tpu.memref_slice %arg9[%dma_start3A_51, %dma_start3A_52] : memref<125x80xi32, #tpu.memory_space<vmem>> -> memref<1x80xi32, #tpu.memory_space<vmem>>
    %dma_start3A_54 = tpu.memref_squeeze %dma_start3A_53 : memref<1x80xi32, #tpu.memory_space<vmem>> -> memref<80xi32, #tpu.memory_space<vmem>>
    %dma_start3A_55 = arith.constant 0 : i32
    %dma_start3A_56 = arith.constant 0 : i32
    %dma_start3A_57 = tpu.memref_slice %arg12[%dma_start3A_55, %dma_start3A_56] : memref<10112x16xf32, #tpu.memory_space<vmem_shared>> -> memref<10112x16xf32, #tpu.memory_space<vmem_shared>>
    tpu.enqueue_indirect_dma source(%arg11 : memref<80x16xf32, #tpu.memory_space<vmem>>) target(%dma_start3A_57 : memref<10112x16xf32, #tpu.memory_space<vmem_shared>>) offsets(%dma_start3A_54 : memref<80xi32, #tpu.memory_space<vmem>>) semaphore(%arg21 : memref<!tpu.dma_semaphore, #tpu.memory_space<semaphore_mem>>) {add = true}
    %dma_start3A_58 = arith.constant 4 : i32
    %dma_start3A_59 = arith.constant 0 : i32
    %dma_start3A_60 = tpu.memref_slice %arg8[%dma_start3A_58, %dma_start3A_59] : memref<125x80xi32, #tpu.memory_space<vmem>> -> memref<1x80xi32, #tpu.memory_space<vmem>>
    %dma_start3A_61 = tpu.memref_squeeze %dma_start3A_60 : memref<1x80xi32, #tpu.memory_space<vmem>> -> memref<80xi32, #tpu.memory_space<vmem>>
    %dma_start3A_62 = arith.constant 0 : i32
    %dma_start3A_63 = arith.constant 0 : i32
    %dma_start3A_64 = tpu.memref_slice %arg12[%dma_start3A_62, %dma_start3A_63] : memref<10112x16xf32, #tpu.memory_space<vmem_shared>> -> memref<10112x16xf32, #tpu.memory_space<vmem_shared>>
    tpu.enqueue_indirect_dma source(%arg10 : memref<80x16xf32, #tpu.memory_space<vmem>>) target(%dma_start3A_64 : memref<10112x16xf32, #tpu.memory_space<vmem_shared>>) offsets(%dma_start3A_61 : memref<80xi32, #tpu.memory_space<vmem>>) semaphore(%arg17 : memref<!tpu.dma_semaphore, #tpu.memory_space<semaphore_mem>>) {add = true}
    %dma_start3A_65 = arith.constant 4 : i32
    %dma_start3A_66 = arith.constant 0 : i32
    %dma_start3A_67 = tpu.memref_slice %arg9[%dma_start3A_65, %dma_start3A_66] : memref<125x80xi32, #tpu.memory_space<vmem>> -> memref<1x80xi32, #tpu.memory_space<vmem>>
    %dma_start3A_68 = tpu.memref_squeeze %dma_start3A_67 : memref<1x80xi32, #tpu.memory_space<vmem>> -> memref<80xi32, #tpu.memory_space<vmem>>
    %dma_start3A_69 = arith.constant 0 : i32
    %dma_start3A_70 = arith.constant 0 : i32
    %dma_start3A_71 = tpu.memref_slice %arg12[%dma_start3A_69, %dma_start3A_70] : memref<10112x16xf32, #tpu.memory_space<vmem_shared>> -> memref<10112x16xf32, #tpu.memory_space<vmem_shared>>
    tpu.enqueue_indirect_dma source(%arg11 : memref<80x16xf32, #tpu.memory_space<vmem>>) target(%dma_start3A_71 : memref<10112x16xf32, #tpu.memory_space<vmem_shared>>) offsets(%dma_start3A_68 : memref<80xi32, #tpu.memory_space<vmem>>) semaphore(%arg22 : memref<!tpu.dma_semaphore, #tpu.memory_space<semaphore_mem>>) {add = true}
    %scan3A = arith.constant 0 : i32
    %scan3A_72 = arith.constant 0 : i32
    %scan3A_73 = arith.constant 25 : i32
    %scan3A_74 = arith.addi %scan3A_72, %scan3A_73 : i32
    %scan3A_75 = arith.constant 1 : i32
    scf.for %scan3A_81 = %scan3A_72 to %scan3A_74 step %scan3A_75  : i32 {
      %dma_wait3A = arith.constant 0 : i32
      %dma_wait3A_82 = arith.constant 0 : i32
      %dma_wait3A_83 = tpu.memref_slice %arg8[%dma_wait3A, %dma_wait3A_82] : memref<125x80xi32, #tpu.memory_space<vmem>> -> memref<1x80xi32, #tpu.memory_space<vmem>>
      %dma_wait3A_84 = tpu.memref_squeeze %dma_wait3A_83 : memref<1x80xi32, #tpu.memory_space<vmem>> -> memref<80xi32, #tpu.memory_space<vmem>>
      %dma_wait3A_85 = arith.constant 0 : i32
      %dma_wait3A_86 = arith.constant 0 : i32
      %dma_wait3A_87 = tpu.memref_slice %arg12[%dma_wait3A_85, %dma_wait3A_86] : memref<10112x16xf32, #tpu.memory_space<vmem_shared>> -> memref<10112x16xf32, #tpu.memory_space<vmem_shared>>
      tpu.wait_indirect_dma semaphore(%arg13 : memref<!tpu.dma_semaphore, #tpu.memory_space<semaphore_mem>>) src(%arg10 : memref<80x16xf32, #tpu.memory_space<vmem>>) dst(%dma_wait3A_87 : memref<10112x16xf32, #tpu.memory_space<vmem_shared>>)
      %dma_wait3A_88 = arith.constant 0 : i32
      %dma_wait3A_89 = arith.constant 0 : i32
      %dma_wait3A_90 = tpu.memref_slice %arg9[%dma_wait3A_88, %dma_wait3A_89] : memref<125x80xi32, #tpu.memory_space<vmem>> -> memref<1x80xi32, #tpu.memory_space<vmem>>
      %dma_wait3A_91 = tpu.memref_squeeze %dma_wait3A_90 : memref<1x80xi32, #tpu.memory_space<vmem>> -> memref<80xi32, #tpu.memory_space<vmem>>
      %dma_wait3A_92 = arith.constant 0 : i32
      %dma_wait3A_93 = arith.constant 0 : i32
      %dma_wait3A_94 = tpu.memref_slice %arg12[%dma_wait3A_92, %dma_wait3A_93] : memref<10112x16xf32, #tpu.memory_space<vmem_shared>> -> memref<10112x16xf32, #tpu.memory_space<vmem_shared>>
      tpu.wait_indirect_dma semaphore(%arg18 : memref<!tpu.dma_semaphore, #tpu.memory_space<semaphore_mem>>) src(%arg11 : memref<80x16xf32, #tpu.memory_space<vmem>>) dst(%dma_wait3A_94 : memref<10112x16xf32, #tpu.memory_space<vmem_shared>>)
      %dma_wait3A_95 = arith.constant 0 : i32
      %dma_wait3A_96 = arith.constant 0 : i32
      %dma_wait3A_97 = tpu.memref_slice %arg8[%dma_wait3A_95, %dma_wait3A_96] : memref<125x80xi32, #tpu.memory_space<vmem>> -> memref<1x80xi32, #tpu.memory_space<vmem>>
      %dma_wait3A_98 = tpu.memref_squeeze %dma_wait3A_97 : memref<1x80xi32, #tpu.memory_space<vmem>> -> memref<80xi32, #tpu.memory_space<vmem>>
      %dma_wait3A_99 = arith.constant 0 : i32
      %dma_wait3A_100 = arith.constant 0 : i32
      %dma_wait3A_101 = tpu.memref_slice %arg12[%dma_wait3A_99, %dma_wait3A_100] : memref<10112x16xf32, #tpu.memory_space<vmem_shared>> -> memref<10112x16xf32, #tpu.memory_space<vmem_shared>>
      tpu.wait_indirect_dma semaphore(%arg14 : memref<!tpu.dma_semaphore, #tpu.memory_space<semaphore_mem>>) src(%arg10 : memref<80x16xf32, #tpu.memory_space<vmem>>) dst(%dma_wait3A_101 : memref<10112x16xf32, #tpu.memory_space<vmem_shared>>)
      %dma_wait3A_102 = arith.constant 0 : i32
      %dma_wait3A_103 = arith.constant 0 : i32
      %dma_wait3A_104 = tpu.memref_slice %arg9[%dma_wait3A_102, %dma_wait3A_103] : memref<125x80xi32, #tpu.memory_space<vmem>> -> memref<1x80xi32, #tpu.memory_space<vmem>>
      %dma_wait3A_105 = tpu.memref_squeeze %dma_wait3A_104 : memref<1x80xi32, #tpu.memory_space<vmem>> -> memref<80xi32, #tpu.memory_space<vmem>>
      %dma_wait3A_106 = arith.constant 0 : i32
      %dma_wait3A_107 = arith.constant 0 : i32
      %dma_wait3A_108 = tpu.memref_slice %arg12[%dma_wait3A_106, %dma_wait3A_107] : memref<10112x16xf32, #tpu.memory_space<vmem_shared>> -> memref<10112x16xf32, #tpu.memory_space<vmem_shared>>
      tpu.wait_indirect_dma semaphore(%arg19 : memref<!tpu.dma_semaphore, #tpu.memory_space<semaphore_mem>>) src(%arg11 : memref<80x16xf32, #tpu.memory_space<vmem>>) dst(%dma_wait3A_108 : memref<10112x16xf32, #tpu.memory_space<vmem_shared>>)
      %dma_wait3A_109 = arith.constant 0 : i32
      %dma_wait3A_110 = arith.constant 0 : i32
      %dma_wait3A_111 = tpu.memref_slice %arg8[%dma_wait3A_109, %dma_wait3A_110] : memref<125x80xi32, #tpu.memory_space<vmem>> -> memref<1x80xi32, #tpu.memory_space<vmem>>
      %dma_wait3A_112 = tpu.memref_squeeze %dma_wait3A_111 : memref<1x80xi32, #tpu.memory_space<vmem>> -> memref<80xi32, #tpu.memory_space<vmem>>
      %dma_wait3A_113 = arith.constant 0 : i32
      %dma_wait3A_114 = arith.constant 0 : i32
      %dma_wait3A_115 = tpu.memref_slice %arg12[%dma_wait3A_113, %dma_wait3A_114] : memref<10112x16xf32, #tpu.memory_space<vmem_shared>> -> memref<10112x16xf32, #tpu.memory_space<vmem_shared>>
      tpu.wait_indirect_dma semaphore(%arg15 : memref<!tpu.dma_semaphore, #tpu.memory_space<semaphore_mem>>) src(%arg10 : memref<80x16xf32, #tpu.memory_space<vmem>>) dst(%dma_wait3A_115 : memref<10112x16xf32, #tpu.memory_space<vmem_shared>>)
      %dma_wait3A_116 = arith.constant 0 : i32
      %dma_wait3A_117 = arith.constant 0 : i32
      %dma_wait3A_118 = tpu.memref_slice %arg9[%dma_wait3A_116, %dma_wait3A_117] : memref<125x80xi32, #tpu.memory_space<vmem>> -> memref<1x80xi32, #tpu.memory_space<vmem>>
      %dma_wait3A_119 = tpu.memref_squeeze %dma_wait3A_118 : memref<1x80xi32, #tpu.memory_space<vmem>> -> memref<80xi32, #tpu.memory_space<vmem>>
      %dma_wait3A_120 = arith.constant 0 : i32
      %dma_wait3A_121 = arith.constant 0 : i32
      %dma_wait3A_122 = tpu.memref_slice %arg12[%dma_wait3A_120, %dma_wait3A_121] : memref<10112x16xf32, #tpu.memory_space<vmem_shared>> -> memref<10112x16xf32, #tpu.memory_space<vmem_shared>>
      tpu.wait_indirect_dma semaphore(%arg20 : memref<!tpu.dma_semaphore, #tpu.memory_space<semaphore_mem>>) src(%arg11 : memref<80x16xf32, #tpu.memory_space<vmem>>) dst(%dma_wait3A_122 : memref<10112x16xf32, #tpu.memory_space<vmem_shared>>)
      %dma_wait3A_123 = arith.constant 0 : i32
      %dma_wait3A_124 = arith.constant 0 : i32
      %dma_wait3A_125 = tpu.memref_slice %arg8[%dma_wait3A_123, %dma_wait3A_124] : memref<125x80xi32, #tpu.memory_space<vmem>> -> memref<1x80xi32, #tpu.memory_space<vmem>>
      %dma_wait3A_126 = tpu.memref_squeeze %dma_wait3A_125 : memref<1x80xi32, #tpu.memory_space<vmem>> -> memref<80xi32, #tpu.memory_space<vmem>>
      %dma_wait3A_127 = arith.constant 0 : i32
      %dma_wait3A_128 = arith.constant 0 : i32
      %dma_wait3A_129 = tpu.memref_slice %arg12[%dma_wait3A_127, %dma_wait3A_128] : memref<10112x16xf32, #tpu.memory_space<vmem_shared>> -> memref<10112x16xf32, #tpu.memory_space<vmem_shared>>
      tpu.wait_indirect_dma semaphore(%arg16 : memref<!tpu.dma_semaphore, #tpu.memory_space<semaphore_mem>>) src(%arg10 : memref<80x16xf32, #tpu.memory_space<vmem>>) dst(%dma_wait3A_129 : memref<10112x16xf32, #tpu.memory_space<vmem_shared>>)
      %dma_wait3A_130 = arith.constant 0 : i32
      %dma_wait3A_131 = arith.constant 0 : i32
      %dma_wait3A_132 = tpu.memref_slice %arg9[%dma_wait3A_130, %dma_wait3A_131] : memref<125x80xi32, #tpu.memory_space<vmem>> -> memref<1x80xi32, #tpu.memory_space<vmem>>
      %dma_wait3A_133 = tpu.memref_squeeze %dma_wait3A_132 : memref<1x80xi32, #tpu.memory_space<vmem>> -> memref<80xi32, #tpu.memory_space<vmem>>
      %dma_wait3A_134 = arith.constant 0 : i32
      %dma_wait3A_135 = arith.constant 0 : i32
      %dma_wait3A_136 = tpu.memref_slice %arg12[%dma_wait3A_134, %dma_wait3A_135] : memref<10112x16xf32, #tpu.memory_space<vmem_shared>> -> memref<10112x16xf32, #tpu.memory_space<vmem_shared>>
      tpu.wait_indirect_dma semaphore(%arg21 : memref<!tpu.dma_semaphore, #tpu.memory_space<semaphore_mem>>) src(%arg11 : memref<80x16xf32, #tpu.memory_space<vmem>>) dst(%dma_wait3A_136 : memref<10112x16xf32, #tpu.memory_space<vmem_shared>>)
      %dma_wait3A_137 = arith.constant 0 : i32
      %dma_wait3A_138 = arith.constant 0 : i32
      %dma_wait3A_139 = tpu.memref_slice %arg8[%dma_wait3A_137, %dma_wait3A_138] : memref<125x80xi32, #tpu.memory_space<vmem>> -> memref<1x80xi32, #tpu.memory_space<vmem>>
      %dma_wait3A_140 = tpu.memref_squeeze %dma_wait3A_139 : memref<1x80xi32, #tpu.memory_space<vmem>> -> memref<80xi32, #tpu.memory_space<vmem>>
      %dma_wait3A_141 = arith.constant 0 : i32
      %dma_wait3A_142 = arith.constant 0 : i32
      %dma_wait3A_143 = tpu.memref_slice %arg12[%dma_wait3A_141, %dma_wait3A_142] : memref<10112x16xf32, #tpu.memory_space<vmem_shared>> -> memref<10112x16xf32, #tpu.memory_space<vmem_shared>>
      tpu.wait_indirect_dma semaphore(%arg17 : memref<!tpu.dma_semaphore, #tpu.memory_space<semaphore_mem>>) src(%arg10 : memref<80x16xf32, #tpu.memory_space<vmem>>) dst(%dma_wait3A_143 : memref<10112x16xf32, #tpu.memory_space<vmem_shared>>)
      %dma_wait3A_144 = arith.constant 0 : i32
      %dma_wait3A_145 = arith.constant 0 : i32
      %dma_wait3A_146 = tpu.memref_slice %arg9[%dma_wait3A_144, %dma_wait3A_145] : memref<125x80xi32, #tpu.memory_space<vmem>> -> memref<1x80xi32, #tpu.memory_space<vmem>>
      %dma_wait3A_147 = tpu.memref_squeeze %dma_wait3A_146 : memref<1x80xi32, #tpu.memory_space<vmem>> -> memref<80xi32, #tpu.memory_space<vmem>>
      %dma_wait3A_148 = arith.constant 0 : i32
      %dma_wait3A_149 = arith.constant 0 : i32
      %dma_wait3A_150 = tpu.memref_slice %arg12[%dma_wait3A_148, %dma_wait3A_149] : memref<10112x16xf32, #tpu.memory_space<vmem_shared>> -> memref<10112x16xf32, #tpu.memory_space<vmem_shared>>
      tpu.wait_indirect_dma semaphore(%arg22 : memref<!tpu.dma_semaphore, #tpu.memory_space<semaphore_mem>>) src(%arg11 : memref<80x16xf32, #tpu.memory_space<vmem>>) dst(%dma_wait3A_150 : memref<10112x16xf32, #tpu.memory_space<vmem_shared>>)
      %add3A_151 = arith.constant 1 : i32
      %add3A_152 = arith.addi %scan3A_81, %add3A_151 : i32
      %lt3A = arith.constant 25 : i32
      %lt3A_153 = arith.cmpi slt, %add3A_152, %lt3A : i32
      %convert_element_type3A = arith.extui %lt3A_153 : i1 to i32
      %cond3A = arith.constant 0 : i32
      %cond3A_154 = arith.cmpi ne, %convert_element_type3A, %cond3A : i32
      scf.if %cond3A_154 {
        %add3A_155 = arith.constant 1 : i32
        %add3A_156 = arith.addi %scan3A_81, %add3A_155 : i32
        %mul3A_157 = arith.constant 5 : i32
        %mul3A_158 = arith.muli %add3A_156, %mul3A_157 : i32
        %add3A_159 = arith.constant 0 : i32
        %add3A_160 = arith.addi %mul3A_158, %add3A_159 : i32
        %dma_start3A_161 = arith.constant 0 : i32
        %dma_start3A_162 = tpu.memref_slice %arg8[%add3A_160, %dma_start3A_161] : memref<125x80xi32, #tpu.memory_space<vmem>> -> memref<1x80xi32, #tpu.memory_space<vmem>>
        %dma_start3A_163 = tpu.memref_squeeze %dma_start3A_162 : memref<1x80xi32, #tpu.memory_space<vmem>> -> memref<80xi32, #tpu.memory_space<vmem>>
        %dma_start3A_164 = arith.constant 0 : i32
        %dma_start3A_165 = arith.constant 0 : i32
        %dma_start3A_166 = tpu.memref_slice %arg12[%dma_start3A_164, %dma_start3A_165] : memref<10112x16xf32, #tpu.memory_space<vmem_shared>> -> memref<10112x16xf32, #tpu.memory_space<vmem_shared>>
        tpu.enqueue_indirect_dma source(%arg10 : memref<80x16xf32, #tpu.memory_space<vmem>>) target(%dma_start3A_166 : memref<10112x16xf32, #tpu.memory_space<vmem_shared>>) offsets(%dma_start3A_163 : memref<80xi32, #tpu.memory_space<vmem>>) semaphore(%arg13 : memref<!tpu.dma_semaphore, #tpu.memory_space<semaphore_mem>>) {add = true}
        %dma_start3A_167 = arith.constant 0 : i32
        %dma_start3A_168 = tpu.memref_slice %arg9[%add3A_160, %dma_start3A_167] : memref<125x80xi32, #tpu.memory_space<vmem>> -> memref<1x80xi32, #tpu.memory_space<vmem>>
        %dma_start3A_169 = tpu.memref_squeeze %dma_start3A_168 : memref<1x80xi32, #tpu.memory_space<vmem>> -> memref<80xi32, #tpu.memory_space<vmem>>
        %dma_start3A_170 = arith.constant 0 : i32
        %dma_start3A_171 = arith.constant 0 : i32
        %dma_start3A_172 = tpu.memref_slice %arg12[%dma_start3A_170, %dma_start3A_171] : memref<10112x16xf32, #tpu.memory_space<vmem_shared>> -> memref<10112x16xf32, #tpu.memory_space<vmem_shared>>
        tpu.enqueue_indirect_dma source(%arg11 : memref<80x16xf32, #tpu.memory_space<vmem>>) target(%dma_start3A_172 : memref<10112x16xf32, #tpu.memory_space<vmem_shared>>) offsets(%dma_start3A_169 : memref<80xi32, #tpu.memory_space<vmem>>) semaphore(%arg18 : memref<!tpu.dma_semaphore, #tpu.memory_space<semaphore_mem>>) {add = true}
        %add3A_173 = arith.constant 1 : i32
        %add3A_174 = arith.addi %scan3A_81, %add3A_173 : i32
        %mul3A_175 = arith.constant 5 : i32
        %mul3A_176 = arith.muli %add3A_174, %mul3A_175 : i32
        %add3A_177 = arith.constant 1 : i32
        %add3A_178 = arith.addi %mul3A_176, %add3A_177 : i32
        %dma_start3A_179 = arith.constant 0 : i32
        %dma_start3A_180 = tpu.memref_slice %arg8[%add3A_178, %dma_start3A_179] : memref<125x80xi32, #tpu.memory_space<vmem>> -> memref<1x80xi32, #tpu.memory_space<vmem>>
        %dma_start3A_181 = tpu.memref_squeeze %dma_start3A_180 : memref<1x80xi32, #tpu.memory_space<vmem>> -> memref<80xi32, #tpu.memory_space<vmem>>
        %dma_start3A_182 = arith.constant 0 : i32
        %dma_start3A_183 = arith.constant 0 : i32
        %dma_start3A_184 = tpu.memref_slice %arg12[%dma_start3A_182, %dma_start3A_183] : memref<10112x16xf32, #tpu.memory_space<vmem_shared>> -> memref<10112x16xf32, #tpu.memory_space<vmem_shared>>
        tpu.enqueue_indirect_dma source(%arg10 : memref<80x16xf32, #tpu.memory_space<vmem>>) target(%dma_start3A_184 : memref<10112x16xf32, #tpu.memory_space<vmem_shared>>) offsets(%dma_start3A_181 : memref<80xi32, #tpu.memory_space<vmem>>) semaphore(%arg14 : memref<!tpu.dma_semaphore, #tpu.memory_space<semaphore_mem>>) {add = true}
        %dma_start3A_185 = arith.constant 0 : i32
        %dma_start3A_186 = tpu.memref_slice %arg9[%add3A_178, %dma_start3A_185] : memref<125x80xi32, #tpu.memory_space<vmem>> -> memref<1x80xi32, #tpu.memory_space<vmem>>
        %dma_start3A_187 = tpu.memref_squeeze %dma_start3A_186 : memref<1x80xi32, #tpu.memory_space<vmem>> -> memref<80xi32, #tpu.memory_space<vmem>>
        %dma_start3A_188 = arith.constant 0 : i32
        %dma_start3A_189 = arith.constant 0 : i32
        %dma_start3A_190 = tpu.memref_slice %arg12[%dma_start3A_188, %dma_start3A_189] : memref<10112x16xf32, #tpu.memory_space<vmem_shared>> -> memref<10112x16xf32, #tpu.memory_space<vmem_shared>>
        tpu.enqueue_indirect_dma source(%arg11 : memref<80x16xf32, #tpu.memory_space<vmem>>) target(%dma_start3A_190 : memref<10112x16xf32, #tpu.memory_space<vmem_shared>>) offsets(%dma_start3A_187 : memref<80xi32, #tpu.memory_space<vmem>>) semaphore(%arg19 : memref<!tpu.dma_semaphore, #tpu.memory_space<semaphore_mem>>) {add = true}
        %add3A_191 = arith.constant 1 : i32
        %add3A_192 = arith.addi %scan3A_81, %add3A_191 : i32
        %mul3A_193 = arith.constant 5 : i32
        %mul3A_194 = arith.muli %add3A_192, %mul3A_193 : i32
        %add3A_195 = arith.constant 2 : i32
        %add3A_196 = arith.addi %mul3A_194, %add3A_195 : i32
        %dma_start3A_197 = arith.constant 0 : i32
        %dma_start3A_198 = tpu.memref_slice %arg8[%add3A_196, %dma_start3A_197] : memref<125x80xi32, #tpu.memory_space<vmem>> -> memref<1x80xi32, #tpu.memory_space<vmem>>
        %dma_start3A_199 = tpu.memref_squeeze %dma_start3A_198 : memref<1x80xi32, #tpu.memory_space<vmem>> -> memref<80xi32, #tpu.memory_space<vmem>>
        %dma_start3A_200 = arith.constant 0 : i32
        %dma_start3A_201 = arith.constant 0 : i32
        %dma_start3A_202 = tpu.memref_slice %arg12[%dma_start3A_200, %dma_start3A_201] : memref<10112x16xf32, #tpu.memory_space<vmem_shared>> -> memref<10112x16xf32, #tpu.memory_space<vmem_shared>>
        tpu.enqueue_indirect_dma source(%arg10 : memref<80x16xf32, #tpu.memory_space<vmem>>) target(%dma_start3A_202 : memref<10112x16xf32, #tpu.memory_space<vmem_shared>>) offsets(%dma_start3A_199 : memref<80xi32, #tpu.memory_space<vmem>>) semaphore(%arg15 : memref<!tpu.dma_semaphore, #tpu.memory_space<semaphore_mem>>) {add = true}
        %dma_start3A_203 = arith.constant 0 : i32
        %dma_start3A_204 = tpu.memref_slice %arg9[%add3A_196, %dma_start3A_203] : memref<125x80xi32, #tpu.memory_space<vmem>> -> memref<1x80xi32, #tpu.memory_space<vmem>>
        %dma_start3A_205 = tpu.memref_squeeze %dma_start3A_204 : memref<1x80xi32, #tpu.memory_space<vmem>> -> memref<80xi32, #tpu.memory_space<vmem>>
        %dma_start3A_206 = arith.constant 0 : i32
        %dma_start3A_207 = arith.constant 0 : i32
        %dma_start3A_208 = tpu.memref_slice %arg12[%dma_start3A_206, %dma_start3A_207] : memref<10112x16xf32, #tpu.memory_space<vmem_shared>> -> memref<10112x16xf32, #tpu.memory_space<vmem_shared>>
        tpu.enqueue_indirect_dma source(%arg11 : memref<80x16xf32, #tpu.memory_space<vmem>>) target(%dma_start3A_208 : memref<10112x16xf32, #tpu.memory_space<vmem_shared>>) offsets(%dma_start3A_205 : memref<80xi32, #tpu.memory_space<vmem>>) semaphore(%arg20 : memref<!tpu.dma_semaphore, #tpu.memory_space<semaphore_mem>>) {add = true}
        %add3A_209 = arith.constant 1 : i32
        %add3A_210 = arith.addi %scan3A_81, %add3A_209 : i32
        %mul3A_211 = arith.constant 5 : i32
        %mul3A_212 = arith.muli %add3A_210, %mul3A_211 : i32
        %add3A_213 = arith.constant 3 : i32
        %add3A_214 = arith.addi %mul3A_212, %add3A_213 : i32
        %dma_start3A_215 = arith.constant 0 : i32
        %dma_start3A_216 = tpu.memref_slice %arg8[%add3A_214, %dma_start3A_215] : memref<125x80xi32, #tpu.memory_space<vmem>> -> memref<1x80xi32, #tpu.memory_space<vmem>>
        %dma_start3A_217 = tpu.memref_squeeze %dma_start3A_216 : memref<1x80xi32, #tpu.memory_space<vmem>> -> memref<80xi32, #tpu.memory_space<vmem>>
        %dma_start3A_218 = arith.constant 0 : i32
        %dma_start3A_219 = arith.constant 0 : i32
        %dma_start3A_220 = tpu.memref_slice %arg12[%dma_start3A_218, %dma_start3A_219] : memref<10112x16xf32, #tpu.memory_space<vmem_shared>> -> memref<10112x16xf32, #tpu.memory_space<vmem_shared>>
        tpu.enqueue_indirect_dma source(%arg10 : memref<80x16xf32, #tpu.memory_space<vmem>>) target(%dma_start3A_220 : memref<10112x16xf32, #tpu.memory_space<vmem_shared>>) offsets(%dma_start3A_217 : memref<80xi32, #tpu.memory_space<vmem>>) semaphore(%arg16 : memref<!tpu.dma_semaphore, #tpu.memory_space<semaphore_mem>>) {add = true}
        %dma_start3A_221 = arith.constant 0 : i32
        %dma_start3A_222 = tpu.memref_slice %arg9[%add3A_214, %dma_start3A_221] : memref<125x80xi32, #tpu.memory_space<vmem>> -> memref<1x80xi32, #tpu.memory_space<vmem>>
        %dma_start3A_223 = tpu.memref_squeeze %dma_start3A_222 : memref<1x80xi32, #tpu.memory_space<vmem>> -> memref<80xi32, #tpu.memory_space<vmem>>
        %dma_start3A_224 = arith.constant 0 : i32
        %dma_start3A_225 = arith.constant 0 : i32
        %dma_start3A_226 = tpu.memref_slice %arg12[%dma_start3A_224, %dma_start3A_225] : memref<10112x16xf32, #tpu.memory_space<vmem_shared>> -> memref<10112x16xf32, #tpu.memory_space<vmem_shared>>
        tpu.enqueue_indirect_dma source(%arg11 : memref<80x16xf32, #tpu.memory_space<vmem>>) target(%dma_start3A_226 : memref<10112x16xf32, #tpu.memory_space<vmem_shared>>) offsets(%dma_start3A_223 : memref<80xi32, #tpu.memory_space<vmem>>) semaphore(%arg21 : memref<!tpu.dma_semaphore, #tpu.memory_space<semaphore_mem>>) {add = true}
        %add3A_227 = arith.constant 1 : i32
        %add3A_228 = arith.addi %scan3A_81, %add3A_227 : i32
        %mul3A_229 = arith.constant 5 : i32
        %mul3A_230 = arith.muli %add3A_228, %mul3A_229 : i32
        %add3A_231 = arith.constant 4 : i32
        %add3A_232 = arith.addi %mul3A_230, %add3A_231 : i32
        %dma_start3A_233 = arith.constant 0 : i32
        %dma_start3A_234 = tpu.memref_slice %arg8[%add3A_232, %dma_start3A_233] : memref<125x80xi32, #tpu.memory_space<vmem>> -> memref<1x80xi32, #tpu.memory_space<vmem>>
        %dma_start3A_235 = tpu.memref_squeeze %dma_start3A_234 : memref<1x80xi32, #tpu.memory_space<vmem>> -> memref<80xi32, #tpu.memory_space<vmem>>
        %dma_start3A_236 = arith.constant 0 : i32
        %dma_start3A_237 = arith.constant 0 : i32
        %dma_start3A_238 = tpu.memref_slice %arg12[%dma_start3A_236, %dma_start3A_237] : memref<10112x16xf32, #tpu.memory_space<vmem_shared>> -> memref<10112x16xf32, #tpu.memory_space<vmem_shared>>
        tpu.enqueue_indirect_dma source(%arg10 : memref<80x16xf32, #tpu.memory_space<vmem>>) target(%dma_start3A_238 : memref<10112x16xf32, #tpu.memory_space<vmem_shared>>) offsets(%dma_start3A_235 : memref<80xi32, #tpu.memory_space<vmem>>) semaphore(%arg17 : memref<!tpu.dma_semaphore, #tpu.memory_space<semaphore_mem>>) {add = true}
        %dma_start3A_239 = arith.constant 0 : i32
        %dma_start3A_240 = tpu.memref_slice %arg9[%add3A_232, %dma_start3A_239] : memref<125x80xi32, #tpu.memory_space<vmem>> -> memref<1x80xi32, #tpu.memory_space<vmem>>
        %dma_start3A_241 = tpu.memref_squeeze %dma_start3A_240 : memref<1x80xi32, #tpu.memory_space<vmem>> -> memref<80xi32, #tpu.memory_space<vmem>>
        %dma_start3A_242 = arith.constant 0 : i32
        %dma_start3A_243 = arith.constant 0 : i32
        %dma_start3A_244 = tpu.memref_slice %arg12[%dma_start3A_242, %dma_start3A_243] : memref<10112x16xf32, #tpu.memory_space<vmem_shared>> -> memref<10112x16xf32, #tpu.memory_space<vmem_shared>>
        tpu.enqueue_indirect_dma source(%arg11 : memref<80x16xf32, #tpu.memory_space<vmem>>) target(%dma_start3A_244 : memref<10112x16xf32, #tpu.memory_space<vmem_shared>>) offsets(%dma_start3A_241 : memref<80xi32, #tpu.memory_space<vmem>>) semaphore(%arg22 : memref<!tpu.dma_semaphore, #tpu.memory_space<semaphore_mem>>) {add = true}
      } else {
      }
    }
    %scan3A_76 = arith.constant 25 : i32
    %barrier3A_77 = arith.constant 0 : index
    tpu.barrier barrier_id(%barrier3A_77)
    %mul3A_78 = arith.constant 10112 : i32
    %mul3A_79 = arith.muli %arg0, %mul3A_78 : i32
    %add3A_80 = arith.addi %mul3A_79, %mul3A_2 : i32
    "tpu.region"() ({
      %run_scoped3A = tpu.sem_alloc : memref<!tpu.dma_semaphore, #tpu.memory_space<semaphore_mem>>
      %dma_start3A_81 = arith.constant 0 : i32
      %dma_start3A_82 = tpu.memref_slice %arg7[%add3A_80, %dma_start3A_81] : memref<20224x16xf32, #tpu.memory_space<hbm>> -> memref<632x16xf32, #tpu.memory_space<hbm>>
      %dma_start3A_83 = arith.constant 0 : i32
      %dma_start3A_84 = tpu.memref_slice %arg12[%mul3A_2, %dma_start3A_83] : memref<10112x16xf32, #tpu.memory_space<vmem_shared>> -> memref<632x16xf32, #tpu.memory_space<vmem_shared>>
      tpu.enqueue_dma source(%dma_start3A_84 : memref<632x16xf32, #tpu.memory_space<vmem_shared>>) target(%dma_start3A_82 : memref<632x16xf32, #tpu.memory_space<hbm>>) target_semaphore(%run_scoped3A : memref<!tpu.dma_semaphore, #tpu.memory_space<semaphore_mem>>)
      %dma_wait3A = arith.constant 0 : i32
      %dma_wait3A_85 = tpu.memref_slice %arg7[%add3A_80, %dma_wait3A] : memref<20224x16xf32, #tpu.memory_space<hbm>> -> memref<632x16xf32, #tpu.memory_space<hbm>>
      %dma_wait3A_86 = arith.constant 0 : i32
      %dma_wait3A_87 = tpu.memref_slice %arg12[%mul3A_2, %dma_wait3A_86] : memref<10112x16xf32, #tpu.memory_space<vmem_shared>> -> memref<632x16xf32, #tpu.memory_space<vmem_shared>>
      tpu.wait_dma2 semaphore(%run_scoped3A : memref<!tpu.dma_semaphore, #tpu.memory_space<semaphore_mem>>) src(%dma_wait3A_87 : memref<632x16xf32, #tpu.memory_space<vmem_shared>>) dst(%dma_wait3A_85 : memref<632x16xf32, #tpu.memory_space<hbm>>)
      tpu.yield
    }) : () -> ()
    return
  }
}

module attributes {stable_mosaic.version = 14 : i64} {
  func.func @_norm_mm_body(%arg0: i32, %arg1: memref<2x2000x16xf32, #tpu.memory_space<vmem>>, %arg2: memref<2000x128xf32, #tpu.memory_space<vmem>>, %arg3: memref<128x128xf32, #tpu.memory_space<vmem>>, %arg4: memref<2000x128xf32, #tpu.memory_space<vmem>>, %arg5: memref<2000x1xf32, #tpu.memory_space<vmem>>, %arg6: memref<2000x1xf32, #tpu.memory_space<vmem>>) attributes {dimension_semantics = [#tpu.dimension_semantics<arbitrary>], iteration_bounds = array<i64: 5>, scalar_prefetch = 0 : i64, scratch_operands = 0 : i64, tpu.core_type = #tpu.core_type<tc>, window_params = [{transform_indices = @transform_0, window_bounds = array<i64: 2, 2000, 16>}, {transform_indices = @transform_1, window_bounds = array<i64: 2000, 128>}, {pipeline_mode = #tpu.pipeline_mode<synchronous>, transform_indices = @transform_2, window_bounds = array<i64: 128, 128>}, {transform_indices = @transform_3, window_bounds = array<i64: 2000, 128>}, {transform_indices = @transform_4, window_bounds = array<i64: 2000, 1>}, {transform_indices = @transform_5, window_bounds = array<i64: 2000, 1>}]} {
    %get3A = arith.constant 0 : index
    %get3A_0 = arith.constant 0 : index
    %get3A_1 = arith.constant 0 : index
    %get3A_2 = vector.load %arg1[%get3A, %get3A_0, %get3A_1] : memref<2x2000x16xf32, #tpu.memory_space<vmem>>, vector<1x2000x16xf32>
    %get3A_3 = vector.shape_cast %get3A_2 : vector<1x2000x16xf32> to vector<2000x16xf32>
    %get3A_4 = arith.constant 1 : index
    %get3A_5 = arith.constant 0 : index
    %get3A_6 = arith.constant 0 : index
    %get3A_7 = vector.load %arg1[%get3A_4, %get3A_5, %get3A_6] : memref<2x2000x16xf32, #tpu.memory_space<vmem>>, vector<1x2000x16xf32>
    %get3A_8 = vector.shape_cast %get3A_7 : vector<1x2000x16xf32> to vector<2000x16xf32>
    %add3A = arith.addf %get3A_3, %get3A_8 : vector<2000x16xf32>
    %slice3A = vector.extract_strided_slice %add3A {offsets = [0, 0], sizes = [2000, 8], strides = [1, 1]} : vector<2000x16xf32> to vector<2000x8xf32>
    %reduce_sum3A = arith.constant dense<0.000000e+00> : vector<2000xf32>
    %reduce_sum3A_9 = vector.multi_reduction <add>, %slice3A, %reduce_sum3A [1] : vector<2000x8xf32> to vector<2000xf32>
    %mul3A = arith.constant 1.250000e-01 : f32
    %mul3A_10 = vector.broadcast %mul3A : f32 to vector<2000xf32>
    %mul3A_11 = arith.mulf %reduce_sum3A_9, %mul3A_10 : vector<2000xf32>
    %slice3A_12 = vector.extract_strided_slice %add3A {offsets = [0, 8], sizes = [2000, 8], strides = [1, 1]} : vector<2000x16xf32> to vector<2000x8xf32>
    %reduce_sum3A_13 = arith.constant dense<0.000000e+00> : vector<2000xf32>
    %reduce_sum3A_14 = vector.multi_reduction <add>, %slice3A_12, %reduce_sum3A_13 [1] : vector<2000x8xf32> to vector<2000xf32>
    %mul3A_15 = arith.constant 1.250000e-01 : f32
    %mul3A_16 = vector.broadcast %mul3A_15 : f32 to vector<2000xf32>
    %mul3A_17 = arith.mulf %reduce_sum3A_14, %mul3A_16 : vector<2000xf32>
    %gt3A = arith.constant 5.000000e-01 : f32
    %gt3A_18 = vector.broadcast %gt3A : f32 to vector<2000xf32>
    %gt3A_19 = arith.cmpf ogt, %mul3A_11, %gt3A_18 : vector<2000xf32>
    %max3A = arith.constant 9.99999996E-13 : f32
    %max3A_20 = vector.broadcast %max3A : f32 to vector<2000xf32>
    %max3A_21 = arith.maximumf %mul3A_11, %max3A_20 : vector<2000xf32>
    %rsqrt3A = math.rsqrt %max3A_21 : vector<2000xf32>
    %jit3A = arith.constant 0.000000e+00 : f32
    %broadcast_in_dim3A = vector.broadcast %jit3A : f32 to vector<2000xf32>
    %select_n3A = arith.select %gt3A_19, %rsqrt3A, %broadcast_in_dim3A : vector<2000xi1>, vector<2000xf32>
    %gt3A_22 = arith.constant 5.000000e-01 : f32
    %gt3A_23 = vector.broadcast %gt3A_22 : f32 to vector<2000xf32>
    %gt3A_24 = arith.cmpf ogt, %mul3A_17, %gt3A_23 : vector<2000xf32>
    %max3A_25 = arith.constant 9.99999996E-13 : f32
    %max3A_26 = vector.broadcast %max3A_25 : f32 to vector<2000xf32>
    %max3A_27 = arith.maximumf %mul3A_17, %max3A_26 : vector<2000xf32>
    %rsqrt3A_28 = math.rsqrt %max3A_27 : vector<2000xf32>
    %jit3A_29 = arith.constant 0.000000e+00 : f32
    %broadcast_in_dim3A_30 = vector.broadcast %jit3A_29 : f32 to vector<2000xf32>
    %select_n3A_31 = arith.select %gt3A_24, %rsqrt3A_28, %broadcast_in_dim3A_30 : vector<2000xi1>, vector<2000xf32>
    %get3A_32 = arith.constant 0 : index
    %get3A_33 = arith.constant 0 : index
    %get3A_34 = vector.load %arg2[%get3A_32, %get3A_33] : memref<2000x128xf32, #tpu.memory_space<vmem>>, vector<2000x128xf32>
    %broadcast_in_dim3A_35 = vector.shape_cast %select_n3A : vector<2000xf32> to vector<2000x1xf32>
    %mul3A_36 = vector.broadcast %broadcast_in_dim3A_35 : vector<2000x1xf32> to vector<2000x128xf32>
    %mul3A_37 = arith.mulf %get3A_34, %mul3A_36 : vector<2000x128xf32>
    %get3A_38 = arith.constant 0 : index
    %get3A_39 = arith.constant 0 : index
    %get3A_40 = vector.load %arg3[%get3A_38, %get3A_39] : memref<128x128xf32, #tpu.memory_space<vmem>>, vector<128x128xf32>
    %dot_general3A = arith.constant dense<0.000000e+00> : vector<2000x128xf32>
    %dot_general3A_41 = tpu.matmul %mul3A_37, %get3A_40, %dot_general3A {dimension_numbers = #tpu.dot_dimension_numbers<[1], [0], [0], [1], [0, 0, 1, 1], [], []>, precision = #tpu.contract_precision<fp32>, transpose_lhs_hint = false} : vector<2000x128xf32>, vector<128x128xf32>, vector<2000x128xf32> -> vector<2000x128xf32>
    %swap3A = arith.constant 0 : index
    %swap3A_42 = arith.constant 0 : index
    %swap3A_43 = vector.load %arg4[%swap3A, %swap3A_42] : memref<2000x128xf32, #tpu.memory_space<vmem>>, vector<2000x128xf32>
    tpu.vector_store %arg4[%swap3A, %swap3A_42], %dot_general3A_41 {strides = array<i32>} : memref<2000x128xf32, #tpu.memory_space<vmem>>, vector<2000x128xf32>,
    %broadcast_in_dim3A_44 = vector.shape_cast %select_n3A : vector<2000xf32> to vector<2000x1xf32>
    %swap3A_45 = arith.constant 0 : index
    %swap3A_46 = arith.constant 0 : index
    %swap3A_47 = vector.load %arg5[%swap3A_45, %swap3A_46] : memref<2000x1xf32, #tpu.memory_space<vmem>>, vector<2000x1xf32>
    tpu.vector_store %arg5[%swap3A_45, %swap3A_46], %broadcast_in_dim3A_44 {strides = array<i32>} : memref<2000x1xf32, #tpu.memory_space<vmem>>, vector<2000x1xf32>,
    %broadcast_in_dim3A_48 = vector.shape_cast %select_n3A_31 : vector<2000xf32> to vector<2000x1xf32>
    %swap3A_49 = arith.constant 0 : index
    %swap3A_50 = arith.constant 0 : index
    %swap3A_51 = vector.load %arg6[%swap3A_49, %swap3A_50] : memref<2000x1xf32, #tpu.memory_space<vmem>>, vector<2000x1xf32>
    tpu.vector_store %arg6[%swap3A_49, %swap3A_50], %broadcast_in_dim3A_48 {strides = array<i32>} : memref<2000x1xf32, #tpu.memory_space<vmem>>, vector<2000x1xf32>,
    return
  }
  func.func @transform_0(%arg0: i32) -> (i32, i32, i32) {
    %c0_i32 = arith.constant 0 : i32
    %c0_i32_0 = arith.constant 0 : i32
    %c0_i32_1 = arith.constant 0 : i32
    return %c0_i32, %arg0, %c0_i32_0 : i32, i32, i32
  }
  func.func @transform_1(%arg0: i32) -> (i32, i32) {
    %c0_i32 = arith.constant 0 : i32
    %c0_i32_0 = arith.constant 0 : i32
    return %arg0, %c0_i32 : i32, i32
  }
  func.func @transform_2(%arg0: i32) -> (i32, i32) {
    %c0_i32 = arith.constant 0 : i32
    %c0_i32_0 = arith.constant 0 : i32
    %c0_i32_1 = arith.constant 0 : i32
    return %c0_i32, %c0_i32_0 : i32, i32
  }
  func.func @transform_3(%arg0: i32) -> (i32, i32) {
    %c0_i32 = arith.constant 0 : i32
    %c0_i32_0 = arith.constant 0 : i32
    return %arg0, %c0_i32 : i32, i32
  }
  func.func @transform_4(%arg0: i32) -> (i32, i32) {
    %c0_i32 = arith.constant 0 : i32
    %c0_i32_0 = arith.constant 0 : i32
    return %arg0, %c0_i32 : i32, i32
  }
  func.func @transform_5(%arg0: i32) -> (i32, i32) {
    %c0_i32 = arith.constant 0 : i32
    %c0_i32_0 = arith.constant 0 : i32
    return %arg0, %c0_i32 : i32, i32
  }
}

module attributes {stable_mosaic.version = 14 : i64} {
  func.func @_mid_body(%arg0: i32, %arg1: memref<2x2000x128xf32, #tpu.memory_space<vmem>>, %arg2: memref<128x32xf32, #tpu.memory_space<vmem>>, %arg3: memref<1x128xf32, #tpu.memory_space<vmem>>, %arg4: memref<2000x1xf32, #tpu.memory_space<vmem>>, %arg5: memref<2000x1xf32, #tpu.memory_space<vmem>>, %arg6: memref<2000x32xf32, #tpu.memory_space<vmem>>) attributes {dimension_semantics = [#tpu.dimension_semantics<arbitrary>], iteration_bounds = array<i64: 5>, scalar_prefetch = 0 : i64, scratch_operands = 0 : i64, tpu.core_type = #tpu.core_type<tc>, window_params = [{transform_indices = @transform_0, window_bounds = array<i64: 2, 2000, 128>}, {pipeline_mode = #tpu.pipeline_mode<synchronous>, transform_indices = @transform_1, window_bounds = array<i64: 128, 32>}, {pipeline_mode = #tpu.pipeline_mode<synchronous>, transform_indices = @transform_2, window_bounds = array<i64: 1, 128>}, {transform_indices = @transform_3, window_bounds = array<i64: 2000, 1>}, {transform_indices = @transform_4, window_bounds = array<i64: 2000, 1>}, {transform_indices = @transform_5, window_bounds = array<i64: 2000, 32>}]} {
    %get3A = arith.constant 0 : index
    %get3A_0 = arith.constant 0 : index
    %get3A_1 = arith.constant 0 : index
    %get3A_2 = vector.load %arg1[%get3A, %get3A_0, %get3A_1] : memref<2x2000x128xf32, #tpu.memory_space<vmem>>, vector<1x2000x128xf32>
    %get3A_3 = vector.shape_cast %get3A_2 : vector<1x2000x128xf32> to vector<2000x128xf32>
    %get3A_4 = arith.constant 1 : index
    %get3A_5 = arith.constant 0 : index
    %get3A_6 = arith.constant 0 : index
    %get3A_7 = vector.load %arg1[%get3A_4, %get3A_5, %get3A_6] : memref<2x2000x128xf32, #tpu.memory_space<vmem>>, vector<1x2000x128xf32>
    %get3A_8 = vector.shape_cast %get3A_7 : vector<1x2000x128xf32> to vector<2000x128xf32>
    %add3A = arith.addf %get3A_3, %get3A_8 : vector<2000x128xf32>
    %get3A_9 = arith.constant 0 : index
    %get3A_10 = arith.constant 0 : index
    %get3A_11 = vector.load %arg4[%get3A_9, %get3A_10] : memref<2000x1xf32, #tpu.memory_space<vmem>>, vector<2000x1xf32>
    %mul3A = vector.broadcast %get3A_11 : vector<2000x1xf32> to vector<2000x128xf32>
    %mul3A_12 = arith.mulf %add3A, %mul3A : vector<2000x128xf32>
    %get3A_13 = arith.constant 0 : index
    %get3A_14 = arith.constant 0 : index
    %get3A_15 = vector.load %arg3[%get3A_13, %get3A_14] : memref<1x128xf32, #tpu.memory_space<vmem>>, vector<1x128xf32>
    %add3A_16 = vector.broadcast %get3A_15 : vector<1x128xf32> to vector<2000x128xf32>
    %add3A_17 = arith.addf %mul3A_12, %add3A_16 : vector<2000x128xf32>
    %max3A = arith.constant 0.000000e+00 : f32
    %max3A_18 = vector.broadcast %max3A : f32 to vector<2000x128xf32>
    %max3A_19 = arith.maximumf %add3A_17, %max3A_18 : vector<2000x128xf32>
    %get3A_20 = arith.constant 0 : index
    %get3A_21 = arith.constant 0 : index
    %get3A_22 = vector.load %arg2[%get3A_20, %get3A_21] : memref<128x32xf32, #tpu.memory_space<vmem>>, vector<128x32xf32>
    %dot_general3A = arith.constant dense<0.000000e+00> : vector<2000x32xf32>
    %dot_general3A_23 = tpu.matmul %max3A_19, %get3A_22, %dot_general3A {dimension_numbers = #tpu.dot_dimension_numbers<[1], [0], [0], [1], [0, 0, 1, 1], [], []>, precision = #tpu.contract_precision<fp32>, transpose_lhs_hint = false} : vector<2000x128xf32>, vector<128x32xf32>, vector<2000x32xf32> -> vector<2000x32xf32>
    %get3A_24 = arith.constant 0 : index
    %get3A_25 = arith.constant 0 : index
    %get3A_26 = vector.load %arg5[%get3A_24, %get3A_25] : memref<2000x1xf32, #tpu.memory_space<vmem>>, vector<2000x1xf32>
    %mul3A_27 = vector.broadcast %get3A_26 : vector<2000x1xf32> to vector<2000x32xf32>
    %mul3A_28 = arith.mulf %dot_general3A_23, %mul3A_27 : vector<2000x32xf32>
    %swap3A = arith.constant 0 : index
    %swap3A_29 = arith.constant 0 : index
    %swap3A_30 = vector.load %arg6[%swap3A, %swap3A_29] : memref<2000x32xf32, #tpu.memory_space<vmem>>, vector<2000x32xf32>
    tpu.vector_store %arg6[%swap3A, %swap3A_29], %mul3A_28 {strides = array<i32>} : memref<2000x32xf32, #tpu.memory_space<vmem>>, vector<2000x32xf32>,
    return
  }
  func.func @transform_0(%arg0: i32) -> (i32, i32, i32) {
    %c0_i32 = arith.constant 0 : i32
    %c0_i32_0 = arith.constant 0 : i32
    %c0_i32_1 = arith.constant 0 : i32
    return %c0_i32, %arg0, %c0_i32_0 : i32, i32, i32
  }
  func.func @transform_1(%arg0: i32) -> (i32, i32) {
    %c0_i32 = arith.constant 0 : i32
    %c0_i32_0 = arith.constant 0 : i32
    %c0_i32_1 = arith.constant 0 : i32
    return %c0_i32, %c0_i32_0 : i32, i32
  }
  func.func @transform_2(%arg0: i32) -> (i32, i32) {
    %c0_i32 = arith.constant 0 : i32
    %c0_i32_0 = arith.constant 0 : i32
    %c0_i32_1 = arith.constant 0 : i32
    return %c0_i32, %c0_i32_0 : i32, i32
  }
  func.func @transform_3(%arg0: i32) -> (i32, i32) {
    %c0_i32 = arith.constant 0 : i32
    %c0_i32_0 = arith.constant 0 : i32
    return %arg0, %c0_i32 : i32, i32
  }
  func.func @transform_4(%arg0: i32) -> (i32, i32) {
    %c0_i32 = arith.constant 0 : i32
    %c0_i32_0 = arith.constant 0 : i32
    return %arg0, %c0_i32 : i32, i32
  }
  func.func @transform_5(%arg0: i32) -> (i32, i32) {
    %c0_i32 = arith.constant 0 : i32
    %c0_i32_0 = arith.constant 0 : i32
    return %arg0, %c0_i32 : i32, i32
  }
}

module attributes {stable_mosaic.version = 14 : i64} {
  func.func @_final_body(%arg0: memref<2x10112x32xf32, #tpu.memory_space<vmem>>, %arg1: memref<1x32xf32, #tpu.memory_space<vmem>>, %arg2: memref<10000x1xf32, #tpu.memory_space<vmem>>, %arg3: memref<1x32xf32, #tpu.memory_space<vmem>>) attributes {dimension_semantics = [], scalar_prefetch = 0 : i64, scratch_operands = 0 : i64, tpu.core_type = #tpu.core_type<tc>} {
    %get3A = arith.constant 0 : index
    %get3A_0 = arith.constant 0 : index
    %get3A_1 = arith.constant 0 : index
    %get3A_2 = vector.load %arg0[%get3A, %get3A_0, %get3A_1] : memref<2x10112x32xf32, #tpu.memory_space<vmem>>, vector<1x10000x32xf32>
    %get3A_3 = vector.shape_cast %get3A_2 : vector<1x10000x32xf32> to vector<10000x32xf32>
    %get3A_4 = arith.constant 1 : index
    %get3A_5 = arith.constant 0 : index
    %get3A_6 = arith.constant 0 : index
    %get3A_7 = vector.load %arg0[%get3A_4, %get3A_5, %get3A_6] : memref<2x10112x32xf32, #tpu.memory_space<vmem>>, vector<1x10000x32xf32>
    %get3A_8 = vector.shape_cast %get3A_7 : vector<1x10000x32xf32> to vector<10000x32xf32>
    %add3A = arith.addf %get3A_3, %get3A_8 : vector<10000x32xf32>
    %get3A_9 = arith.constant 0 : index
    %get3A_10 = arith.constant 0 : index
    %get3A_11 = vector.load %arg2[%get3A_9, %get3A_10] : memref<10000x1xf32, #tpu.memory_space<vmem>>, vector<10000x1xf32>
    %mul3A = vector.broadcast %get3A_11 : vector<10000x1xf32> to vector<10000x32xf32>
    %mul3A_12 = arith.mulf %add3A, %mul3A : vector<10000x32xf32>
    %get3A_13 = arith.constant 0 : index
    %get3A_14 = arith.constant 0 : index
    %get3A_15 = vector.load %arg1[%get3A_13, %get3A_14] : memref<1x32xf32, #tpu.memory_space<vmem>>, vector<1x32xf32>
    %add3A_16 = vector.broadcast %get3A_15 : vector<1x32xf32> to vector<10000x32xf32>
    %add3A_17 = arith.addf %mul3A_12, %add3A_16 : vector<10000x32xf32>
    %max3A = arith.constant 0.000000e+00 : f32
    %max3A_18 = vector.broadcast %max3A : f32 to vector<10000x32xf32>
    %max3A_19 = arith.maximumf %add3A_17, %max3A_18 : vector<10000x32xf32>
    %reduce_sum3A = arith.constant dense<0.000000e+00> : vector<32xf32>
    %reduce_sum3A_20 = vector.multi_reduction <add>, %max3A_19, %reduce_sum3A [0] : vector<10000x32xf32> to vector<32xf32>
    %broadcast_in_dim3A = vector.shape_cast %reduce_sum3A_20 : vector<32xf32> to vector<1x32xf32>
    %mul3A_21 = arith.constant 9.99999974E-5 : f32
    %mul3A_22 = vector.broadcast %mul3A_21 : f32 to vector<1x32xf32>
    %mul3A_23 = arith.mulf %broadcast_in_dim3A, %mul3A_22 : vector<1x32xf32>
    %swap3A = arith.constant 0 : index
    %swap3A_24 = arith.constant 0 : index
    %swap3A_25 = vector.load %arg3[%swap3A, %swap3A_24] : memref<1x32xf32, #tpu.memory_space<vmem>>, vector<1x32xf32>
    tpu.vector_store %arg3[%swap3A, %swap3A_24], %mul3A_23 {strides = array<i32>} : memref<1x32xf32, #tpu.memory_space<vmem>>, vector<1x32xf32>,
    return
  }
}

</mosaic_0001>

<sc_bundles>
// kernel: kernel.11.cloned.1.call-start
scs
__scs_entry_jumppad:
0x0: {  	(pc) =	sbr.rel $0x88, $3  }
0x1: {  	(tag) =	ssettag $0x0;
	lr =	simm.s32 $0x1  }
0x2: {  	[smem:$0x3F9B] =	sst lr;
	_ =	strace $0xD0000000  }
0x3: {  	_ = 	snop  }
0x4: {  	_ = 	snop  }
0x5: {  	_ = 	snop  }
0x6: {  	_ = 	snop  }
0x7: {  	_ = 	snop  }
__scs_overlays_trampoline_lowered:
0x8: {  	[smem:$0x3FAA] =	sst s0  }
0x9: {  	[smem:$0x3FAB] =	sst s1  }
0xa: {  	[smem:$0x3FAC] =	sst s2  }
0xb: {  	[smem:$0x3FAD] =	sst s3  }
0xc: {  	[smem:$0x3FAE] =	sst s4  }
0xd: {  	[smem:$0x3FAF] =	sst s5  }
0xe: {  	[smem:$0x3FB0] =	sst s6  }
0xf: {  	[smem:$0x3FB1] =	sst s7  }
0x10: {  	[smem:$0x3FB2] =	sst s8  }
0x11: {  	[smem:$0x3FB3] =	sst s9;
	s0 =	simm.s32 @!p0 $0x0  }
0x12: {  	s1 =	sld [smem:$0x3F99];
	s0 =	simm.s32 @p0 $0x1  }
0x13: {  	[smem:$0x3FB4] =	sst s0;
	s0 =	simm.s32 @!p1 $0x0  }
0x14: {  	s2 =	sld [smem:$0x3F98];
	s0 =	simm.s32 @p1 $0x1  }
0x15: {  	[smem:$0x3FB5] =	sst s0;
	s0 =	simm.s32 @!p2 $0x0  }
0x16: {  	s3 =	sld [smem:$0x3FDB];
	s0 =	simm.s32 @p2 $0x1  }
0x17: {  	s4 =	simm.s32 $0x1BF5;
	[smem:$0x3FB7] =	sst s0  }
0x18: {  	s0 =	sld [smem:$0x3F9A];
	_ =	swait.ge [sflag:s4], $0x0  }
0x19: {  	s7 =	sld [smem:$0x3F9B]  }
0x1a: {  	s8 =	sadd.s32 $0xFFFFE003, lr  }
0x1b: {  	s9 =	sadd.s32 $0xFFFFFEF7, lr;
	s5 =	simm.s32 $0xFFFFFFFF;
	p2 =	slt.u32 s8, $0xFFFFF086  }
0x1c: {  	p1 =	slt.u32 s9, $0xF7A;
	s5 =	simm.s32 @!p2 $0x0  }
0x1d: {  	s5 =	simm.s32 @p1 $0x1;
	p0 =	seq.s32 s7, s2  }
0x1e: {  	s7 =	smul.u32 @!p0 $0xF7A, s2;
	p2 =	seq.s32 @!p0 s5, $0x0  }
0x1f: {  	s9 =	smul.u32 $0xF7A, s1;
	s8 =	simm.s32 @!p0 $0x1BF5;
	p2 =	por !p2, p0  }
0x20: {  	[sflag:s8] =	ssyncset.s32 @!p0 $0xFFFFF086;
	s6 =	sadd.s32 @!p0 s3, s7;
	s7 =	simm.s32 @!p0 $0x108  }
0x21: {  	s3 =	sadd.s32 s3, s9;
	s6 =	sadd.s32 @!p0 $0x88, s6;
	s7 =	simm.s32 @p2 $0x1082  }
0x22: {  	[simem:s7], [sflag:s8] =	dma.local @!p0 [hbm:s6], $0xF7A  }
0x23: {  	s9 =	sor.u32 $0xD0000000, s2;
	s6 =	simm.s32 $0x108;
	_ =	swait.ge @!p0 [sflag:s8], $0x0  }
0x24: {  	s3 =	sadd.s32 $0x88, s3;
	s6 =	simm.s32 @!p1 $0x1082;
	[sflag:s4] =	ssyncset.s32 $0xFFFFF086  }
0x25: {  	[simem:s6], [sflag:s4] =	dma.local [hbm:s3], $0xF7A  }
0x26: {  	[smem:$0x3F9B] =	sst s1;
	(tag) =	ssettag s2;
	_ =	strace s9  }
0x27: {  	s1 =	sld [smem:$0x3FAB]  }
0x28: {  	s2 =	sld [smem:$0x3FAC]  }
0x29: {  	s4 =	sld [smem:$0x3FAE]  }
0x2a: {  	p0 =	seq.s32 s5, $0x0;
	s5 =	sld [smem:$0x3FAF]  }
0x2b: {  	s6 =	sld [smem:$0x3FB0]  }
0x2c: {  	s7 =	sld [smem:$0x3FB1]  }
0x2d: {  	s3 =	simm.s32 $0x108;
	s8 =	sld [smem:$0x3FB2]  }
0x2e: {  	s3 =	simm.s32 @!p0 $0x1082;
	s9 =	sld [smem:$0x3FB3]  }
0x2f: {  	lr =	sadd.s32 s0, s3;
	s0 =	sld [smem:$0x3FAA]  }
0x30: {  	s3 =	sld [smem:$0x3FAD]  }
0x31: {  	[smem:$0x3FB6] =	sst s10  }
0x32: {  	s10 =	sld [smem:$0x3FB4];
	_ =	sdelay $0x3  }
0x33: {  	p0 =	seq.s32 s10, $0x1;
	s10 =	sld [smem:$0x3FB6];
	_ =	sdelay $0x3  }
0x34: {  	[smem:$0x3FB6] =	sst s10  }
0x35: {  	s10 =	sld [smem:$0x3FB5];
	_ =	sdelay $0x3  }
0x36: {  	p1 =	seq.s32 s10, $0x1;
	s10 =	sld [smem:$0x3FB6];
	_ =	sdelay $0x3  }
0x37: {  	[smem:$0x3FB6] =	sst s10  }
0x38: {  	s10 =	sld [smem:$0x3FB7]  }
0x39: {  	_ = 	snop;
	(pc) =	sbr.ind lr, $3  }
0x3a: {  	_ = 	snop  }
0x3b: {  	_ = 	snop  }
0x3c: {  	p2 =	seq.s32 s10, $0x1;
	s10 =	sld [smem:$0x3FB6]  }
0x3d: {  	_ =	shalt  }
0x3e: {  	_ =	shalt  }
0x3f: {  	_ =	shalt  }
0x40: {  	_ =	shalt  }
0x41: {  	_ =	shalt  }
0x42: {  	_ =	shalt  }
0x43: {  	_ =	shalt  }
0x44: {  	_ =	shalt  }
0x45: {  	_ =	shalt  }
0x46: {  	_ =	shalt  }
0x47: {  	_ =	shalt  }
0x48: {  	_ =	shalt  }
0x49: {  	_ =	shalt  }
0x4a: {  	_ =	shalt  }
0x4b: {  	_ =	shalt  }
0x4c: {  	_ =	shalt  }
0x4d: {  	_ =	shalt  }
0x4e: {  	_ =	shalt  }
0x4f: {  	_ =	shalt  }
0x50: {  	_ =	shalt  }
0x51: {  	_ =	shalt  }
0x52: {  	_ =	shalt  }
0x53: {  	_ =	shalt  }
0x54: {  	_ =	shalt  }
0x55: {  	_ =	shalt  }
0x56: {  	_ =	shalt  }
0x57: {  	_ =	shalt  }
0x58: {  	_ =	shalt  }
0x59: {  	_ =	shalt  }
0x5a: {  	_ =	shalt  }
0x5b: {  	_ =	shalt  }
0x5c: {  	_ =	shalt  }
0x5d: {  	_ =	shalt  }
0x5e: {  	_ =	shalt  }
0x5f: {  	_ =	shalt  }
0x60: {  	_ =	shalt  }
0x61: {  	_ =	shalt  }
0x62: {  	_ =	shalt  }
0x63: {  	_ =	shalt  }
0x64: {  	_ =	shalt  }
0x65: {  	_ =	shalt  }
0x66: {  	_ =	shalt  }
0x67: {  	_ =	shalt  }
0x68: {  	_ =	shalt  }
0x69: {  	_ =	shalt  }
0x6a: {  	_ =	shalt  }
0x6b: {  	_ =	shalt  }
0x6c: {  	_ =	shalt  }
0x6d: {  	_ =	shalt  }
0x6e: {  	_ =	shalt  }
0x6f: {  	_ =	shalt  }
0x70: {  	_ =	shalt  }
0x71: {  	_ =	shalt  }
0x72: {  	_ =	shalt  }
0x73: {  	_ =	shalt  }
0x74: {  	_ =	shalt  }
0x75: {  	_ =	shalt  }
0x76: {  	_ =	shalt  }
0x77: {  	_ =	shalt  }
0x78: {  	_ =	shalt  }
0x79: {  	_ =	shalt  }
0x7a: {  	_ =	shalt  }
0x7b: {  	_ =	shalt  }
0x7c: {  	_ =	shalt  }
0x7d: {  	_ =	shalt  }
0x7e: {  	_ =	shalt  }
0x7f: {  	_ =	shalt  }
0x80: {  	_ =	shalt  }
0x81: {  	_ =	shalt  }
0x82: {  	_ =	shalt  }
0x83: {  	_ =	shalt  }
0x84: {  	_ =	shalt  }
0x85: {  	_ =	shalt  }
0x86: {  	_ =	shalt  }
0x87: {  	_ =	shalt  }
.Lfunc_end0:
.L_simem_size_0:
called_computation.1_lowered:
.L_overlay_start_0:
0x88: {  	s2 =	sld [smem:$0x3FD9]  }
0x89: {  	s3 =	sld [smem:$0x3FFE];
	_ =	sdelay $0x1  }
0x8a: {  	s1 =	srdreg.scid  }
0x8b: {  	s0 =	sand.u32 $0x1, s1  }
0x8c: {  	s16 =	sshll.u32 s0, $0xA;
	s2 =	sadd.s32 s3, s2  }
0x8d: {  	s2 =	sadd.s32 s2, s16  }
0x8e: {  	[smem:$0x3FC2] =	sst s2  }
0x8f: {  	_ = 	snop  }
0x90: {  	(tm) =	ssettm $0x1  }
0x91: {  	s17 =	sld [smem:$0x3FFB];
	_ =	sdelay $0x3  }
0x92: {  	_ =	strace s17  }
0x93: {  	s2 =	sld [smem:$0x3FFC];
	_ =	sdelay $0x3  }
0x94: {  	_ =	strace s2  }
0x95: {  	s2 =	sld [smem:$0x3FFD];
	_ =	sdelay $0x3  }
0x96: {  	_ =	strace s2  }
0x97: {  	_ =	strace $0x8FFFFFFF  }
0x98: {  	s18 =	sld [smem:$0x3FDB];
	_ =	sdelay $0x1  }
0x99: {  	s19 =	simm.s32 $_scs_section_size  }
0x9a: {  	s4 =	simm.s32 $_size__tile_overlayer_lowered;
	s5 =	simm.s32 $_tile_overlayer_lowered  }
0x9b: {  	s22 =	simm.s32 $0x1BFF;
	s21 =	sshll.u32 s5, $0x1;
	s2 =	sadd.s32 s19, s18  }
0x9c: {  	s6 =	simm.s32 $0x0;
	s20 =	sshll.u32 s4, $0x1;
	s4 =	sadd.s32 s21, s2  }
0x9d: {  	[timem:s6], [sflag:s22] =	dma.local [hbm:s4], s20  }
0x9e: {  	_ =	swait.ge [sflag:s22], s20  }
0x9f: {  	s3 =	ssub.s32 $0x0, s20;
	[sflag:s22] =	ssyncset.done $0x0  }
0xa0: {  	[sflag:s22] =	ssyncadd.s32 s3;
	_ =	sdelay $0x1  }
0xa1: {  	s23 =	simm.s32 $0x1B8B  }
0xa2: {  	_ =	swait.ge [sflag:s23], $0x1  }
0xa3: {  	[sflag:s23] =	ssyncset.done $0x0  }
0xa4: {  	s25 =	simm.s32 $0x1B8E;
	s24 =	sld [smem:$0x3FFE];
	[sflag:s23] =	ssyncadd.s32 $0xFFFFFFFF  }
0xa5: {  	s26 =	simm.s32 $execute0_lowered;
	[smem:$0x3FD2] =	sst s25  }
0xa6: {  	s4 =	sshll.u32 s26, $0x1;
	_ =	strace $0x80000049;
	[dreg:$0x1] =	wrdreg $0xFFFFFFFF  }
0xa7: {  	s28 =	simm.s32 $_size_execute0_lowered;
	s2 =	sadd.s32 s2, s4;
	[dreg:$0x0] =	wrdreg $0x0  }
0xa8: {  	s4 =	sshll.u32 s28, $0x1;
	[dreg:$0x2] =	wrdreg s2  }
0xa9: {  	[dreg:$0x3] =	wrdreg s4  }
0xaa: {  	[dreg:$0x4] =	wrdreg $0xC0  }
0xab: {  	_ =	task [dreg:s6], $0x5FFFF  }
0xac: {  	[dreg:$0x1] =	wrdreg $0xFFFFFFFF  }
0xad: {  	[dreg:$0x0] =	wrdreg $0x60  }
0xae: {  	[dreg:$0x2] =	wrdreg s24  }
0xaf: {  	[dreg:$0x3] =	wrdreg $0x4E200  }
0xb0: {  	[dreg:$0x4] =	wrdreg $0x9  }
0xb1: {  	_ =	task.clear_ibuf [dreg:s6], $0x5FFFF;
	_ =	strace $0x90000049  }
0xb2: {  	s29 =	simm.s32 $0x9;
	_ =	strace $0x8000004B  }
0xb3: {  	_ =	swait.ge [sflag:s29], $0x1  }
0xb4: {  	[sflag:s29] =	ssyncadd.s32 $0xFFFFFFFF  }
0xb5: {  	_ =	strace $0x9000004B  }
0xb6: {  	_ =	sfence  }
0xb7: {  	s30 =	sld [smem:$0x0];
	_ =	sdelay $0x2  }
0xb8: {  	s31 =	sshll.u32 s1, $0xD;
	s1 =	sshrl.u32 s1, $0x2  }
0xb9: {  	s3 =	sand.u32 $0x4000, s31;
	s1 =	sadd.s32 s1, s30  }
0xba: {  	s0 =	sor.u32 s3, s0;
	s1 =	sshll.u32 s1, $0x11  }
0xbb: {  	s0 =	sor.u32 s1, s0  }
0xbc: {  	s0 =	sadd.s32 $0x8F2B, s0  }
0xbd: {  	[sflag:s0] =	ssyncadd.remote.s32 $0x1  }
0xbe: {  	_ =	sfence.sel $0xFFFF  }
0xbf: {  	[dreg:$0x0] =	wrdreg $0xFFFFFFFF;
	(pc) =	sbr.abs _section_cstart, $3  }
0xc0: {  	[dreg:$0x1] =	wrdreg $0xFFFFFFFF  }
0xc1: {  	_ =	task.clear_ibuf [dreg:s6], $0x2FFFF;
	_ =	strace $0x9FFFFFFF  }
0xc2: {  	(tm) =	ssettm $0x7FFFFFFF  }
0xc3: {  	_ =	shalt  }
tec
execute0_lowered:
.L_overlay_start_1:
0x0: {  	(tag) =	ssettag $0x1  }
0x1: {  	s0 =	srdreg.scid;
	s5 =	rddreg [dreg:$0x0]  }
0x2: {  	s11 =	stileid.u32;
	s2 =	rddreg [dreg:$0x1];
	s3 =	simm.s32 $0x0  }
0x3: {  	s12 =	simm.s32 $0x28;
	s13 =	simm.s32 $0x18A20;
	s14 =	simm.s32 $0x19E20  }
0x4: {  	s16 =	simm.s32 $0x1B220;
	s18 =	simm.s32 $0x1C620;
	s20 =	simm.s32 $0x1DA20  }
0x5: {  	s23 =	simm.s32 $0x1;
	s28 =	simm.s32 $0x5;
	s29 =	simm.s32 $0x6  }
0x6: {  	s30 =	simm.s32 $0x7;
	s31 =	simm.s32 $0x8;
	s15 =	simm.s32 $0x0  }
0x7: {  	s0 =	sand.u32 $0x1, s0;
	s1 =	sshll.u32 s11, $0x1;
	s7 =	smul.u32 $0x13C00, s11  }
0x8: {  	[smem:$0x7FF] =	sst s3;
	s6 =	smul.u32 $0x2780, s11;
	s4 =	sadd.s32 $0x15800, s5  }
0x9: {  	s26 =	sshll.u32 s11, $0x6;
	s1 =	sor.u32 s0, s1;
	_ =	strace $0x8000004A  }
0xa: {  	s8 =	smul.u32 $0x27800, s0;
	s0 =	ssub.s32 $0x2, s0;
	s21 =	sor.u32 $0x1C0B, s26  }
0xb: {  	s26 =	simm.s32 $0x4;
	s1 =	smul.u32 $0x4E2, s1;
	s9 =	sshrl.u32 s7, $0x3  }
0xc: {  	s24 =	sshrl.u32 s0, $0x1;
	s25 =	sadd.s32 s7, s2;
	s6 =	sadd.s32 s6, s8  }
0xd: {  	s9 =	sadd.s32 s9, s5;
	s0 =	ssub.s32 s0, s24;
	s22 =	sshrl.u32 s25, $0x3  }
0xe: {  	s24 =	simm.s32 $0x2;
	s25 =	simm.s32 $0x3;
	s1 =	sadd.s32 s1, s5  }
0xf: {  	s10 =	sadd.s32 s6, s5;
	s7 =	sadd.s32 $0x3CA00, s9;
	s9 =	smax.u32 s0, $0x1  }
0x10: {  	s0 =	simm.s32 $0xA;
	s5 =	sadd.s32 $0xBA00, s1;
	s6 =	sadd.s32 $0x1C00, s1  }
0x11: {  	s8 =	sadd.s32 $0x64200, s10;
	s10 =	simm.s32 $0xB;
	s1 =	simm.s32 $0x9  }
.LBB2_1:
0x12: {  	[tilespmem:s3], [sflag:$0xB] =	stream.linear.gather [hbm4b:s5+s3], $0x2710, $0x38;
	[tilespmem:$0x1EE20] =	vst v63  }
0x13: {  	_ =	swait.ge [sflag:s10], $0x2710  }
0x14: {  	[sflag:s10] =	ssyncset.done $0x0  }
0x15: {  	s11 =	simm.s32 $0x2710;
	[sflag:s10] =	ssyncadd.s32 $0xFFFFD8F0  }
0x16: {  	[tilespmem:s11], [sflag:$0xB] =	stream.linear.gather [hbm4b:s6+s3], $0x2710, $0x38;
	[tilespmem:$0x1EE20] =	vst v63  }
0x17: {  	_ =	swait.ge [sflag:s10], $0x2710  }
0x18: {  	[sflag:s10] =	ssyncset.done $0x0  }
0x19: {  	[sflag:s10] =	ssyncadd.s32 $0xFFFFD8F0  }
0x1a: {  	[tilespmem:s13], [sflag:$0x1] =	stream.indirect.gather [hbm4b:s4+s12], $0x80, s3, s12, $0xb8;
	[tilespmem:$0x1EE20] =	vst v63  }
0x1b: {  	_ = 	snop  }
0x1c: {  	[tilespmem:s14], [sflag:$0x2] =	stream.indirect.gather [hbm4b:s4+s12], $0x80, s12, s12, $0xb8;
	[tilespmem:$0x1EE20] =	vst v63  }
0x1d: {  	s19 =	simm.s32 $0x50  }
0x1e: {  	[tilespmem:s16], [sflag:$0x3] =	stream.indirect.gather [hbm4b:s4+s12], $0x80, s19, s12, $0xb8;
	[tilespmem:$0x1EE20] =	vst v63  }
0x1f: {  	s17 =	simm.s32 $0x78  }
0x20: {  	[tilespmem:s18], [sflag:$0x4] =	stream.indirect.gather [hbm4b:s4+s12], $0x80, s17, s12, $0xb8;
	[tilespmem:$0x1EE20] =	vst v63  }
0x21: {  	s19 =	simm.s32 $0xA0  }
0x22: {  	[tilespmem:s20], [sflag:$0x5] =	stream.indirect.gather [hbm4b:s4+s12], $0x80, s19, s12, $0xb8;
	[tilespmem:$0x1EE20] =	vst v63  }
0x23: {  	[spmem:s22], [sflag:s21] =	dma.local [hbm:s7], $0x2780  }
0x24: {  	_ =	swait.ge [sflag:s10], $0x2780  }
0x25: {  	[sflag:s10] =	ssyncset.done $0x0  }
0x26: {  	[sflag:s10] =	ssyncadd.s32 $0xFFFFD880  }
0x27: {  	[bflag:$0x0] =	sbarrier.arrive $0xFFFF  }
0x28: {  	_ =	swait.ge [sflag:s23], $0x1400  }
0x29: {  	[sflag:s23] =	ssyncset.done $0x0  }
0x2a: {  	s17 =	simm.s32 $0x2710;
	[sflag:s23] =	ssyncadd.s32 $0xFFFFEC00  }
0x2b: {  	[spmem:s2] =	stream.indirect.scatter.add.f32 [tilespmem:s13], [sflag:$0x6], $0x80, s17, s12, $0xb8;
	[tilespmem:$0x1EE20] =	vst v63  }
0x2c: {  	_ =	swait.ge [sflag:s24], $0x1400  }
0x2d: {  	[sflag:s24] =	ssyncset.done $0x0  }
0x2e: {  	s11 =	simm.s32 $0x2738;
	[sflag:s24] =	ssyncadd.s32 $0xFFFFEC00  }
0x2f: {  	[spmem:s2] =	stream.indirect.scatter.add.f32 [tilespmem:s14], [sflag:$0x7], $0x80, s11, s12, $0xb8;
	[tilespmem:$0x1EE20] =	vst v63  }
0x30: {  	_ =	swait.ge [sflag:s25], $0x1400  }
0x31: {  	[sflag:s25] =	ssyncset.done $0x0  }
0x32: {  	s19 =	simm.s32 $0x2760;
	[sflag:s25] =	ssyncadd.s32 $0xFFFFEC00  }
0x33: {  	[spmem:s2] =	stream.indirect.scatter.add.f32 [tilespmem:s16], [sflag:$0x8], $0x80, s19, s12, $0xb8;
	[tilespmem:$0x1EE20] =	vst v63  }
0x34: {  	_ =	swait.ge [sflag:s26], $0x1400  }
0x35: {  	[sflag:s26] =	ssyncset.done $0x0  }
0x36: {  	s11 =	simm.s32 $0x2788;
	[sflag:s26] =	ssyncadd.s32 $0xFFFFEC00  }
0x37: {  	[spmem:s2] =	stream.indirect.scatter.add.f32 [tilespmem:s18], [sflag:$0x9], $0x80, s11, s12, $0xb8;
	[tilespmem:$0x1EE20] =	vst v63  }
0x38: {  	_ =	swait.ge [sflag:s28], $0x1400  }
0x39: {  	[sflag:s28] =	ssyncset.done $0x0  }
0x3a: {  	s19 =	simm.s32 $0x27B0;
	[sflag:s28] =	ssyncadd.s32 $0xFFFFEC00  }
0x3b: {  	[spmem:s2] =	stream.indirect.scatter.add.f32 [tilespmem:s20], [sflag:$0xA], $0x80, s19, s12, $0xb8;
	[tilespmem:$0x1EE20] =	vst v63  }
0x3c: {  	_ =	swait.ge [sflag:s29], $0x1400  }
0x3d: {  	[sflag:s29] =	ssyncset.done $0x0  }
0x3e: {  	s11 =	simm.s32 $0xC8;
	[sflag:s29] =	ssyncadd.s32 $0xFFFFEC00  }
0x3f: {  	[tilespmem:s13], [sflag:$0x1] =	stream.indirect.gather [hbm4b:s4+s12], $0x80, s11, s12, $0xb8;
	[tilespmem:$0x1EE20] =	vst v63  }
0x40: {  	_ =	swait.ge [sflag:s30], $0x1400  }
0x41: {  	[sflag:s30] =	ssyncset.done $0x0  }
0x42: {  	s19 =	simm.s32 $0xF0;
	[sflag:s30] =	ssyncadd.s32 $0xFFFFEC00  }
0x43: {  	[tilespmem:s14], [sflag:$0x2] =	stream.indirect.gather [hbm4b:s4+s12], $0x80, s19, s12, $0xb8;
	[tilespmem:$0x1EE20] =	vst v63  }
0x44: {  	_ =	swait.ge [sflag:s31], $0x1400  }
0x45: {  	[sflag:s31] =	ssyncset.done $0x0  }
0x46: {  	s11 =	simm.s32 $0x118;
	[sflag:s31] =	ssyncadd.s32 $0xFFFFEC00  }
0x47: {  	[tilespmem:s16], [sflag:$0x3] =	stream.indirect.gather [hbm4b:s4+s12], $0x80, s11, s12, $0xb8;
	[tilespmem:$0x1EE20] =	vst v63  }
0x48: {  	_ =	swait.ge [sflag:s1], $0x1400  }
0x49: {  	[sflag:s1] =	ssyncset.done $0x0  }
0x4a: {  	s19 =	simm.s32 $0x140;
	[sflag:s1] =	ssyncadd.s32 $0xFFFFEC00  }
0x4b: {  	[tilespmem:s18], [sflag:$0x4] =	stream.indirect.gather [hbm4b:s4+s12], $0x80, s19, s12, $0xb8;
	[tilespmem:$0x1EE20] =	vst v63  }
0x4c: {  	_ =	swait.ge [sflag:s0], $0x1400  }
0x4d: {  	[sflag:s0] =	ssyncset.done $0x0  }
0x4e: {  	s17 =	simm.s32 $0x320;
	s19 =	simm.s32 $0x168;
	[sflag:s0] =	ssyncadd.s32 $0xFFFFEC00  }
.LBB2_2:
0x4f: {  	[tilespmem:s20], [sflag:$0x5] =	stream.indirect.gather [hbm4b:s4+s12], $0x80, s19, s12, $0xb8;
	[tilespmem:$0x1EE20] =	vst v63  }
0x50: {  	s19 =	smov.u32 s17  }
0x51: {  	p0 =	sne.s32 s17, $0x9600;
	s17 =	sadd.s32 $0x320, s17;
	_ =	swait.ge [sflag:s23], $0x1400  }
0x52: {  	s19 =	sshra.s32 s19, $0x2;
	[sflag:s23] =	ssyncset.done $0x0  }
0x53: {  	s11 =	sadd.s32 $0x2710, s19;
	[sflag:s23] =	ssyncadd.s32 $0xFFFFEC00  }
0x54: {  	[spmem:s2] =	stream.indirect.scatter.add.f32 [tilespmem:s13], [sflag:$0x6], $0x80, s11, s12, $0xb8;
	[tilespmem:$0x1EE20] =	vst v63  }
0x55: {  	_ =	swait.ge [sflag:s24], $0x1400  }
0x56: {  	[sflag:s24] =	ssyncset.done $0x0  }
0x57: {  	s11 =	sadd.s32 $0x2738, s19;
	[sflag:s24] =	ssyncadd.s32 $0xFFFFEC00  }
0x58: {  	[spmem:s2] =	stream.indirect.scatter.add.f32 [tilespmem:s14], [sflag:$0x7], $0x80, s11, s12, $0xb8;
	[tilespmem:$0x1EE20] =	vst v63  }
0x59: {  	_ =	swait.ge [sflag:s25], $0x1400  }
0x5a: {  	[sflag:s25] =	ssyncset.done $0x0  }
0x5b: {  	s11 =	sadd.s32 $0x2760, s19;
	[sflag:s25] =	ssyncadd.s32 $0xFFFFEC00  }
0x5c: {  	[spmem:s2] =	stream.indirect.scatter.add.f32 [tilespmem:s16], [sflag:$0x8], $0x80, s11, s12, $0xb8;
	[tilespmem:$0x1EE20] =	vst v63  }
0x5d: {  	_ =	swait.ge [sflag:s26], $0x1400  }
0x5e: {  	[sflag:s26] =	ssyncset.done $0x0  }
0x5f: {  	s11 =	sadd.s32 $0x2788, s19;
	[sflag:s26] =	ssyncadd.s32 $0xFFFFEC00  }
0x60: {  	[spmem:s2] =	stream.indirect.scatter.add.f32 [tilespmem:s18], [sflag:$0x9], $0x80, s11, s12, $0xb8;
	[tilespmem:$0x1EE20] =	vst v63  }
0x61: {  	_ =	swait.ge [sflag:s28], $0x1400  }
0x62: {  	[sflag:s28] =	ssyncset.done $0x0  }
0x63: {  	s11 =	sadd.s32 $0x27B0, s19;
	[sflag:s28] =	ssyncadd.s32 $0xFFFFEC00  }
0x64: {  	[spmem:s2] =	stream.indirect.scatter.add.f32 [tilespmem:s20], [sflag:$0xA], $0x80, s11, s12, $0xb8;
	[tilespmem:$0x1EE20] =	vst v63  }
0x65: {  	_ =	swait.ge [sflag:s29], $0x1400  }
0x66: {  	[sflag:s29] =	ssyncset.done $0x0  }
0x67: {  	s11 =	sadd.s32 $0xC8, s19;
	[sflag:s29] =	ssyncadd.s32 $0xFFFFEC00  }
0x68: {  	[tilespmem:s13], [sflag:$0x1] =	stream.indirect.gather [hbm4b:s4+s12], $0x80, s11, s12, $0xb8;
	[tilespmem:$0x1EE20] =	vst v63  }
0x69: {  	_ =	swait.ge [sflag:s30], $0x1400  }
0x6a: {  	[sflag:s30] =	ssyncset.done $0x0  }
0x6b: {  	s11 =	sadd.s32 $0xF0, s19;
	[sflag:s30] =	ssyncadd.s32 $0xFFFFEC00  }
0x6c: {  	[tilespmem:s14], [sflag:$0x2] =	stream.indirect.gather [hbm4b:s4+s12], $0x80, s11, s12, $0xb8;
	[tilespmem:$0x1EE20] =	vst v63  }
0x6d: {  	_ =	swait.ge [sflag:s31], $0x1400  }
0x6e: {  	[sflag:s31] =	ssyncset.done $0x0  }
0x6f: {  	s11 =	sadd.s32 $0x118, s19;
	[sflag:s31] =	ssyncadd.s32 $0xFFFFEC00  }
0x70: {  	[tilespmem:s16], [sflag:$0x3] =	stream.indirect.gather [hbm4b:s4+s12], $0x80, s11, s12, $0xb8;
	[tilespmem:$0x1EE20] =	vst v63  }
0x71: {  	_ =	swait.ge [sflag:s1], $0x1400  }
0x72: {  	[sflag:s1] =	ssyncset.done $0x0  }
.Ltmp0:
0x73: {  	s11 =	sadd.s32 $0x140, s19;
	[sflag:s1] =	ssyncadd.s32 $0xFFFFEC00;
	(pc) =	sbr.rel @p0 .LBB2_2-.Ltmp0, $4  }
0x74: {  	[tilespmem:s18], [sflag:$0x4] =	stream.indirect.gather [hbm4b:s4+s12], $0x80, s11, s12, $0xb8;
	[tilespmem:$0x1EE20] =	vst v63  }
0x75: {  	_ =	swait.ge [sflag:s0], $0x1400  }
0x76: {  	[sflag:s0] =	ssyncset.done $0x0  }
0x77: {  	s19 =	sadd.s32 $0x168, s19;
	[sflag:s0] =	ssyncadd.s32 $0xFFFFEC00  }
0x78: {  	[tilespmem:s20], [sflag:$0x5] =	stream.indirect.gather [hbm4b:s4+s12], $0x80, s19, s12, $0xb8;
	[tilespmem:$0x1EE20] =	vst v63  }
0x79: {  	_ =	swait.ge [sflag:s23], $0x1400  }
0x7a: {  	[sflag:s23] =	ssyncset.done $0x0  }
0x7b: {  	s11 =	simm.s32 $0x4D58;
	[sflag:s23] =	ssyncadd.s32 $0xFFFFEC00  }
0x7c: {  	[spmem:s2] =	stream.indirect.scatter.add.f32 [tilespmem:s13], [sflag:$0x6], $0x80, s11, s12, $0xb8;
	[tilespmem:$0x1EE20] =	vst v63  }
0x7d: {  	_ =	swait.ge [sflag:s24], $0x1400  }
0x7e: {  	[sflag:s24] =	ssyncset.done $0x0  }
0x7f: {  	s17 =	simm.s32 $0x4D80;
	[sflag:s24] =	ssyncadd.s32 $0xFFFFEC00  }
0x80: {  	[spmem:s2] =	stream.indirect.scatter.add.f32 [tilespmem:s14], [sflag:$0x7], $0x80, s17, s12, $0xb8;
	[tilespmem:$0x1EE20] =	vst v63  }
0x81: {  	_ =	swait.ge [sflag:s25], $0x1400  }
0x82: {  	[sflag:s25] =	ssyncset.done $0x0  }
0x83: {  	s19 =	simm.s32 $0x4DA8;
	[sflag:s25] =	ssyncadd.s32 $0xFFFFEC00  }
0x84: {  	[spmem:s2] =	stream.indirect.scatter.add.f32 [tilespmem:s16], [sflag:$0x8], $0x80, s19, s12, $0xb8;
	[tilespmem:$0x1EE20] =	vst v63  }
0x85: {  	_ =	swait.ge [sflag:s26], $0x1400  }
0x86: {  	[sflag:s26] =	ssyncset.done $0x0  }
0x87: {  	s17 =	simm.s32 $0x4DD0;
	[sflag:s26] =	ssyncadd.s32 $0xFFFFEC00  }
0x88: {  	[spmem:s2] =	stream.indirect.scatter.add.f32 [tilespmem:s18], [sflag:$0x9], $0x80, s17, s12, $0xb8;
	[tilespmem:$0x1EE20] =	vst v63  }
0x89: {  	_ =	swait.ge [sflag:s28], $0x1400  }
0x8a: {  	[sflag:s28] =	ssyncset.done $0x0  }
0x8b: {  	s19 =	simm.s32 $0x4DF8;
	[sflag:s28] =	ssyncadd.s32 $0xFFFFEC00  }
0x8c: {  	[spmem:s2] =	stream.indirect.scatter.add.f32 [tilespmem:s20], [sflag:$0xA], $0x80, s19, s12, $0xb8;
	[tilespmem:$0x1EE20] =	vst v63  }
0x8d: {  	_ =	swait.ge [sflag:s29], $0x1400  }
0x8e: {  	[sflag:s29] =	ssyncset.done $0x0  }
0x8f: {  	[sflag:s29] =	ssyncadd.s32 $0xFFFFEC00  }
0x90: {  	_ =	swait.ge [sflag:s30], $0x1400  }
0x91: {  	[sflag:s30] =	ssyncset.done $0x0  }
0x92: {  	[sflag:s30] =	ssyncadd.s32 $0xFFFFEC00  }
0x93: {  	_ =	swait.ge [sflag:s31], $0x1400  }
0x94: {  	[sflag:s31] =	ssyncset.done $0x0  }
0x95: {  	[sflag:s31] =	ssyncadd.s32 $0xFFFFEC00  }
0x96: {  	_ =	swait.ge [sflag:s1], $0x1400  }
0x97: {  	[sflag:s1] =	ssyncset.done $0x0  }
0x98: {  	[sflag:s1] =	ssyncadd.s32 $0xFFFFEC00  }
0x99: {  	_ =	swait.ge [sflag:s0], $0x1400  }
0x9a: {  	s15 =	sadd.s32 $0x1, s15;
	[sflag:s0] =	ssyncset.done $0x0  }
0x9b: {  	p0 =	sne.s32 s15, s9;
	[sflag:s0] =	ssyncadd.s32 $0xFFFFEC00  }
.Ltmp1:
0x9c: {  	[bflag:$0x0] =	sbarrier.arrive $0xFFFF;
	(pc) =	sbr.rel @p0 .LBB2_1-.Ltmp1, $4  }
0x9d: {  	[hbm:s8], [sflag:s21] =	dma.local [spmem:s22], $0x2780  }
0x9e: {  	_ =	swait.ge [sflag:s10], $0x2780  }
0x9f: {  	[sflag:s10] =	ssyncset.done $0x0  }
0xa0: {  	[sflag:s10] =	ssyncadd.s32 $0xFFFFD880  }
0xa1: {  	_ =	sfence.sel $0x180000  }
0xa2: {  	[bflag:$0x0] =	sbarrier.arrive $0xFFFF  }
0xa3: {  	_ =	strace $0x9000004A  }
0xa4: {  	s0 =	stileid.u32;
	[bflag:$0x2] =	sbarrier.arrive $0xFFFF  }
0xa5: {  	p0 =	sne.s32 s0, $0x0;
	s0 =	rddreg [dreg:$0x2]  }
0xa6: {  	s0 =	sadd.s32 @!p0 $0x100000, s0  }
0xa7: {  	[sflag:s0] =	ssyncadd.tile.s32 @!p0 $0x1;
	_ =	shalt  }
.Lfunc_end2:
_tile_overlayer_lowered:
.L_overlay_start_2:
0xa8: {  	(tag) =	ssettag $0x2  }
0xa9: {  	s0 =	rddreg [dreg:$0x0];
	s2 =	stileid.u32  }
0xaa: {  	s1 =	rddreg [dreg:$0x1];
	p0 =	sne.s32 s2, $0x0  }
0xab: {  	s3 =	rddreg [dreg:$0x2];
	[bflag:$0x3] =	sbarrier.arrive $0xFFFF;
	s2 =	simm.s32 @!p0 $0x1C0B  }
0xac: {  	[timem:s3], [sflag:s2] =	dma.local @!p0 [hbm:s0], s1  }
0xad: {  	s0 =	simm.s32 @!p0 $0xB  }
0xae: {  	_ =	swait.ge @!p0 [sflag:s0], s1  }
0xaf: {  	s1 =	ssub.s32 @!p0 $0x0, s1;
	[sflag:s0] =	ssyncset.done @!p0 $0x0  }
0xb0: {  	[sflag:s0] =	ssyncadd.s32 @!p0 s1  }
0xb1: {  	[bflag:$0x3] =	sbarrier.arrive $0xFFFF  }
0xb2: {  	_ =	shalt  }

// kernel: kernel.14.cloned.1.call-start
scs
__scs_entry_jumppad:
0x0: {  	(pc) =	sbr.rel $0x88, $3  }
0x1: {  	(tag) =	ssettag $0x0;
	lr =	simm.s32 $0x1  }
0x2: {  	[smem:$0x3F9B] =	sst lr;
	_ =	strace $0xD0000000  }
0x3: {  	_ = 	snop  }
0x4: {  	_ = 	snop  }
0x5: {  	_ = 	snop  }
0x6: {  	_ = 	snop  }
0x7: {  	_ = 	snop  }
__scs_overlays_trampoline_lowered:
0x8: {  	[smem:$0x3FAA] =	sst s0  }
0x9: {  	[smem:$0x3FAB] =	sst s1  }
0xa: {  	[smem:$0x3FAC] =	sst s2  }
0xb: {  	[smem:$0x3FAD] =	sst s3  }
0xc: {  	[smem:$0x3FAE] =	sst s4  }
0xd: {  	[smem:$0x3FAF] =	sst s5  }
0xe: {  	[smem:$0x3FB0] =	sst s6  }
0xf: {  	[smem:$0x3FB1] =	sst s7  }
0x10: {  	[smem:$0x3FB2] =	sst s8  }
0x11: {  	[smem:$0x3FB3] =	sst s9;
	s0 =	simm.s32 @!p0 $0x0  }
0x12: {  	s1 =	sld [smem:$0x3F99];
	s0 =	simm.s32 @p0 $0x1  }
0x13: {  	[smem:$0x3FB4] =	sst s0;
	s0 =	simm.s32 @!p1 $0x0  }
0x14: {  	s2 =	sld [smem:$0x3F98];
	s0 =	simm.s32 @p1 $0x1  }
0x15: {  	[smem:$0x3FB5] =	sst s0;
	s0 =	simm.s32 @!p2 $0x0  }
0x16: {  	s3 =	sld [smem:$0x3FDB];
	s0 =	simm.s32 @p2 $0x1  }
0x17: {  	s4 =	simm.s32 $0x1BF5;
	[smem:$0x3FB7] =	sst s0  }
0x18: {  	s0 =	sld [smem:$0x3F9A];
	_ =	swait.ge [sflag:s4], $0x0  }
0x19: {  	s7 =	sld [smem:$0x3F9B]  }
0x1a: {  	s8 =	sadd.s32 $0xFFFFE003, lr  }
0x1b: {  	s9 =	sadd.s32 $0xFFFFFEF7, lr;
	s5 =	simm.s32 $0xFFFFFFFF;
	p2 =	slt.u32 s8, $0xFFFFF086  }
0x1c: {  	p1 =	slt.u32 s9, $0xF7A;
	s5 =	simm.s32 @!p2 $0x0  }
0x1d: {  	s5 =	simm.s32 @p1 $0x1;
	p0 =	seq.s32 s7, s2  }
0x1e: {  	s7 =	smul.u32 @!p0 $0xF7A, s2;
	p2 =	seq.s32 @!p0 s5, $0x0  }
0x1f: {  	s9 =	smul.u32 $0xF7A, s1;
	s8 =	simm.s32 @!p0 $0x1BF5;
	p2 =	por !p2, p0  }
0x20: {  	[sflag:s8] =	ssyncset.s32 @!p0 $0xFFFFF086;
	s6 =	sadd.s32 @!p0 s3, s7;
	s7 =	simm.s32 @!p0 $0x108  }
0x21: {  	s3 =	sadd.s32 s3, s9;
	s6 =	sadd.s32 @!p0 $0x88, s6;
	s7 =	simm.s32 @p2 $0x1082  }
0x22: {  	[simem:s7], [sflag:s8] =	dma.local @!p0 [hbm:s6], $0xF7A  }
0x23: {  	s9 =	sor.u32 $0xD0000000, s2;
	s6 =	simm.s32 $0x108;
	_ =	swait.ge @!p0 [sflag:s8], $0x0  }
0x24: {  	s3 =	sadd.s32 $0x88, s3;
	s6 =	simm.s32 @!p1 $0x1082;
	[sflag:s4] =	ssyncset.s32 $0xFFFFF086  }
0x25: {  	[simem:s6], [sflag:s4] =	dma.local [hbm:s3], $0xF7A  }
0x26: {  	[smem:$0x3F9B] =	sst s1;
	(tag) =	ssettag s2;
	_ =	strace s9  }
0x27: {  	s1 =	sld [smem:$0x3FAB]  }
0x28: {  	s2 =	sld [smem:$0x3FAC]  }
0x29: {  	s4 =	sld [smem:$0x3FAE]  }
0x2a: {  	p0 =	seq.s32 s5, $0x0;
	s5 =	sld [smem:$0x3FAF]  }
0x2b: {  	s6 =	sld [smem:$0x3FB0]  }
0x2c: {  	s7 =	sld [smem:$0x3FB1]  }
0x2d: {  	s3 =	simm.s32 $0x108;
	s8 =	sld [smem:$0x3FB2]  }
0x2e: {  	s3 =	simm.s32 @!p0 $0x1082;
	s9 =	sld [smem:$0x3FB3]  }
0x2f: {  	lr =	sadd.s32 s0, s3;
	s0 =	sld [smem:$0x3FAA]  }
0x30: {  	s3 =	sld [smem:$0x3FAD]  }
0x31: {  	[smem:$0x3FB6] =	sst s10  }
0x32: {  	s10 =	sld [smem:$0x3FB4];
	_ =	sdelay $0x3  }
0x33: {  	p0 =	seq.s32 s10, $0x1;
	s10 =	sld [smem:$0x3FB6];
	_ =	sdelay $0x3  }
0x34: {  	[smem:$0x3FB6] =	sst s10  }
0x35: {  	s10 =	sld [smem:$0x3FB5];
	_ =	sdelay $0x3  }
0x36: {  	p1 =	seq.s32 s10, $0x1;
	s10 =	sld [smem:$0x3FB6];
	_ =	sdelay $0x3  }
0x37: {  	[smem:$0x3FB6] =	sst s10  }
0x38: {  	s10 =	sld [smem:$0x3FB7]  }
0x39: {  	_ = 	snop;
	(pc) =	sbr.ind lr, $3  }
0x3a: {  	_ = 	snop  }
0x3b: {  	_ = 	snop  }
0x3c: {  	p2 =	seq.s32 s10, $0x1;
	s10 =	sld [smem:$0x3FB6]  }
0x3d: {  	_ =	shalt  }
0x3e: {  	_ =	shalt  }
0x3f: {  	_ =	shalt  }
0x40: {  	_ =	shalt  }
0x41: {  	_ =	shalt  }
0x42: {  	_ =	shalt  }
0x43: {  	_ =	shalt  }
0x44: {  	_ =	shalt  }
0x45: {  	_ =	shalt  }
0x46: {  	_ =	shalt  }
0x47: {  	_ =	shalt  }
0x48: {  	_ =	shalt  }
0x49: {  	_ =	shalt  }
0x4a: {  	_ =	shalt  }
0x4b: {  	_ =	shalt  }
0x4c: {  	_ =	shalt  }
0x4d: {  	_ =	shalt  }
0x4e: {  	_ =	shalt  }
0x4f: {  	_ =	shalt  }
0x50: {  	_ =	shalt  }
0x51: {  	_ =	shalt  }
0x52: {  	_ =	shalt  }
0x53: {  	_ =	shalt  }
0x54: {  	_ =	shalt  }
0x55: {  	_ =	shalt  }
0x56: {  	_ =	shalt  }
0x57: {  	_ =	shalt  }
0x58: {  	_ =	shalt  }
0x59: {  	_ =	shalt  }
0x5a: {  	_ =	shalt  }
0x5b: {  	_ =	shalt  }
0x5c: {  	_ =	shalt  }
0x5d: {  	_ =	shalt  }
0x5e: {  	_ =	shalt  }
0x5f: {  	_ =	shalt  }
0x60: {  	_ =	shalt  }
0x61: {  	_ =	shalt  }
0x62: {  	_ =	shalt  }
0x63: {  	_ =	shalt  }
0x64: {  	_ =	shalt  }
0x65: {  	_ =	shalt  }
0x66: {  	_ =	shalt  }
0x67: {  	_ =	shalt  }
0x68: {  	_ =	shalt  }
0x69: {  	_ =	shalt  }
0x6a: {  	_ =	shalt  }
0x6b: {  	_ =	shalt  }
0x6c: {  	_ =	shalt  }
0x6d: {  	_ =	shalt  }
0x6e: {  	_ =	shalt  }
0x6f: {  	_ =	shalt  }
0x70: {  	_ =	shalt  }
0x71: {  	_ =	shalt  }
0x72: {  	_ =	shalt  }
0x73: {  	_ =	shalt  }
0x74: {  	_ =	shalt  }
0x75: {  	_ =	shalt  }
0x76: {  	_ =	shalt  }
0x77: {  	_ =	shalt  }
0x78: {  	_ =	shalt  }
0x79: {  	_ =	shalt  }
0x7a: {  	_ =	shalt  }
0x7b: {  	_ =	shalt  }
0x7c: {  	_ =	shalt  }
0x7d: {  	_ =	shalt  }
0x7e: {  	_ =	shalt  }
0x7f: {  	_ =	shalt  }
0x80: {  	_ =	shalt  }
0x81: {  	_ =	shalt  }
0x82: {  	_ =	shalt  }
0x83: {  	_ =	shalt  }
0x84: {  	_ =	shalt  }
0x85: {  	_ =	shalt  }
0x86: {  	_ =	shalt  }
0x87: {  	_ =	shalt  }
.Lfunc_end0:
.L_simem_size_0:
called_computation.2_lowered:
.L_overlay_start_0:
0x88: {  	s2 =	sld [smem:$0x3FD9]  }
0x89: {  	s3 =	sld [smem:$0x3FFE];
	_ =	sdelay $0x1  }
0x8a: {  	s1 =	srdreg.scid  }
0x8b: {  	s0 =	sand.u32 $0x1, s1  }
0x8c: {  	s16 =	sshll.u32 s0, $0xA;
	s2 =	sadd.s32 s3, s2  }
0x8d: {  	s2 =	sadd.s32 s2, s16  }
0x8e: {  	[smem:$0x3FC2] =	sst s2  }
0x8f: {  	_ = 	snop  }
0x90: {  	(tm) =	ssettm $0x1  }
0x91: {  	s17 =	sld [smem:$0x3FFB];
	_ =	sdelay $0x3  }
0x92: {  	_ =	strace s17  }
0x93: {  	s2 =	sld [smem:$0x3FFC];
	_ =	sdelay $0x3  }
0x94: {  	_ =	strace s2  }
0x95: {  	s2 =	sld [smem:$0x3FFD];
	_ =	sdelay $0x3  }
0x96: {  	_ =	strace s2  }
0x97: {  	_ =	strace $0x8FFFFFFF  }
0x98: {  	s18 =	sld [smem:$0x3FDB];
	_ =	sdelay $0x1  }
0x99: {  	s19 =	simm.s32 $_scs_section_size  }
0x9a: {  	s4 =	simm.s32 $_size__tile_overlayer_lowered;
	s5 =	simm.s32 $_tile_overlayer_lowered  }
0x9b: {  	s22 =	simm.s32 $0x1BFF;
	s21 =	sshll.u32 s5, $0x1;
	s2 =	sadd.s32 s19, s18  }
0x9c: {  	s6 =	simm.s32 $0x0;
	s20 =	sshll.u32 s4, $0x1;
	s4 =	sadd.s32 s21, s2  }
0x9d: {  	[timem:s6], [sflag:s22] =	dma.local [hbm:s4], s20  }
0x9e: {  	_ =	swait.ge [sflag:s22], s20  }
0x9f: {  	s3 =	ssub.s32 $0x0, s20;
	[sflag:s22] =	ssyncset.done $0x0  }
0xa0: {  	[sflag:s22] =	ssyncadd.s32 s3;
	_ =	sdelay $0x1  }
0xa1: {  	s23 =	simm.s32 $0x1B8B  }
0xa2: {  	_ =	swait.ge [sflag:s23], $0x1  }
0xa3: {  	[sflag:s23] =	ssyncset.done $0x0  }
0xa4: {  	s25 =	simm.s32 $0x1B8E;
	s24 =	sld [smem:$0x3FFE];
	[sflag:s23] =	ssyncadd.s32 $0xFFFFFFFF  }
0xa5: {  	s26 =	simm.s32 $execute0_lowered;
	[smem:$0x3FD2] =	sst s25  }
0xa6: {  	s4 =	sshll.u32 s26, $0x1;
	_ =	strace $0x8000004C;
	[dreg:$0x1] =	wrdreg $0xFFFFFFFF  }
0xa7: {  	s28 =	simm.s32 $_size_execute0_lowered;
	s2 =	sadd.s32 s2, s4;
	[dreg:$0x0] =	wrdreg $0x0  }
0xa8: {  	s4 =	sshll.u32 s28, $0x1;
	[dreg:$0x2] =	wrdreg s2  }
0xa9: {  	[dreg:$0x3] =	wrdreg s4  }
0xaa: {  	[dreg:$0x4] =	wrdreg $0xC0  }
0xab: {  	_ =	task [dreg:s6], $0x5FFFF  }
0xac: {  	[dreg:$0x1] =	wrdreg $0xFFFFFFFF  }
0xad: {  	[dreg:$0x0] =	wrdreg $0x60  }
0xae: {  	[dreg:$0x2] =	wrdreg s24  }
0xaf: {  	[dreg:$0x3] =	wrdreg $0x4E200  }
0xb0: {  	[dreg:$0x4] =	wrdreg $0x9  }
0xb1: {  	_ =	task.clear_ibuf [dreg:s6], $0x5FFFF;
	_ =	strace $0x9000004C  }
0xb2: {  	s29 =	simm.s32 $0x9;
	_ =	strace $0x8000004E  }
0xb3: {  	_ =	swait.ge [sflag:s29], $0x1  }
0xb4: {  	[sflag:s29] =	ssyncadd.s32 $0xFFFFFFFF  }
0xb5: {  	_ =	strace $0x9000004E  }
0xb6: {  	_ =	sfence  }
0xb7: {  	s30 =	sld [smem:$0x0];
	_ =	sdelay $0x2  }
0xb8: {  	s31 =	sshll.u32 s1, $0xD;
	s1 =	sshrl.u32 s1, $0x2  }
0xb9: {  	s3 =	sand.u32 $0x4000, s31;
	s1 =	sadd.s32 s1, s30  }
0xba: {  	s0 =	sor.u32 s3, s0;
	s1 =	sshll.u32 s1, $0x11  }
0xbb: {  	s0 =	sor.u32 s1, s0  }
0xbc: {  	s0 =	sadd.s32 $0x8F2B, s0  }
0xbd: {  	[sflag:s0] =	ssyncadd.remote.s32 $0x1  }
0xbe: {  	_ =	sfence.sel $0xFFFF  }
0xbf: {  	[dreg:$0x0] =	wrdreg $0xFFFFFFFF;
	(pc) =	sbr.abs _section_cstart, $3  }
0xc0: {  	[dreg:$0x1] =	wrdreg $0xFFFFFFFF  }
0xc1: {  	_ =	task.clear_ibuf [dreg:s6], $0x2FFFF;
	_ =	strace $0x9FFFFFFF  }
0xc2: {  	(tm) =	ssettm $0x7FFFFFFF  }
0xc3: {  	_ =	shalt  }
tec
execute0_lowered:
.L_overlay_start_1:
0x0: {  	(tag) =	ssettag $0x1  }
0x1: {  	s0 =	srdreg.scid;
	s3 =	rddreg [dreg:$0x0]  }
0x2: {  	s4 =	stileid.u32;
	s2 =	rddreg [dreg:$0x1]  }
0x3: {  	s6 =	simm.s32 $0x0;
	s11 =	simm.s32 $0x15;
	s13 =	simm.s32 $0x28  }
0x4: {  	s14 =	simm.s32 $0x9D20;
	s15 =	simm.s32 $0xA220;
	s17 =	simm.s32 $0xA720  }
0x5: {  	s19 =	simm.s32 $0xAC20;
	s28 =	simm.s32 $0xC020;
	s30 =	simm.s32 $0xC520  }
0x6: {  	s12 =	simm.s32 $0x2;
	s16 =	simm.s32 $0x3;
	s18 =	simm.s32 $0x4  }
0x7: {  	s20 =	simm.s32 $0x5;
	s29 =	simm.s32 $0x9;
	s31 =	simm.s32 $0xA  }
0x8: {  	s0 =	sand.u32 $0x1, s0;
	s1 =	sshll.u32 s4, $0x1;
	s5 =	smul.u32 $0x4F00, s4  }
0x9: {  	[smem:$0x7FF] =	sst s6;
	s21 =	smul.u32 $0x9E0, s4;
	s4 =	sadd.s32 $0x15800, s3  }
0xa: {  	s1 =	sor.u32 s0, s1;
	_ =	strace $0x8000004D;
	s7 =	smul.u32 $0x9E00, s0  }
0xb: {  	s0 =	ssub.s32 $0x2, s0;
	s1 =	smul.u32 $0x4E2, s1;
	s8 =	sshrl.u32 s5, $0x3  }
0xc: {  	s22 =	sshrl.u32 s0, $0x1;
	s24 =	sadd.s32 s5, s2;
	s6 =	sadd.s32 s21, s7  }
0xd: {  	s8 =	sadd.s32 s8, s3;
	s0 =	ssub.s32 s0, s22;
	[dreg:$0x5] =	wrdreg s24  }
0xe: {  	s21 =	simm.s32 $0xB120;
	s22 =	simm.s32 $0x6;
	s25 =	sadd.s32 $0x1F600, s8  }
0xf: {  	s1 =	sadd.s32 s1, s3;
	s0 =	smax.u32 s0, $0x1;
	[dreg:$0x6] =	wrdreg s25  }
0x10: {  	s24 =	simm.s32 $0x7;
	s23 =	sadd.s32 $0xBA00, s1;
	[dreg:$0x8] =	wrdreg s0  }
0x11: {  	s3 =	sadd.s32 s6, s3;
	s1 =	sadd.s32 $0x1C00, s1;
	[dreg:$0x3] =	wrdreg s23  }
0x12: {  	s8 =	simm.s32 $0x0;
	s26 =	sadd.s32 $0x29400, s3;
	[dreg:$0x4] =	wrdreg s1  }
0x13: {  	s25 =	simm.s32 $0xBB20;
	s0 =	simm.s32 $0x1;
	[dreg:$0x7] =	wrdreg s26  }
0x14: {  	s23 =	simm.s32 $0xB620;
	s1 =	simm.s32 $0xCA20;
	s26 =	simm.s32 $0x8  }
.LBB2_1:
0x15: {  	s3 =	simm.s32 $0x0;
	s5 =	rddreg [dreg:$0x3]  }
0x16: {  	[tilespmem:s3], [sflag:$0x15] =	stream.linear.gather [hbm4b:s5+s3], $0x2710, $0x38;
	[tilespmem:$0xCF20] =	vst v63  }
0x17: {  	_ =	swait.ge [sflag:s11], $0x2710  }
0x18: {  	[sflag:s11] =	ssyncset.done $0x0  }
0x19: {  	s6 =	simm.s32 $0x2710;
	s10 =	rddreg [dreg:$0x4];
	[sflag:s11] =	ssyncadd.s32 $0xFFFFD8F0  }
0x1a: {  	[tilespmem:s6], [sflag:$0x15] =	stream.linear.gather [hbm4b:s10+s3], $0x2710, $0x38;
	[tilespmem:$0xCF20] =	vst v63  }
0x1b: {  	_ =	swait.ge [sflag:s11], $0x2710  }
0x1c: {  	[sflag:s11] =	ssyncset.done $0x0  }
0x1d: {  	[sflag:s11] =	ssyncadd.s32 $0xFFFFD8F0  }
0x1e: {  	[tilespmem:s14], [sflag:$0x1] =	stream.indirect.gather [hbm4b:s4+s13], $0x20, s3, s13, $0xb8;
	[tilespmem:$0xCF20] =	vst v63  }
0x1f: {  	_ = 	snop  }
0x20: {  	[tilespmem:s15], [sflag:$0x2] =	stream.indirect.gather [hbm4b:s4+s13], $0x20, s13, s13, $0xb8;
	[tilespmem:$0xCF20] =	vst v63  }
0x21: {  	s7 =	simm.s32 $0x50  }
0x22: {  	[tilespmem:s17], [sflag:$0x3] =	stream.indirect.gather [hbm4b:s4+s13], $0x20, s7, s13, $0xb8;
	[tilespmem:$0xCF20] =	vst v63  }
0x23: {  	s9 =	simm.s32 $0x78  }
0x24: {  	[tilespmem:s19], [sflag:$0x4] =	stream.indirect.gather [hbm4b:s4+s13], $0x20, s9, s13, $0xb8;
	[tilespmem:$0xCF20] =	vst v63  }
0x25: {  	s10 =	simm.s32 $0xA0  }
0x26: {  	[tilespmem:s21], [sflag:$0x5] =	stream.indirect.gather [hbm4b:s4+s13], $0x20, s10, s13, $0xb8;
	[tilespmem:$0xCF20] =	vst v63  }
0x27: {  	s5 =	simm.s32 $0xC8  }
0x28: {  	[tilespmem:s23], [sflag:$0x6] =	stream.indirect.gather [hbm4b:s4+s13], $0x20, s5, s13, $0xb8;
	[tilespmem:$0xCF20] =	vst v63  }
0x29: {  	s6 =	simm.s32 $0xF0;
	s5 =	stileid.u32  }
0x2a: {  	[tilespmem:s25], [sflag:$0x7] =	stream.indirect.gather [hbm4b:s4+s13], $0x20, s6, s13, $0xb8;
	[tilespmem:$0xCF20] =	vst v63  }
0x2b: {  	s7 =	simm.s32 $0x118;
	s3 =	sshll.u32 s5, $0x6  }
0x2c: {  	[tilespmem:s28], [sflag:$0x8] =	stream.indirect.gather [hbm4b:s4+s13], $0x20, s7, s13, $0xb8;
	[tilespmem:$0xCF20] =	vst v63  }
0x2d: {  	s9 =	simm.s32 $0x140;
	s6 =	sor.u32 $0x1C15, s3;
	s7 =	rddreg [dreg:$0x5]  }
0x2e: {  	[tilespmem:s30], [sflag:$0x9] =	stream.indirect.gather [hbm4b:s4+s13], $0x20, s9, s13, $0xb8;
	[tilespmem:$0xCF20] =	vst v63  }
0x2f: {  	[dreg:$0x9] =	wrdreg s6;
	s9 =	sshrl.u32 s7, $0x3  }
0x30: {  	s10 =	simm.s32 $0x168;
	[dreg:$0xa] =	wrdreg s9  }
0x31: {  	[tilespmem:s1], [sflag:$0xA] =	stream.indirect.gather [hbm4b:s4+s13], $0x20, s10, s13, $0xb8;
	[tilespmem:$0xCF20] =	vst v63  }
0x32: {  	s10 =	rddreg [dreg:$0x6]  }
0x33: {  	[spmem:s9], [sflag:s6] =	dma.local [hbm:s10], $0x9E0  }
0x34: {  	_ =	swait.ge [sflag:s11], $0x9E0  }
0x35: {  	[sflag:s11] =	ssyncset.done $0x0  }
0x36: {  	[sflag:s11] =	ssyncadd.s32 $0xFFFFF620  }
0x37: {  	s3 =	simm.s32 $0x0;
	[bflag:$0x0] =	sbarrier.arrive $0xFFFF  }
.LBB2_2:
0x38: {  	_ =	swait.ge [sflag:s0], $0x500  }
0x39: {  	s7 =	sshra.s32 s3, $0x2;
	[sflag:s0] =	ssyncset.done $0x0  }
0x3a: {  	s5 =	sadd.s32 $0x2710, s7;
	[sflag:s0] =	ssyncadd.s32 $0xFFFFFB00  }
0x3b: {  	[spmem:s2] =	stream.indirect.scatter.add.f32 [tilespmem:s14], [sflag:$0xB], $0x20, s5, s13, $0xb8;
	[tilespmem:$0xCF20] =	vst v63  }
0x3c: {  	_ =	swait.ge [sflag:s12], $0x500  }
0x3d: {  	[sflag:s12] =	ssyncset.done $0x0  }
0x3e: {  	s9 =	sadd.s32 $0x2738, s7;
	[sflag:s12] =	ssyncadd.s32 $0xFFFFFB00  }
0x3f: {  	[spmem:s2] =	stream.indirect.scatter.add.f32 [tilespmem:s15], [sflag:$0xC], $0x20, s9, s13, $0xb8;
	[tilespmem:$0xCF20] =	vst v63  }
0x40: {  	_ =	swait.ge [sflag:s16], $0x500  }
0x41: {  	[sflag:s16] =	ssyncset.done $0x0  }
0x42: {  	s10 =	sadd.s32 $0x2760, s7;
	[sflag:s16] =	ssyncadd.s32 $0xFFFFFB00  }
0x43: {  	[spmem:s2] =	stream.indirect.scatter.add.f32 [tilespmem:s17], [sflag:$0xD], $0x20, s10, s13, $0xb8;
	[tilespmem:$0xCF20] =	vst v63  }
0x44: {  	_ =	swait.ge [sflag:s18], $0x500  }
0x45: {  	[sflag:s18] =	ssyncset.done $0x0  }
0x46: {  	s6 =	sadd.s32 $0x2788, s7;
	[sflag:s18] =	ssyncadd.s32 $0xFFFFFB00  }
0x47: {  	[spmem:s2] =	stream.indirect.scatter.add.f32 [tilespmem:s19], [sflag:$0xE], $0x20, s6, s13, $0xb8;
	[tilespmem:$0xCF20] =	vst v63  }
0x48: {  	_ =	swait.ge [sflag:s20], $0x500  }
0x49: {  	p0 =	seq.s32 s3, $0x9600;
	[sflag:s20] =	ssyncset.done $0x0  }
0x4a: {  	s5 =	simm.s32 @!p0 $0xB;
	s9 =	sadd.s32 $0x27B0, s7;
	[sflag:s20] =	ssyncadd.s32 $0xFFFFFB00  }
0x4b: {  	[spmem:s2] =	stream.indirect.scatter.add.f32 [tilespmem:s21], [sflag:$0xF], $0x20, s9, s13, $0xb8;
	[tilespmem:$0xCF20] =	vst v63  }
0x4c: {  	_ =	swait.ge @!p0 [sflag:s5], $0x500  }
0x4d: {  	[sflag:s5] =	ssyncset.done @!p0 $0x0  }
0x4e: {  	[sflag:s5] =	ssyncadd.s32 @!p0 $0xFFFFFB00;
	s5 =	sshra.s32 @!p0 s3, $0x2  }
0x4f: {  	s10 =	simm.s32 @!p0 $0x9D20;
	s6 =	simm.s32 @!p0 $0x28;
	s9 =	sadd.s32 @!p0 $0x190, s5  }
0x50: {  	[tilespmem:s10], [sflag:$0x1] =	stream.indirect.gather @!p0 [hbm4b:s4+s6], $0x20, s9, s6, $0xb8;
	[tilespmem:$0xCF20] =	vst v63  }
0x51: {  	s9 =	simm.s32 @!p0 $0xC  }
0x52: {  	_ =	swait.ge @!p0 [sflag:s9], $0x500  }
0x53: {  	[sflag:s9] =	ssyncset.done @!p0 $0x0  }
0x54: {  	s10 =	simm.s32 @!p0 $0xA220;
	[sflag:s9] =	ssyncadd.s32 @!p0 $0xFFFFFB00;
	s9 =	sadd.s32 @!p0 $0x1B8, s5  }
0x55: {  	[tilespmem:s10], [sflag:$0x2] =	stream.indirect.gather @!p0 [hbm4b:s4+s6], $0x20, s9, s6, $0xb8;
	[tilespmem:$0xCF20] =	vst v63  }
0x56: {  	s9 =	simm.s32 @!p0 $0xD  }
0x57: {  	_ =	swait.ge @!p0 [sflag:s9], $0x500  }
0x58: {  	[sflag:s9] =	ssyncset.done @!p0 $0x0  }
0x59: {  	s10 =	simm.s32 @!p0 $0xA720;
	[sflag:s9] =	ssyncadd.s32 @!p0 $0xFFFFFB00;
	s9 =	sadd.s32 @!p0 $0x1E0, s5  }
0x5a: {  	[tilespmem:s10], [sflag:$0x3] =	stream.indirect.gather @!p0 [hbm4b:s4+s6], $0x20, s9, s6, $0xb8;
	[tilespmem:$0xCF20] =	vst v63  }
0x5b: {  	s9 =	simm.s32 @!p0 $0xE  }
0x5c: {  	_ =	swait.ge @!p0 [sflag:s9], $0x500  }
0x5d: {  	[sflag:s9] =	ssyncset.done @!p0 $0x0  }
0x5e: {  	s10 =	simm.s32 @!p0 $0xAC20;
	[sflag:s9] =	ssyncadd.s32 @!p0 $0xFFFFFB00;
	s9 =	sadd.s32 @!p0 $0x208, s5  }
0x5f: {  	[tilespmem:s10], [sflag:$0x4] =	stream.indirect.gather @!p0 [hbm4b:s4+s6], $0x20, s9, s6, $0xb8;
	[tilespmem:$0xCF20] =	vst v63  }
0x60: {  	s9 =	simm.s32 @!p0 $0xF  }
0x61: {  	_ =	swait.ge @!p0 [sflag:s9], $0x500  }
0x62: {  	[sflag:s9] =	ssyncset.done @!p0 $0x0  }
0x63: {  	s10 =	simm.s32 @!p0 $0xB120;
	[sflag:s9] =	ssyncadd.s32 @!p0 $0xFFFFFB00;
	s9 =	sadd.s32 @!p0 $0x230, s5  }
0x64: {  	[tilespmem:s10], [sflag:$0x5] =	stream.indirect.gather @!p0 [hbm4b:s4+s6], $0x20, s9, s6, $0xb8;
	[tilespmem:$0xCF20] =	vst v63  }
0x65: {  	_ =	swait.ge [sflag:s22], $0x500  }
0x66: {  	[sflag:s22] =	ssyncset.done $0x0  }
0x67: {  	s10 =	sadd.s32 $0x27D8, s7;
	[sflag:s22] =	ssyncadd.s32 $0xFFFFFB00  }
0x68: {  	[spmem:s2] =	stream.indirect.scatter.add.f32 [tilespmem:s23], [sflag:$0x10], $0x20, s10, s13, $0xb8;
	[tilespmem:$0xCF20] =	vst v63  }
0x69: {  	_ =	swait.ge [sflag:s24], $0x500  }
0x6a: {  	[sflag:s24] =	ssyncset.done $0x0  }
0x6b: {  	s10 =	sadd.s32 $0x2800, s7;
	[sflag:s24] =	ssyncadd.s32 $0xFFFFFB00  }
0x6c: {  	[spmem:s2] =	stream.indirect.scatter.add.f32 [tilespmem:s25], [sflag:$0x11], $0x20, s10, s13, $0xb8;
	[tilespmem:$0xCF20] =	vst v63  }
0x6d: {  	_ =	swait.ge [sflag:s26], $0x500  }
0x6e: {  	[sflag:s26] =	ssyncset.done $0x0  }
0x6f: {  	s10 =	sadd.s32 $0x2828, s7;
	[sflag:s26] =	ssyncadd.s32 $0xFFFFFB00  }
0x70: {  	[spmem:s2] =	stream.indirect.scatter.add.f32 [tilespmem:s28], [sflag:$0x12], $0x20, s10, s13, $0xb8;
	[tilespmem:$0xCF20] =	vst v63  }
0x71: {  	_ =	swait.ge [sflag:s29], $0x500  }
0x72: {  	[sflag:s29] =	ssyncset.done $0x0  }
0x73: {  	s10 =	sadd.s32 $0x2850, s7;
	[sflag:s29] =	ssyncadd.s32 $0xFFFFFB00  }
0x74: {  	[spmem:s2] =	stream.indirect.scatter.add.f32 [tilespmem:s30], [sflag:$0x13], $0x20, s10, s13, $0xb8;
	[tilespmem:$0xCF20] =	vst v63  }
0x75: {  	_ =	swait.ge [sflag:s31], $0x500  }
0x76: {  	[sflag:s31] =	ssyncset.done $0x0  }
0x77: {  	s7 =	sadd.s32 $0x2878, s7;
	[sflag:s31] =	ssyncadd.s32 $0xFFFFFB00  }
0x78: {  	[spmem:s2] =	stream.indirect.scatter.add.f32 [tilespmem:s1], [sflag:$0x14], $0x20, s7, s13, $0xb8;
	[tilespmem:$0xCF20] =	vst v63  }
0x79: {  	s7 =	simm.s32 @!p0 $0x10  }
0x7a: {  	_ =	swait.ge @!p0 [sflag:s7], $0x500  }
0x7b: {  	[sflag:s7] =	ssyncset.done @!p0 $0x0  }
0x7c: {  	s9 =	simm.s32 @!p0 $0xB620;
	[sflag:s7] =	ssyncadd.s32 @!p0 $0xFFFFFB00;
	s7 =	sadd.s32 @!p0 $0x258, s5  }
0x7d: {  	[tilespmem:s9], [sflag:$0x6] =	stream.indirect.gather @!p0 [hbm4b:s4+s6], $0x20, s7, s6, $0xb8;
	[tilespmem:$0xCF20] =	vst v63  }
0x7e: {  	s7 =	simm.s32 @!p0 $0x11  }
0x7f: {  	_ =	swait.ge @!p0 [sflag:s7], $0x500  }
0x80: {  	[sflag:s7] =	ssyncset.done @!p0 $0x0  }
0x81: {  	s9 =	simm.s32 @!p0 $0xBB20;
	[sflag:s7] =	ssyncadd.s32 @!p0 $0xFFFFFB00;
	s7 =	sadd.s32 @!p0 $0x280, s5  }
0x82: {  	[tilespmem:s9], [sflag:$0x7] =	stream.indirect.gather @!p0 [hbm4b:s4+s6], $0x20, s7, s6, $0xb8;
	[tilespmem:$0xCF20] =	vst v63  }
0x83: {  	s7 =	simm.s32 @!p0 $0x12  }
0x84: {  	_ =	swait.ge @!p0 [sflag:s7], $0x500  }
0x85: {  	[sflag:s7] =	ssyncset.done @!p0 $0x0  }
0x86: {  	s9 =	simm.s32 @!p0 $0xC020;
	[sflag:s7] =	ssyncadd.s32 @!p0 $0xFFFFFB00;
	s7 =	sadd.s32 @!p0 $0x2A8, s5  }
0x87: {  	[tilespmem:s9], [sflag:$0x8] =	stream.indirect.gather @!p0 [hbm4b:s4+s6], $0x20, s7, s6, $0xb8;
	[tilespmem:$0xCF20] =	vst v63  }
0x88: {  	s7 =	simm.s32 @!p0 $0x13  }
0x89: {  	_ =	swait.ge @!p0 [sflag:s7], $0x500  }
0x8a: {  	[sflag:s7] =	ssyncset.done @!p0 $0x0  }
0x8b: {  	s9 =	simm.s32 @!p0 $0xC520;
	[sflag:s7] =	ssyncadd.s32 @!p0 $0xFFFFFB00;
	s7 =	sadd.s32 @!p0 $0x2D0, s5  }
0x8c: {  	[tilespmem:s9], [sflag:$0x9] =	stream.indirect.gather @!p0 [hbm4b:s4+s6], $0x20, s7, s6, $0xb8;
	[tilespmem:$0xCF20] =	vst v63  }
0x8d: {  	s7 =	simm.s32 @!p0 $0x14  }
0x8e: {  	s3 =	sadd.s32 @!p0 $0x640, s3;
	_ =	swait.ge @!p0 [sflag:s7], $0x500  }
0x8f: {  	p1 =	sne.s32 @!p0 s3, $0x9C40;
	[sflag:s7] =	ssyncset.done @!p0 $0x0  }
0x90: {  	s5 =	sadd.s32 @!p0 $0x2F8, s5;
	[sflag:s7] =	ssyncadd.s32 @!p0 $0xFFFFFB00;
	s7 =	simm.s32 @!p0 $0xCA20  }
0x91: {  	[tilespmem:s7], [sflag:$0xA] =	stream.indirect.gather @!p0 [hbm4b:s4+s6], $0x20, s5, s6, $0xb8;
	[tilespmem:$0xCF20] =	vst v63  }
0x92: {  	p0 =	por p0, !p1  }
.Ltmp0:
0x93: {  	_ = 	snop;
	(pc) =	sbr.rel @!p0 .LBB2_2-.Ltmp0, $1  }
0x94: {  	_ =	sdelay $0x3  }
0x95: {  	s3 =	simm.s32 $0xB  }
0x96: {  	_ =	swait.ge [sflag:s3], $0x500  }
0x97: {  	[sflag:s3] =	ssyncset.done $0x0  }
0x98: {  	s10 =	simm.s32 $0xC;
	[sflag:s3] =	ssyncadd.s32 $0xFFFFFB00  }
0x99: {  	_ =	swait.ge [sflag:s10], $0x500  }
0x9a: {  	[sflag:s10] =	ssyncset.done $0x0  }
0x9b: {  	s5 =	simm.s32 $0xD;
	[sflag:s10] =	ssyncadd.s32 $0xFFFFFB00  }
0x9c: {  	_ =	swait.ge [sflag:s5], $0x500  }
0x9d: {  	[sflag:s5] =	ssyncset.done $0x0  }
0x9e: {  	s6 =	simm.s32 $0xE;
	[sflag:s5] =	ssyncadd.s32 $0xFFFFFB00  }
0x9f: {  	_ =	swait.ge [sflag:s6], $0x500  }
0xa0: {  	[sflag:s6] =	ssyncset.done $0x0  }
0xa1: {  	s7 =	simm.s32 $0xF;
	[sflag:s6] =	ssyncadd.s32 $0xFFFFFB00  }
0xa2: {  	_ =	swait.ge [sflag:s7], $0x500  }
0xa3: {  	[sflag:s7] =	ssyncset.done $0x0  }
0xa4: {  	s9 =	simm.s32 $0x10;
	[sflag:s7] =	ssyncadd.s32 $0xFFFFFB00  }
0xa5: {  	_ =	swait.ge [sflag:s9], $0x500  }
0xa6: {  	[sflag:s9] =	ssyncset.done $0x0  }
0xa7: {  	s10 =	simm.s32 $0x11;
	[sflag:s9] =	ssyncadd.s32 $0xFFFFFB00  }
0xa8: {  	_ =	swait.ge [sflag:s10], $0x500  }
0xa9: {  	[sflag:s10] =	ssyncset.done $0x0  }
0xaa: {  	s5 =	simm.s32 $0x12;
	[sflag:s10] =	ssyncadd.s32 $0xFFFFFB00  }
0xab: {  	_ =	swait.ge [sflag:s5], $0x500  }
0xac: {  	[sflag:s5] =	ssyncset.done $0x0  }
0xad: {  	s6 =	simm.s32 $0x13;
	[sflag:s5] =	ssyncadd.s32 $0xFFFFFB00  }
0xae: {  	_ =	swait.ge [sflag:s6], $0x500  }
0xaf: {  	[sflag:s6] =	ssyncset.done $0x0  }
0xb0: {  	s7 =	simm.s32 $0x14;
	[sflag:s6] =	ssyncadd.s32 $0xFFFFFB00  }
0xb1: {  	_ =	swait.ge [sflag:s7], $0x500  }
0xb2: {  	[sflag:s7] =	ssyncset.done $0x0  }
0xb3: {  	[sflag:s7] =	ssyncadd.s32 $0xFFFFFB00  }
0xb4: {  	[bflag:$0x0] =	sbarrier.arrive $0xFFFF  }
0xb5: {  	s9 =	rddreg [dreg:$0x7]  }
0xb6: {  	s5 =	rddreg [dreg:$0x9]  }
0xb7: {  	s6 =	rddreg [dreg:$0xa]  }
0xb8: {  	[hbm:s9], [sflag:s5] =	dma.local [spmem:s6], $0x9E0  }
0xb9: {  	_ =	swait.ge [sflag:s11], $0x9E0  }
0xba: {  	s8 =	sadd.s32 $0x1, s8;
	s10 =	rddreg [dreg:$0x8]  }
0xbb: {  	p0 =	sne.s32 s8, s10  }
.Ltmp1:
0xbc: {  	_ = 	snop;
	(pc) =	sbr.rel @p0 .LBB2_1-.Ltmp1, $3  }
0xbd: {  	_ =	sdelay $0x1  }
0xbe: {  	[sflag:s11] =	ssyncset.done $0x0  }
0xbf: {  	[sflag:s11] =	ssyncadd.s32 $0xFFFFF620  }
0xc0: {  	_ =	sfence.sel $0x180000  }
0xc1: {  	[bflag:$0x0] =	sbarrier.arrive $0xFFFF  }
0xc2: {  	_ =	strace $0x9000004D  }
0xc3: {  	s0 =	stileid.u32;
	[bflag:$0x2] =	sbarrier.arrive $0xFFFF  }
0xc4: {  	p0 =	sne.s32 s0, $0x0;
	s0 =	rddreg [dreg:$0x2]  }
0xc5: {  	s0 =	sadd.s32 @!p0 $0x100000, s0  }
0xc6: {  	[sflag:s0] =	ssyncadd.tile.s32 @!p0 $0x1;
	_ =	shalt  }
.Lfunc_end2:
_tile_overlayer_lowered:
.L_overlay_start_2:
0xc7: {  	(tag) =	ssettag $0x2  }
0xc8: {  	s0 =	rddreg [dreg:$0x0];
	s2 =	stileid.u32  }
0xc9: {  	s1 =	rddreg [dreg:$0x1];
	p0 =	sne.s32 s2, $0x0  }
0xca: {  	s3 =	rddreg [dreg:$0x2];
	[bflag:$0x3] =	sbarrier.arrive $0xFFFF;
	s2 =	simm.s32 @!p0 $0x1C15  }
0xcb: {  	[timem:s3], [sflag:s2] =	dma.local @!p0 [hbm:s0], s1  }
0xcc: {  	s0 =	simm.s32 @!p0 $0x15  }
0xcd: {  	_ =	swait.ge @!p0 [sflag:s0], s1  }
0xce: {  	s1 =	ssub.s32 @!p0 $0x0, s1;
	[sflag:s0] =	ssyncset.done @!p0 $0x0  }
0xcf: {  	[sflag:s0] =	ssyncadd.s32 @!p0 s1  }
0xd0: {  	[bflag:$0x3] =	sbarrier.arrive $0xFFFF  }
0xd1: {  	_ =	shalt  }

// kernel: kernel.8.cloned.1.call-start
scs
__scs_entry_jumppad:
0x0: {  	(pc) =	sbr.rel $0x88, $3  }
0x1: {  	(tag) =	ssettag $0x0;
	lr =	simm.s32 $0x1  }
0x2: {  	[smem:$0x3F9B] =	sst lr;
	_ =	strace $0xD0000000  }
0x3: {  	_ = 	snop  }
0x4: {  	_ = 	snop  }
0x5: {  	_ = 	snop  }
0x6: {  	_ = 	snop  }
0x7: {  	_ = 	snop  }
__scs_overlays_trampoline_lowered:
0x8: {  	[smem:$0x3FAA] =	sst s0  }
0x9: {  	[smem:$0x3FAB] =	sst s1  }
0xa: {  	[smem:$0x3FAC] =	sst s2  }
0xb: {  	[smem:$0x3FAD] =	sst s3  }
0xc: {  	[smem:$0x3FAE] =	sst s4  }
0xd: {  	[smem:$0x3FAF] =	sst s5  }
0xe: {  	[smem:$0x3FB0] =	sst s6  }
0xf: {  	[smem:$0x3FB1] =	sst s7  }
0x10: {  	[smem:$0x3FB2] =	sst s8  }
0x11: {  	[smem:$0x3FB3] =	sst s9;
	s0 =	simm.s32 @!p0 $0x0  }
0x12: {  	s1 =	sld [smem:$0x3F99];
	s0 =	simm.s32 @p0 $0x1  }
0x13: {  	[smem:$0x3FB4] =	sst s0;
	s0 =	simm.s32 @!p1 $0x0  }
0x14: {  	s2 =	sld [smem:$0x3F98];
	s0 =	simm.s32 @p1 $0x1  }
0x15: {  	[smem:$0x3FB5] =	sst s0;
	s0 =	simm.s32 @!p2 $0x0  }
0x16: {  	s3 =	sld [smem:$0x3FDB];
	s0 =	simm.s32 @p2 $0x1  }
0x17: {  	s4 =	simm.s32 $0x1BF5;
	[smem:$0x3FB7] =	sst s0  }
0x18: {  	s0 =	sld [smem:$0x3F9A];
	_ =	swait.ge [sflag:s4], $0x0  }
0x19: {  	s7 =	sld [smem:$0x3F9B]  }
0x1a: {  	s8 =	sadd.s32 $0xFFFFE003, lr  }
0x1b: {  	s9 =	sadd.s32 $0xFFFFFEF7, lr;
	s5 =	simm.s32 $0xFFFFFFFF;
	p2 =	slt.u32 s8, $0xFFFFF086  }
0x1c: {  	p1 =	slt.u32 s9, $0xF7A;
	s5 =	simm.s32 @!p2 $0x0  }
0x1d: {  	s5 =	simm.s32 @p1 $0x1;
	p0 =	seq.s32 s7, s2  }
0x1e: {  	s7 =	smul.u32 @!p0 $0xF7A, s2;
	p2 =	seq.s32 @!p0 s5, $0x0  }
0x1f: {  	s9 =	smul.u32 $0xF7A, s1;
	s8 =	simm.s32 @!p0 $0x1BF5;
	p2 =	por !p2, p0  }
0x20: {  	[sflag:s8] =	ssyncset.s32 @!p0 $0xFFFFF086;
	s6 =	sadd.s32 @!p0 s3, s7;
	s7 =	simm.s32 @!p0 $0x108  }
0x21: {  	s3 =	sadd.s32 s3, s9;
	s6 =	sadd.s32 @!p0 $0x88, s6;
	s7 =	simm.s32 @p2 $0x1082  }
0x22: {  	[simem:s7], [sflag:s8] =	dma.local @!p0 [hbm:s6], $0xF7A  }
0x23: {  	s9 =	sor.u32 $0xD0000000, s2;
	s6 =	simm.s32 $0x108;
	_ =	swait.ge @!p0 [sflag:s8], $0x0  }
0x24: {  	s3 =	sadd.s32 $0x88, s3;
	s6 =	simm.s32 @!p1 $0x1082;
	[sflag:s4] =	ssyncset.s32 $0xFFFFF086  }
0x25: {  	[simem:s6], [sflag:s4] =	dma.local [hbm:s3], $0xF7A  }
0x26: {  	[smem:$0x3F9B] =	sst s1;
	(tag) =	ssettag s2;
	_ =	strace s9  }
0x27: {  	s1 =	sld [smem:$0x3FAB]  }
0x28: {  	s2 =	sld [smem:$0x3FAC]  }
0x29: {  	s4 =	sld [smem:$0x3FAE]  }
0x2a: {  	p0 =	seq.s32 s5, $0x0;
	s5 =	sld [smem:$0x3FAF]  }
0x2b: {  	s6 =	sld [smem:$0x3FB0]  }
0x2c: {  	s7 =	sld [smem:$0x3FB1]  }
0x2d: {  	s3 =	simm.s32 $0x108;
	s8 =	sld [smem:$0x3FB2]  }
0x2e: {  	s3 =	simm.s32 @!p0 $0x1082;
	s9 =	sld [smem:$0x3FB3]  }
0x2f: {  	lr =	sadd.s32 s0, s3;
	s0 =	sld [smem:$0x3FAA]  }
0x30: {  	s3 =	sld [smem:$0x3FAD]  }
0x31: {  	[smem:$0x3FB6] =	sst s10  }
0x32: {  	s10 =	sld [smem:$0x3FB4];
	_ =	sdelay $0x3  }
0x33: {  	p0 =	seq.s32 s10, $0x1;
	s10 =	sld [smem:$0x3FB6];
	_ =	sdelay $0x3  }
0x34: {  	[smem:$0x3FB6] =	sst s10  }
0x35: {  	s10 =	sld [smem:$0x3FB5];
	_ =	sdelay $0x3  }
0x36: {  	p1 =	seq.s32 s10, $0x1;
	s10 =	sld [smem:$0x3FB6];
	_ =	sdelay $0x3  }
0x37: {  	[smem:$0x3FB6] =	sst s10  }
0x38: {  	s10 =	sld [smem:$0x3FB7]  }
0x39: {  	_ = 	snop;
	(pc) =	sbr.ind lr, $3  }
0x3a: {  	_ = 	snop  }
0x3b: {  	_ = 	snop  }
0x3c: {  	p2 =	seq.s32 s10, $0x1;
	s10 =	sld [smem:$0x3FB6]  }
0x3d: {  	_ =	shalt  }
0x3e: {  	_ =	shalt  }
0x3f: {  	_ =	shalt  }
0x40: {  	_ =	shalt  }
0x41: {  	_ =	shalt  }
0x42: {  	_ =	shalt  }
0x43: {  	_ =	shalt  }
0x44: {  	_ =	shalt  }
0x45: {  	_ =	shalt  }
0x46: {  	_ =	shalt  }
0x47: {  	_ =	shalt  }
0x48: {  	_ =	shalt  }
0x49: {  	_ =	shalt  }
0x4a: {  	_ =	shalt  }
0x4b: {  	_ =	shalt  }
0x4c: {  	_ =	shalt  }
0x4d: {  	_ =	shalt  }
0x4e: {  	_ =	shalt  }
0x4f: {  	_ =	shalt  }
0x50: {  	_ =	shalt  }
0x51: {  	_ =	shalt  }
0x52: {  	_ =	shalt  }
0x53: {  	_ =	shalt  }
0x54: {  	_ =	shalt  }
0x55: {  	_ =	shalt  }
0x56: {  	_ =	shalt  }
0x57: {  	_ =	shalt  }
0x58: {  	_ =	shalt  }
0x59: {  	_ =	shalt  }
0x5a: {  	_ =	shalt  }
0x5b: {  	_ =	shalt  }
0x5c: {  	_ =	shalt  }
0x5d: {  	_ =	shalt  }
0x5e: {  	_ =	shalt  }
0x5f: {  	_ =	shalt  }
0x60: {  	_ =	shalt  }
0x61: {  	_ =	shalt  }
0x62: {  	_ =	shalt  }
0x63: {  	_ =	shalt  }
0x64: {  	_ =	shalt  }
0x65: {  	_ =	shalt  }
0x66: {  	_ =	shalt  }
0x67: {  	_ =	shalt  }
0x68: {  	_ =	shalt  }
0x69: {  	_ =	shalt  }
0x6a: {  	_ =	shalt  }
0x6b: {  	_ =	shalt  }
0x6c: {  	_ =	shalt  }
0x6d: {  	_ =	shalt  }
0x6e: {  	_ =	shalt  }
0x6f: {  	_ =	shalt  }
0x70: {  	_ =	shalt  }
0x71: {  	_ =	shalt  }
0x72: {  	_ =	shalt  }
0x73: {  	_ =	shalt  }
0x74: {  	_ =	shalt  }
0x75: {  	_ =	shalt  }
0x76: {  	_ =	shalt  }
0x77: {  	_ =	shalt  }
0x78: {  	_ =	shalt  }
0x79: {  	_ =	shalt  }
0x7a: {  	_ =	shalt  }
0x7b: {  	_ =	shalt  }
0x7c: {  	_ =	shalt  }
0x7d: {  	_ =	shalt  }
0x7e: {  	_ =	shalt  }
0x7f: {  	_ =	shalt  }
0x80: {  	_ =	shalt  }
0x81: {  	_ =	shalt  }
0x82: {  	_ =	shalt  }
0x83: {  	_ =	shalt  }
0x84: {  	_ =	shalt  }
0x85: {  	_ =	shalt  }
0x86: {  	_ =	shalt  }
0x87: {  	_ =	shalt  }
.Lfunc_end0:
.L_simem_size_0:
called_computation_lowered:
.L_overlay_start_0:
0x88: {  	s2 =	sld [smem:$0x3FD9]  }
0x89: {  	s3 =	sld [smem:$0x3FFE];
	_ =	sdelay $0x1  }
0x8a: {  	s1 =	srdreg.scid  }
0x8b: {  	s0 =	sand.u32 $0x1, s1  }
0x8c: {  	s16 =	sshll.u32 s0, $0xA;
	s2 =	sadd.s32 s3, s2  }
0x8d: {  	s2 =	sadd.s32 s2, s16  }
0x8e: {  	[smem:$0x3FC2] =	sst s2  }
0x8f: {  	_ = 	snop  }
0x90: {  	(tm) =	ssettm $0x1  }
0x91: {  	s17 =	sld [smem:$0x3FFB];
	_ =	sdelay $0x3  }
0x92: {  	_ =	strace s17  }
0x93: {  	s2 =	sld [smem:$0x3FFC];
	_ =	sdelay $0x3  }
0x94: {  	_ =	strace s2  }
0x95: {  	s2 =	sld [smem:$0x3FFD];
	_ =	sdelay $0x3  }
0x96: {  	_ =	strace s2  }
0x97: {  	_ =	strace $0x8FFFFFFF  }
0x98: {  	s18 =	sld [smem:$0x3FDB];
	_ =	sdelay $0x1  }
0x99: {  	s19 =	simm.s32 $_scs_section_size  }
0x9a: {  	s4 =	simm.s32 $_size__tile_overlayer_lowered;
	s5 =	simm.s32 $_tile_overlayer_lowered  }
0x9b: {  	s22 =	simm.s32 $0x1BFF;
	s21 =	sshll.u32 s5, $0x1;
	s2 =	sadd.s32 s19, s18  }
0x9c: {  	s6 =	simm.s32 $0x0;
	s20 =	sshll.u32 s4, $0x1;
	s4 =	sadd.s32 s21, s2  }
0x9d: {  	[timem:s6], [sflag:s22] =	dma.local [hbm:s4], s20  }
0x9e: {  	_ =	swait.ge [sflag:s22], s20  }
0x9f: {  	s3 =	ssub.s32 $0x0, s20;
	[sflag:s22] =	ssyncset.done $0x0  }
0xa0: {  	[sflag:s22] =	ssyncadd.s32 s3;
	_ =	sdelay $0x1  }
0xa1: {  	s23 =	simm.s32 $0x1B8B  }
0xa2: {  	_ =	swait.ge [sflag:s23], $0x1  }
0xa3: {  	[sflag:s23] =	ssyncset.done $0x0  }
0xa4: {  	s25 =	simm.s32 $0x1B8E;
	s24 =	sld [smem:$0x3FFE];
	[sflag:s23] =	ssyncadd.s32 $0xFFFFFFFF  }
0xa5: {  	s26 =	simm.s32 $execute0_lowered;
	[smem:$0x3FD2] =	sst s25  }
0xa6: {  	s4 =	sshll.u32 s26, $0x1;
	_ =	strace $0x80000046;
	[dreg:$0x1] =	wrdreg $0xFFFFFFFF  }
0xa7: {  	s28 =	simm.s32 $_size_execute0_lowered;
	s2 =	sadd.s32 s2, s4;
	[dreg:$0x0] =	wrdreg $0x0  }
0xa8: {  	s4 =	sshll.u32 s28, $0x1;
	[dreg:$0x2] =	wrdreg s2  }
0xa9: {  	[dreg:$0x3] =	wrdreg s4  }
0xaa: {  	[dreg:$0x4] =	wrdreg $0xC0  }
0xab: {  	_ =	task [dreg:s6], $0x5FFFF  }
0xac: {  	[dreg:$0x1] =	wrdreg $0xFFFFFFFF  }
0xad: {  	[dreg:$0x0] =	wrdreg $0x60  }
0xae: {  	[dreg:$0x2] =	wrdreg s24  }
0xaf: {  	[dreg:$0x3] =	wrdreg $0x58200  }
0xb0: {  	[dreg:$0x4] =	wrdreg $0x9  }
0xb1: {  	_ =	task.clear_ibuf [dreg:s6], $0x5FFFF;
	_ =	strace $0x90000046  }
0xb2: {  	s29 =	simm.s32 $0x9;
	_ =	strace $0x80000048  }
0xb3: {  	_ =	swait.ge [sflag:s29], $0x1  }
0xb4: {  	[sflag:s29] =	ssyncadd.s32 $0xFFFFFFFF  }
0xb5: {  	_ =	strace $0x90000048  }
0xb6: {  	_ =	sfence  }
0xb7: {  	s30 =	sld [smem:$0x0];
	_ =	sdelay $0x2  }
0xb8: {  	s31 =	sshll.u32 s1, $0xD;
	s1 =	sshrl.u32 s1, $0x2  }
0xb9: {  	s3 =	sand.u32 $0x4000, s31;
	s1 =	sadd.s32 s1, s30  }
0xba: {  	s0 =	sor.u32 s3, s0;
	s1 =	sshll.u32 s1, $0x11  }
0xbb: {  	s0 =	sor.u32 s1, s0  }
0xbc: {  	s0 =	sadd.s32 $0x8F2B, s0  }
0xbd: {  	[sflag:s0] =	ssyncadd.remote.s32 $0x1  }
0xbe: {  	_ =	sfence.sel $0xFFFF  }
0xbf: {  	[dreg:$0x0] =	wrdreg $0xFFFFFFFF;
	(pc) =	sbr.abs _section_cstart, $3  }
0xc0: {  	[dreg:$0x1] =	wrdreg $0xFFFFFFFF  }
0xc1: {  	_ =	task.clear_ibuf [dreg:s6], $0x2FFFF;
	_ =	strace $0x9FFFFFFF  }
0xc2: {  	(tm) =	ssettm $0x7FFFFFFF  }
0xc3: {  	_ =	shalt  }
tec
execute0_lowered:
.L_overlay_start_1:
0x0: {  	(tag) =	ssettag $0x1  }
0x1: {  	s0 =	srdreg.scid;
	s6 =	rddreg [dreg:$0x0]  }
0x2: {  	s15 =	stileid.u32;
	s2 =	rddreg [dreg:$0x1];
	s3 =	simm.s32 $0x0  }
0x3: {  	s11 =	simm.s32 $0x4E20;
	s12 =	simm.s32 $0xB;
	s13 =	simm.s32 $0x5320  }
0x4: {  	s14 =	simm.s32 $0x2710;
	s17 =	simm.s32 $0x50;
	s28 =	simm.s32 $0x2  }
0x5: {  	s29 =	simm.s32 $0x7;
	s30 =	simm.s32 $0x3;
	s31 =	simm.s32 $0x8  }
0x6: {  	s18 =	simm.s32 $0x5;
	s19 =	simm.s32 $0xA;
	s20 =	simm.s32 $0x0  }
0x7: {  	s0 =	sand.u32 $0x1, s0;
	s1 =	sshll.u32 s15, $0x1;
	s8 =	smul.u32 $0x2780, s15  }
0x8: {  	[smem:$0x7FF] =	sst s3;
	s7 =	smul.u32 $0x4F0, s15;
	s4 =	sadd.s32 $0x15A00, s6  }
0x9: {  	s5 =	sadd.s32 $0x15800, s6;
	s26 =	sshll.u32 s15, $0x6;
	s1 =	sor.u32 s0, s1  }
0xa: {  	_ =	strace $0x80000047;
	s9 =	smul.u32 $0x4F00, s0;
	s0 =	ssub.s32 $0x2, s0  }
0xb: {  	s15 =	sor.u32 $0x1C0B, s26;
	s26 =	simm.s32 $0x6;
	s1 =	smul.u32 $0x4E2, s1  }
0xc: {  	s10 =	sshrl.u32 s8, $0x3;
	s24 =	sshrl.u32 s0, $0x1;
	s25 =	sadd.s32 s8, s2  }
0xd: {  	s7 =	sadd.s32 s7, s9;
	s22 =	sadd.s32 s10, s6;
	s0 =	ssub.s32 s0, s24  }
0xe: {  	s16 =	sshrl.u32 s25, $0x3;
	s24 =	simm.s32 $0x2850;
	s25 =	simm.s32 $0x1  }
0xf: {  	s1 =	sadd.s32 s1, s6;
	s23 =	sadd.s32 s7, s6;
	s8 =	sadd.s32 $0x15C00, s22  }
0x10: {  	s10 =	smax.u32 s0, $0x1;
	s0 =	simm.s32 $0x9;
	s6 =	sadd.s32 $0xBA00, s1  }
0x11: {  	s7 =	sadd.s32 $0x1C00, s1;
	s9 =	sadd.s32 $0x1AC00, s23;
	s1 =	simm.s32 $0x4  }
.LBB2_1:
0x12: {  	[tilespmem:s11], [sflag:$0xB] =	stream.linear.gather [hbm4b:s4+s3], $0x500, $0x38;
	[tilespmem:$0x7FA0] =	vst v63  }
0x13: {  	_ =	swait.ge [sflag:s12], $0x500  }
0x14: {  	[sflag:s12] =	ssyncset.done $0x0  }
0x15: {  	[sflag:s12] =	ssyncadd.s32 $0xFFFFFB00  }
0x16: {  	[tilespmem:s13], [sflag:$0xB] =	stream.linear.gather [hbm4b:s5+s3], $0x500, $0x38;
	[tilespmem:$0x7FA0] =	vst v63  }
0x17: {  	_ =	swait.ge [sflag:s12], $0x500  }
0x18: {  	[sflag:s12] =	ssyncset.done $0x0  }
0x19: {  	[sflag:s12] =	ssyncadd.s32 $0xFFFFFB00  }
0x1a: {  	[tilespmem:s3], [sflag:$0xB] =	stream.linear.gather [hbm4b:s6+s3], $0x2710, $0x38;
	[tilespmem:$0x7FA0] =	vst v63  }
0x1b: {  	_ =	swait.ge [sflag:s12], $0x2710  }
0x1c: {  	[sflag:s12] =	ssyncset.done $0x0  }
0x1d: {  	[sflag:s12] =	ssyncadd.s32 $0xFFFFD8F0  }
0x1e: {  	[tilespmem:s14], [sflag:$0xB] =	stream.linear.gather [hbm4b:s7+s3], $0x2710, $0x38;
	[tilespmem:$0x7FA0] =	vst v63  }
0x1f: {  	_ =	swait.ge [sflag:s12], $0x2710  }
0x20: {  	[sflag:s12] =	ssyncset.done $0x0  }
0x21: {  	[sflag:s12] =	ssyncadd.s32 $0xFFFFD8F0  }
0x22: {  	[spmem:s16], [sflag:s15] =	dma.local [hbm:s8], $0x4F0  }
0x23: {  	_ =	swait.ge [sflag:s12], $0x4F0  }
0x24: {  	[sflag:s12] =	ssyncset.done $0x0  }
0x25: {  	[sflag:s12] =	ssyncadd.s32 $0xFFFFFB10  }
0x26: {  	[bflag:$0x0] =	sbarrier.arrive $0xFFFF  }
0x27: {  	[spmem:s2] =	stream.indirect.scatter.add.f32 [tilespmem:s11], [sflag:$0x1], $0x10, s3, s17, $0xb8;
	[tilespmem:$0x7FA0] =	vst v63  }
0x28: {  	_ = 	snop  }
0x29: {  	[spmem:s2] =	stream.indirect.scatter.add.f32 [tilespmem:s13], [sflag:$0x6], $0x10, s14, s17, $0xb8;
	[tilespmem:$0x7FA0] =	vst v63  }
0x2a: {  	_ = 	snop  }
0x2b: {  	[spmem:s2] =	stream.indirect.scatter.add.f32 [tilespmem:s11], [sflag:$0x2], $0x10, s17, s17, $0xb8;
	[tilespmem:$0x7FA0] =	vst v63  }
0x2c: {  	s21 =	simm.s32 $0x2760  }
0x2d: {  	[spmem:s2] =	stream.indirect.scatter.add.f32 [tilespmem:s13], [sflag:$0x7], $0x10, s21, s17, $0xb8;
	[tilespmem:$0x7FA0] =	vst v63  }
0x2e: {  	s22 =	simm.s32 $0xA0  }
0x2f: {  	[spmem:s2] =	stream.indirect.scatter.add.f32 [tilespmem:s11], [sflag:$0x3], $0x10, s22, s17, $0xb8;
	[tilespmem:$0x7FA0] =	vst v63  }
0x30: {  	s23 =	simm.s32 $0x27B0  }
0x31: {  	[spmem:s2] =	stream.indirect.scatter.add.f32 [tilespmem:s13], [sflag:$0x8], $0x10, s23, s17, $0xb8;
	[tilespmem:$0x7FA0] =	vst v63  }
0x32: {  	s22 =	simm.s32 $0xF0  }
0x33: {  	[spmem:s2] =	stream.indirect.scatter.add.f32 [tilespmem:s11], [sflag:$0x4], $0x10, s22, s17, $0xb8;
	[tilespmem:$0x7FA0] =	vst v63  }
0x34: {  	s23 =	simm.s32 $0x2800  }
0x35: {  	[spmem:s2] =	stream.indirect.scatter.add.f32 [tilespmem:s13], [sflag:$0x9], $0x10, s23, s17, $0xb8;
	[tilespmem:$0x7FA0] =	vst v63  }
0x36: {  	s22 =	simm.s32 $0x140  }
0x37: {  	[spmem:s2] =	stream.indirect.scatter.add.f32 [tilespmem:s11], [sflag:$0x5], $0x10, s22, s17, $0xb8;
	[tilespmem:$0x7FA0] =	vst v63  }
0x38: {  	_ = 	snop  }
0x39: {  	[spmem:s2] =	stream.indirect.scatter.add.f32 [tilespmem:s13], [sflag:$0xA], $0x10, s24, s17, $0xb8;
	[tilespmem:$0x7FA0] =	vst v63  }
0x3a: {  	_ =	swait.ge [sflag:s25], $0x500  }
0x3b: {  	[sflag:s25] =	ssyncset.done $0x0  }
0x3c: {  	[sflag:s25] =	ssyncadd.s32 $0xFFFFFB00  }
0x3d: {  	_ =	swait.ge [sflag:s26], $0x500  }
0x3e: {  	[sflag:s26] =	ssyncset.done $0x0  }
0x3f: {  	[sflag:s26] =	ssyncadd.s32 $0xFFFFFB00  }
0x40: {  	_ =	swait.ge [sflag:s28], $0x500  }
0x41: {  	[sflag:s28] =	ssyncset.done $0x0  }
0x42: {  	[sflag:s28] =	ssyncadd.s32 $0xFFFFFB00  }
0x43: {  	_ =	swait.ge [sflag:s29], $0x500  }
0x44: {  	[sflag:s29] =	ssyncset.done $0x0  }
0x45: {  	[sflag:s29] =	ssyncadd.s32 $0xFFFFFB00  }
0x46: {  	_ =	swait.ge [sflag:s30], $0x500  }
0x47: {  	[sflag:s30] =	ssyncset.done $0x0  }
0x48: {  	[sflag:s30] =	ssyncadd.s32 $0xFFFFFB00  }
0x49: {  	_ =	swait.ge [sflag:s31], $0x500  }
0x4a: {  	[sflag:s31] =	ssyncset.done $0x0  }
0x4b: {  	[sflag:s31] =	ssyncadd.s32 $0xFFFFFB00  }
0x4c: {  	_ =	swait.ge [sflag:s1], $0x500  }
0x4d: {  	[sflag:s1] =	ssyncset.done $0x0  }
0x4e: {  	[sflag:s1] =	ssyncadd.s32 $0xFFFFFB00  }
0x4f: {  	_ =	swait.ge [sflag:s0], $0x500  }
0x50: {  	[sflag:s0] =	ssyncset.done $0x0  }
0x51: {  	[sflag:s0] =	ssyncadd.s32 $0xFFFFFB00  }
0x52: {  	_ =	swait.ge [sflag:s18], $0x500  }
0x53: {  	[sflag:s18] =	ssyncset.done $0x0  }
0x54: {  	[sflag:s18] =	ssyncadd.s32 $0xFFFFFB00  }
0x55: {  	_ =	swait.ge [sflag:s19], $0x500  }
0x56: {  	[sflag:s19] =	ssyncset.done $0x0  }
0x57: {  	s23 =	simm.s32 $0x190;
	[sflag:s19] =	ssyncadd.s32 $0xFFFFFB00  }
0x58: {  	[spmem:s2] =	stream.indirect.scatter.add.f32 [tilespmem:s11], [sflag:$0x1], $0x10, s23, s17, $0xb8;
	[tilespmem:$0x7FA0] =	vst v63  }
0x59: {  	s22 =	simm.s32 $0x28A0  }
0x5a: {  	[spmem:s2] =	stream.indirect.scatter.add.f32 [tilespmem:s13], [sflag:$0x6], $0x10, s22, s17, $0xb8;
	[tilespmem:$0x7FA0] =	vst v63  }
0x5b: {  	s23 =	simm.s32 $0x1E0  }
0x5c: {  	[spmem:s2] =	stream.indirect.scatter.add.f32 [tilespmem:s11], [sflag:$0x2], $0x10, s23, s17, $0xb8;
	[tilespmem:$0x7FA0] =	vst v63  }
0x5d: {  	s22 =	simm.s32 $0x28F0  }
0x5e: {  	[spmem:s2] =	stream.indirect.scatter.add.f32 [tilespmem:s13], [sflag:$0x7], $0x10, s22, s17, $0xb8;
	[tilespmem:$0x7FA0] =	vst v63  }
0x5f: {  	s23 =	simm.s32 $0x230  }
0x60: {  	[spmem:s2] =	stream.indirect.scatter.add.f32 [tilespmem:s11], [sflag:$0x3], $0x10, s23, s17, $0xb8;
	[tilespmem:$0x7FA0] =	vst v63  }
0x61: {  	s22 =	simm.s32 $0x2940  }
0x62: {  	[spmem:s2] =	stream.indirect.scatter.add.f32 [tilespmem:s13], [sflag:$0x8], $0x10, s22, s17, $0xb8;
	[tilespmem:$0x7FA0] =	vst v63  }
0x63: {  	s23 =	simm.s32 $0x280  }
0x64: {  	[spmem:s2] =	stream.indirect.scatter.add.f32 [tilespmem:s11], [sflag:$0x4], $0x10, s23, s17, $0xb8;
	[tilespmem:$0x7FA0] =	vst v63  }
0x65: {  	s22 =	simm.s32 $0x2990  }
0x66: {  	[spmem:s2] =	stream.indirect.scatter.add.f32 [tilespmem:s13], [sflag:$0x9], $0x10, s22, s17, $0xb8;
	[tilespmem:$0x7FA0] =	vst v63  }
0x67: {  	s21 =	simm.s32 $0x640;
	s23 =	simm.s32 $0x2D0;
	s22 =	simm.s32 $0x29E0  }
0x68: {  	[spmem:s2] =	stream.indirect.scatter.add.f32 [tilespmem:s11], [sflag:$0x5], $0x10, s23, s17, $0xb8;
	[tilespmem:$0x7FA0] =	vst v63  }
.LBB2_2:
0x69: {  	[spmem:s2] =	stream.indirect.scatter.add.f32 [tilespmem:s13], [sflag:$0xA], $0x10, s22, s17, $0xb8;
	[tilespmem:$0x7FA0] =	vst v63  }
0x6a: {  	s22 =	smov.u32 s21  }
0x6b: {  	p0 =	sne.s32 s21, $0x8FC0;
	s21 =	sadd.s32 $0x640, s21;
	_ =	swait.ge [sflag:s25], $0x500  }
0x6c: {  	[sflag:s25] =	ssyncset.done $0x0  }
0x6d: {  	[sflag:s25] =	ssyncadd.s32 $0xFFFFFB00  }
0x6e: {  	_ =	swait.ge [sflag:s26], $0x500  }
0x6f: {  	[sflag:s26] =	ssyncset.done $0x0  }
0x70: {  	[sflag:s26] =	ssyncadd.s32 $0xFFFFFB00  }
0x71: {  	_ =	swait.ge [sflag:s28], $0x500  }
0x72: {  	[sflag:s28] =	ssyncset.done $0x0  }
0x73: {  	[sflag:s28] =	ssyncadd.s32 $0xFFFFFB00  }
0x74: {  	_ =	swait.ge [sflag:s29], $0x500  }
0x75: {  	[sflag:s29] =	ssyncset.done $0x0  }
0x76: {  	[sflag:s29] =	ssyncadd.s32 $0xFFFFFB00  }
0x77: {  	_ =	swait.ge [sflag:s30], $0x500  }
0x78: {  	[sflag:s30] =	ssyncset.done $0x0  }
0x79: {  	[sflag:s30] =	ssyncadd.s32 $0xFFFFFB00  }
0x7a: {  	_ =	swait.ge [sflag:s31], $0x500  }
0x7b: {  	[sflag:s31] =	ssyncset.done $0x0  }
0x7c: {  	[sflag:s31] =	ssyncadd.s32 $0xFFFFFB00  }
0x7d: {  	_ =	swait.ge [sflag:s1], $0x500  }
0x7e: {  	[sflag:s1] =	ssyncset.done $0x0  }
0x7f: {  	[sflag:s1] =	ssyncadd.s32 $0xFFFFFB00  }
0x80: {  	_ =	swait.ge [sflag:s0], $0x500  }
0x81: {  	[sflag:s0] =	ssyncset.done $0x0  }
0x82: {  	[sflag:s0] =	ssyncadd.s32 $0xFFFFFB00  }
0x83: {  	_ =	swait.ge [sflag:s18], $0x500  }
0x84: {  	[sflag:s18] =	ssyncset.done $0x0  }
0x85: {  	[sflag:s18] =	ssyncadd.s32 $0xFFFFFB00  }
0x86: {  	_ =	swait.ge [sflag:s19], $0x500  }
0x87: {  	s22 =	sshra.s32 s22, $0x2;
	[sflag:s19] =	ssyncset.done $0x0  }
0x88: {  	s23 =	sadd.s32 $0x190, s22;
	[sflag:s19] =	ssyncadd.s32 $0xFFFFFB00  }
0x89: {  	[spmem:s2] =	stream.indirect.scatter.add.f32 [tilespmem:s11], [sflag:$0x1], $0x10, s23, s17, $0xb8;
	[tilespmem:$0x7FA0] =	vst v63  }
0x8a: {  	s23 =	sadd.s32 $0x28A0, s22  }
0x8b: {  	[spmem:s2] =	stream.indirect.scatter.add.f32 [tilespmem:s13], [sflag:$0x6], $0x10, s23, s17, $0xb8;
	[tilespmem:$0x7FA0] =	vst v63  }
0x8c: {  	s23 =	sadd.s32 $0x1E0, s22  }
0x8d: {  	[spmem:s2] =	stream.indirect.scatter.add.f32 [tilespmem:s11], [sflag:$0x2], $0x10, s23, s17, $0xb8;
	[tilespmem:$0x7FA0] =	vst v63  }
0x8e: {  	s23 =	sadd.s32 $0x28F0, s22  }
0x8f: {  	[spmem:s2] =	stream.indirect.scatter.add.f32 [tilespmem:s13], [sflag:$0x7], $0x10, s23, s17, $0xb8;
	[tilespmem:$0x7FA0] =	vst v63  }
0x90: {  	s23 =	sadd.s32 $0x230, s22  }
0x91: {  	[spmem:s2] =	stream.indirect.scatter.add.f32 [tilespmem:s11], [sflag:$0x3], $0x10, s23, s17, $0xb8;
	[tilespmem:$0x7FA0] =	vst v63  }
0x92: {  	s23 =	sadd.s32 $0x2940, s22  }
0x93: {  	[spmem:s2] =	stream.indirect.scatter.add.f32 [tilespmem:s13], [sflag:$0x8], $0x10, s23, s17, $0xb8;
	[tilespmem:$0x7FA0] =	vst v63  }
0x94: {  	s23 =	sadd.s32 $0x280, s22  }
0x95: {  	[spmem:s2] =	stream.indirect.scatter.add.f32 [tilespmem:s11], [sflag:$0x4], $0x10, s23, s17, $0xb8;
	[tilespmem:$0x7FA0] =	vst v63  }
.Ltmp0:
0x96: {  	s23 =	sadd.s32 $0x2990, s22;
	(pc) =	sbr.rel @p0 .LBB2_2-.Ltmp0, $4  }
0x97: {  	[spmem:s2] =	stream.indirect.scatter.add.f32 [tilespmem:s13], [sflag:$0x9], $0x10, s23, s17, $0xb8;
	[tilespmem:$0x7FA0] =	vst v63  }
0x98: {  	s23 =	sadd.s32 $0x2D0, s22  }
0x99: {  	[spmem:s2] =	stream.indirect.scatter.add.f32 [tilespmem:s11], [sflag:$0x5], $0x10, s23, s17, $0xb8;
	[tilespmem:$0x7FA0] =	vst v63  }
0x9a: {  	s22 =	sadd.s32 $0x29E0, s22  }
0x9b: {  	[spmem:s2] =	stream.indirect.scatter.add.f32 [tilespmem:s13], [sflag:$0xA], $0x10, s22, s17, $0xb8;
	[tilespmem:$0x7FA0] =	vst v63  }
0x9c: {  	_ =	swait.ge [sflag:s25], $0x500  }
0x9d: {  	[sflag:s25] =	ssyncset.done $0x0  }
0x9e: {  	[sflag:s25] =	ssyncadd.s32 $0xFFFFFB00  }
0x9f: {  	_ =	swait.ge [sflag:s26], $0x500  }
0xa0: {  	[sflag:s26] =	ssyncset.done $0x0  }
0xa1: {  	[sflag:s26] =	ssyncadd.s32 $0xFFFFFB00  }
0xa2: {  	_ =	swait.ge [sflag:s28], $0x500  }
0xa3: {  	[sflag:s28] =	ssyncset.done $0x0  }
0xa4: {  	[sflag:s28] =	ssyncadd.s32 $0xFFFFFB00  }
0xa5: {  	_ =	swait.ge [sflag:s29], $0x500  }
0xa6: {  	[sflag:s29] =	ssyncset.done $0x0  }
0xa7: {  	[sflag:s29] =	ssyncadd.s32 $0xFFFFFB00  }
0xa8: {  	_ =	swait.ge [sflag:s30], $0x500  }
0xa9: {  	[sflag:s30] =	ssyncset.done $0x0  }
0xaa: {  	[sflag:s30] =	ssyncadd.s32 $0xFFFFFB00  }
0xab: {  	_ =	swait.ge [sflag:s31], $0x500  }
0xac: {  	[sflag:s31] =	ssyncset.done $0x0  }
0xad: {  	[sflag:s31] =	ssyncadd.s32 $0xFFFFFB00  }
0xae: {  	_ =	swait.ge [sflag:s1], $0x500  }
0xaf: {  	[sflag:s1] =	ssyncset.done $0x0  }
0xb0: {  	[sflag:s1] =	ssyncadd.s32 $0xFFFFFB00  }
0xb1: {  	_ =	swait.ge [sflag:s0], $0x500  }
0xb2: {  	[sflag:s0] =	ssyncset.done $0x0  }
0xb3: {  	[sflag:s0] =	ssyncadd.s32 $0xFFFFFB00  }
0xb4: {  	_ =	swait.ge [sflag:s18], $0x500  }
0xb5: {  	[sflag:s18] =	ssyncset.done $0x0  }
0xb6: {  	[sflag:s18] =	ssyncadd.s32 $0xFFFFFB00  }
0xb7: {  	_ =	swait.ge [sflag:s19], $0x500  }
0xb8: {  	s20 =	sadd.s32 $0x1, s20;
	[sflag:s19] =	ssyncset.done $0x0  }
0xb9: {  	p0 =	sne.s32 s20, s10;
	[sflag:s19] =	ssyncadd.s32 $0xFFFFFB00  }
.Ltmp1:
0xba: {  	[bflag:$0x0] =	sbarrier.arrive $0xFFFF;
	(pc) =	sbr.rel @p0 .LBB2_1-.Ltmp1, $4  }
0xbb: {  	[hbm:s9], [sflag:s15] =	dma.local [spmem:s16], $0x4F0  }
0xbc: {  	_ =	swait.ge [sflag:s12], $0x4F0  }
0xbd: {  	[sflag:s12] =	ssyncset.done $0x0  }
0xbe: {  	[sflag:s12] =	ssyncadd.s32 $0xFFFFFB10  }
0xbf: {  	_ =	sfence.sel $0x180000  }
0xc0: {  	[bflag:$0x0] =	sbarrier.arrive $0xFFFF  }
0xc1: {  	_ =	strace $0x90000047  }
0xc2: {  	s0 =	stileid.u32;
	[bflag:$0x2] =	sbarrier.arrive $0xFFFF  }
0xc3: {  	p0 =	sne.s32 s0, $0x0;
	s0 =	rddreg [dreg:$0x2]  }
0xc4: {  	s0 =	sadd.s32 @!p0 $0x100000, s0  }
0xc5: {  	[sflag:s0] =	ssyncadd.tile.s32 @!p0 $0x1;
	_ =	shalt  }
.Lfunc_end2:
_tile_overlayer_lowered:
.L_overlay_start_2:
0xc6: {  	(tag) =	ssettag $0x2  }
0xc7: {  	s0 =	rddreg [dreg:$0x0];
	s2 =	stileid.u32  }
0xc8: {  	s1 =	rddreg [dreg:$0x1];
	p0 =	sne.s32 s2, $0x0  }
0xc9: {  	s3 =	rddreg [dreg:$0x2];
	[bflag:$0x3] =	sbarrier.arrive $0xFFFF;
	s2 =	simm.s32 @!p0 $0x1C0B  }
0xca: {  	[timem:s3], [sflag:s2] =	dma.local @!p0 [hbm:s0], s1  }
0xcb: {  	s0 =	simm.s32 @!p0 $0xB  }
0xcc: {  	_ =	swait.ge @!p0 [sflag:s0], s1  }
0xcd: {  	s1 =	ssub.s32 @!p0 $0x0, s1;
	[sflag:s0] =	ssyncset.done @!p0 $0x0  }
0xce: {  	[sflag:s0] =	ssyncadd.s32 @!p0 s1  }
0xcf: {  	[bflag:$0x3] =	sbarrier.arrive $0xFFFF  }
0xd0: {  	_ =	shalt  }

</sc_bundles>
